<compile_context>
chip_gen: v7x
topology: tpu7x:2x2x1
jax: 0.10.2.dev20260603
libtpu: 0.0.44.dev20260713+nightly
codegen_flags: <defaults>
</compile_context>

<pallas_src>
import functools

import jax
import jax.numpy as jnp
from jax import lax
from jax.experimental import pallas as pl
from jax.experimental.pallas import tpu as pltpu
from jax.experimental.pallas import tpu_sc as plsc

N = 10000
D = 128
DH = D // 2
NP = 10240
NC = 2
NS = 16
NW = NC * NS
EB = 128
NBLK = 80
EPAD = NW * NBLK * EB
RPT = NP // NS

_mesh = plsc.VectorSubcoreMesh(core_axis_name="c", subcore_axis_name="s")


@functools.partial(
    pl.kernel,
    out_type=jax.ShapeDtypeStruct((NC * NP, 16), jnp.float32),
    mesh=_mesh,
    scratch_types=[
        pltpu.VMEM((EB, 16), jnp.float32),
        pltpu.VMEM((EB, 16), jnp.float32),
        pltpu.VMEM((NBLK, EB), jnp.int32),
        pltpu.VMEM_SHARED((NP, 16), jnp.float32),
    ],
    compiler_params=pltpu.CompilerParams(use_tc_tiling_on_sc=False),
)
def _deg_kernel(dst_hbm, out_hbm, ones_v, zero_v, didx, acc):
    c = lax.axis_index("c")
    s = lax.axis_index("s")
    wid = c * NS + s

    @pl.loop(0, EB)
    def _fill(r):
        ones_v[r, :] = jnp.ones((16,), jnp.float32)
        zero_v[r, :] = jnp.zeros((16,), jnp.float32)

    for k in range(RPT // EB):
        pltpu.sync_copy(zero_v, acc.at[pl.ds(s * RPT + k * EB, EB)])
    plsc.subcore_barrier()

    pltpu.sync_copy(dst_hbm.at[pl.ds(wid * NBLK, NBLK)], didx)

    @pl.loop(0, NBLK)
    def _hist(i):
        pltpu.sync_copy(ones_v, acc.at[didx.at[i]], add=True)

    plsc.subcore_barrier()
    pltpu.sync_copy(acc.at[pl.ds(s * RPT, RPT)],
                    out_hbm.at[pl.ds(c * NP + s * RPT, RPT)])


@functools.partial(
    pl.kernel,
    out_type=[jax.ShapeDtypeStruct((NC * NP, DH), jnp.float32),
              jax.ShapeDtypeStruct((NC * NP, DH), jnp.float32)],
    mesh=_mesh,
    scratch_types=[
        pltpu.VMEM((NBLK + 1, EB), jnp.int32),
        pltpu.VMEM((NBLK, EB), jnp.int32),
        pltpu.VMEM((EB, DH), jnp.float32),
        pltpu.VMEM((EB, DH), jnp.float32),
        pltpu.VMEM((EB, DH), jnp.float32),
        pltpu.VMEM_SHARED((NP, DH), jnp.float32),
        pltpu.SemaphoreType.DMA,
        pltpu.SemaphoreType.DMA,
    ],
    compiler_params=pltpu.CompilerParams(use_tc_tiling_on_sc=False),
)
def _agg_kernel(h0_hbm, h1_hbm, src_hbm, dst_hbm, out0_hbm, out1_hbm,
                sidx, didx, rows0, rows1, zbuf, acc, gsem0, gsem1):
    c = lax.axis_index("c")
    s = lax.axis_index("s")
    wid = c * NS + s

    @pl.loop(0, EB)
    def _zero(r):
        for j in range(DH // 16):
            zbuf[r, pl.ds(j * 16, 16)] = jnp.zeros((16,), jnp.float32)

    for j in range(EB // 16):
        sidx[NBLK, pl.ds(j * 16, 16)] = jnp.zeros((16,), jnp.int32)

    pltpu.sync_copy(src_hbm.at[pl.ds(wid * NBLK, NBLK)],
                    sidx.at[pl.ds(0, NBLK)])
    pltpu.sync_copy(dst_hbm.at[pl.ds(wid * NBLK, NBLK)], didx)

    for h_hbm, out_hbm in ((h0_hbm, out0_hbm), (h1_hbm, out1_hbm)):
        for k in range(RPT // EB):
            pltpu.sync_copy(zbuf, acc.at[pl.ds(s * RPT + k * EB, EB)])
        plsc.subcore_barrier()

        pltpu.async_copy(h_hbm.at[sidx.at[0]], rows0, gsem0)

        @pl.loop(0, NBLK, step=2)
        def _body(i):
            pltpu.async_copy(h_hbm.at[sidx.at[i + 1]], rows1, gsem1)
            pltpu.make_async_copy(h_hbm.at[sidx.at[i]], rows0, gsem0).wait()
            pltpu.sync_copy(rows0, acc.at[didx.at[i]], add=True)
            pltpu.async_copy(h_hbm.at[sidx.at[i + 2]], rows0, gsem0)
            pltpu.make_async_copy(h_hbm.at[sidx.at[i + 1]], rows1,
                                  gsem1).wait()
            pltpu.sync_copy(rows1, acc.at[didx.at[i + 1]], add=True)

        pltpu.make_async_copy(h_hbm.at[sidx.at[0]], rows0, gsem0).wait()

        plsc.subcore_barrier()
        pltpu.sync_copy(acc.at[pl.ds(s * RPT, RPT)],
                        out_hbm.at[pl.ds(c * NP + s * RPT, RPT)])
        plsc.subcore_barrier()


BR = 256


def _mm_scale_body(x_ref, w_ref, deg_ref, o0_ref, o1_ref):
    dis = lax.rsqrt(deg_ref[...])
    h = jnp.dot(x_ref[...], w_ref[...], preferred_element_type=jnp.float32)
    h = h * dis
    o0_ref[...] = h[:, :DH]
    o1_ref[...] = h[:, DH:]


def _mm_scale(xp, W, degcol):
    return pl.pallas_call(
        _mm_scale_body,
        grid=(NP // BR,),
        in_specs=[
            pl.BlockSpec((BR, D), lambda i: (i, 0)),
            pl.BlockSpec((D, D), lambda i: (0, 0)),
            pl.BlockSpec((BR, 1), lambda i: (i, 0)),
        ],
        out_specs=[pl.BlockSpec((BR, DH), lambda i: (i, 0)),
                   pl.BlockSpec((BR, DH), lambda i: (i, 0))],
        out_shape=[jax.ShapeDtypeStruct((NP, DH), jnp.float32),
                   jax.ShapeDtypeStruct((NP, DH), jnp.float32)],
    )(xp, W, degcol)


def _mid_body(p0_ref, p1_ref, h0_ref, h1_ref, deg_ref, b_ref, w_ref,
              o0_ref, o1_ref):
    dis = lax.rsqrt(deg_ref[...])
    agg0 = p0_ref[0] + p0_ref[1] + h0_ref[...]
    agg1 = p1_ref[0] + p1_ref[1] + h1_ref[...]
    agg = jnp.concatenate([agg0, agg1], axis=1)
    z = jnp.maximum(agg * dis + b_ref[...], 0.0)
    h2 = jnp.dot(z, w_ref[...], preferred_element_type=jnp.float32)
    h2 = h2 * dis
    o0_ref[...] = h2[:, :DH]
    o1_ref[...] = h2[:, DH:]


def _mid(p0, p1, h0, h1, degcol, b1, W2):
    return pl.pallas_call(
        _mid_body,
        grid=(NP // BR,),
        in_specs=[
            pl.BlockSpec((2, BR, DH), lambda i: (0, i, 0)),
            pl.BlockSpec((2, BR, DH), lambda i: (0, i, 0)),
            pl.BlockSpec((BR, DH), lambda i: (i, 0)),
            pl.BlockSpec((BR, DH), lambda i: (i, 0)),
            pl.BlockSpec((BR, 1), lambda i: (i, 0)),
            pl.BlockSpec((1, D), lambda i: (0, 0)),
            pl.BlockSpec((D, D), lambda i: (0, 0)),
        ],
        out_specs=[pl.BlockSpec((BR, DH), lambda i: (i, 0)),
                   pl.BlockSpec((BR, DH), lambda i: (i, 0))],
        out_shape=[jax.ShapeDtypeStruct((NP, DH), jnp.float32),
                   jax.ShapeDtypeStruct((NP, DH), jnp.float32)],
    )(p0, p1, h0, h1, degcol, b1, W2)


def _final_body(p0_ref, p1_ref, h0_ref, h1_ref, deg_ref, b_ref, o_ref):
    dis = lax.rsqrt(deg_ref[...])
    agg0 = p0_ref[0] + p0_ref[1] + h0_ref[...]
    agg1 = p1_ref[0] + p1_ref[1] + h1_ref[...]
    agg = jnp.concatenate([agg0, agg1], axis=1)
    o_ref[...] = agg * dis + b_ref[...]


def _final(p0, p1, h0, h1, degcol, b2):
    return pl.pallas_call(
        _final_body,
        grid=(NP // BR,),
        in_specs=[
            pl.BlockSpec((2, BR, DH), lambda i: (0, i, 0)),
            pl.BlockSpec((2, BR, DH), lambda i: (0, i, 0)),
            pl.BlockSpec((BR, DH), lambda i: (i, 0)),
            pl.BlockSpec((BR, DH), lambda i: (i, 0)),
            pl.BlockSpec((BR, 1), lambda i: (i, 0)),
            pl.BlockSpec((1, D), lambda i: (0, 0)),
        ],
        out_specs=pl.BlockSpec((BR, D), lambda i: (i, 0)),
        out_shape=jax.ShapeDtypeStruct((NP, D), jnp.float32),
    )(p0, p1, h0, h1, degcol, b2)


def kernel(x, edge_index, W1, b1, W2, b2):
    E = edge_index.shape[1]
    pad = EPAD - E
    src = jnp.concatenate(
        [edge_index[0], jnp.zeros((pad,), edge_index.dtype)]).reshape(
            NW * NBLK, EB)
    dst = jnp.concatenate(
        [edge_index[1], jnp.full((pad,), N, edge_index.dtype)]).reshape(
            NW * NBLK, EB)
    xp = jnp.pad(x, ((0, NP - N), (0, 0)))

    degp = _deg_kernel(dst).reshape(NC, NP, 16)
    degcol = degp[0, :, 0:1] + degp[1, :, 0:1] + 1.0

    h1a, h1b = _mm_scale(xp, W1, degcol)
    q0, q1 = _agg_kernel(h1a, h1b, src, dst)
    h2a, h2b = _mid(q0.reshape(NC, NP, DH), q1.reshape(NC, NP, DH),
                    h1a, h1b, degcol, b1[None, :], W2)
    q0, q1 = _agg_kernel(h2a, h2b, src, dst)
    out = _final(q0.reshape(NC, NP, DH), q1.reshape(NC, NP, DH),
                 h2a, h2b, degcol, b2[None, :])
    return out[:N]

# --- scband reference (transcript-rebuilt; emitter-appended) ---
"""Pipeline reference for scband-encoder-32796370272476 (READ-ONLY COPY).

The authoritative reference and input builder live on the scoring server;
editing this copy changes nothing except your own understanding.
"""

import jax, jax.numpy as jnp
import numpy as np

N = 10000
E = 320000
D_IN = 128
D_HID = 128
D_OUT = 128


def _glorot(key, shape):
    fan_in, fan_out = shape[0], shape[1]
    limit = float(np.sqrt(6.0 / (fan_in + fan_out)))
    return jax.random.uniform(key, shape, dtype=jnp.float32, minval=-limit, maxval=limit)


def setup_inputs(seed: int = 0) -> dict:
    key = jax.random.key(seed)
    k1, k2, k3, k4 = jax.random.split(key, 4)
    x = jax.random.normal(k1, (N, D_IN), dtype=jnp.float32)
    edge_index = jax.random.randint(k2, (2, E), 0, N, dtype=jnp.int32)
    W1 = _glorot(k3, (D_IN, D_HID))
    b1 = jnp.zeros((D_HID,), dtype=jnp.float32)
    W2 = _glorot(k4, (D_HID, D_OUT))
    b2 = jnp.zeros((D_OUT,), dtype=jnp.float32)
    return {"x": x, "edge_index": edge_index, "W1": W1, "b1": b1, "W2": W2, "b2": b2}


def _gcn_conv(x, edge_index, W, b):
    # GCNConv: add self-loops, symmetric normalization, linear transform,
    # scatter-add aggregation over destination nodes, bias.
    n = x.shape[0]
    src, dst = edge_index[0], edge_index[1]
    loop = jnp.arange(n, dtype=src.dtype)
    src = jnp.concatenate([src, loop])
    dst = jnp.concatenate([dst, loop])
    deg = jnp.zeros((n,), dtype=x.dtype).at[dst].add(1.0)
    deg_inv_sqrt = 1.0 / jnp.sqrt(jnp.clip(deg, 1.0))
    norm = deg_inv_sqrt[src] * deg_inv_sqrt[dst]
    h = x @ W
    msg = h[src] * norm[:, None]
    out = jnp.zeros((n, h.shape[1]), dtype=x.dtype).at[dst].add(msg)
    return out + b


def reference(x, edge_index, W1, b1, W2, b2):
    h = jax.nn.relu(_gcn_conv(x, edge_index, W1, b1))
    out = _gcn_conv(h, edge_index, W2, b2)
    return out

if __name__ == "__main__":
    import jax
    _d = setup_inputs()
    print(jax.jit(kernel)(*tuple(_d.values())))

</pallas_src>

<mosaic_0001>
#map = affine_map<(d0, d1) -> (0, 0)>
module attributes {stable_mosaic.version = 14 : i64} {
  func.func @_agg_kernel(%arg0: i32, %arg1: i32, %arg2: memref<10240x64xf32, #tpu.memory_space<hbm>>, %arg3: memref<10240x64xf32, #tpu.memory_space<hbm>>, %arg4: memref<2560x128xi32, #tpu.memory_space<hbm>>, %arg5: memref<2560x128xi32, #tpu.memory_space<hbm>>, %arg6: memref<20480x64xf32, #tpu.memory_space<hbm>>, %arg7: memref<20480x64xf32, #tpu.memory_space<hbm>>, %arg8: memref<81x128xi32, #tpu.memory_space<vmem>>, %arg9: memref<80x128xi32, #tpu.memory_space<vmem>>, %arg10: memref<128x64xf32, #tpu.memory_space<vmem>>, %arg11: memref<128x64xf32, #tpu.memory_space<vmem>>, %arg12: memref<128x64xf32, #tpu.memory_space<vmem>>, %arg13: memref<10240x64xf32, #tpu.memory_space<vmem_shared>>, %arg14: memref<!tpu.dma_semaphore, #tpu.memory_space<semaphore_mem>>, %arg15: memref<!tpu.dma_semaphore, #tpu.memory_space<semaphore_mem>>) attributes {dimension_semantics = [#tpu.dimension_semantics<core_parallel>, #tpu.dimension_semantics<subcore_parallel>], iteration_bounds = array<i64: 2, 16>, scalar_prefetch = 0 : i64, scratch_operands = 8 : i64, tpu.core_type = #tpu.core_type<sc_vector_subcore>, window_params = [{transform_indices = #map}, {transform_indices = #map}, {transform_indices = #map}, {transform_indices = #map}, {transform_indices = #map}, {transform_indices = #map}]} {
    %mul3A = arith.constant 16 : i32
    %mul3A_0 = arith.muli %arg0, %mul3A : i32
    %add3A = arith.addi %mul3A_0, %arg1 : i32
    %scan3A = arith.constant 0 : i32
    %scan3A_1 = arith.constant 128 : i32
    %scan3A_2 = arith.addi %scan3A, %scan3A_1 : i32
    %scan3A_3 = arith.constant 1 : i32
    scf.for %scan3A_166 = %scan3A to %scan3A_2 step %scan3A_3  : i32 {
      %mul3A_167 = arith.constant 1 : i32
      %mul3A_168 = arith.muli %scan3A_166, %mul3A_167 : i32
      %add3A_169 = arith.constant 0 : i32
      %add3A_170 = arith.addi %add3A_169, %mul3A_168 : i32
      %broadcast_in_dim3A_171 = arith.constant 0.000000e+00 : f32
      %broadcast_in_dim3A_172 = vector.broadcast %broadcast_in_dim3A_171 : f32 to vector<16xf32>
      %swap3A_173 = arith.index_cast %add3A_170 : i32 to index
      %swap3A_174 = arith.constant 0 : index
      %swap3A_175 = tpu.vector_load %arg12[%swap3A_173, %swap3A_174] {strides = array<i32>} : memref<128x64xf32, #tpu.memory_space<vmem>>, vector<1x16xf32>,
      %swap3A_176 = vector.shape_cast %swap3A_175 : vector<1x16xf32> to vector<16xf32>
      %swap3A_177 = vector.shape_cast %broadcast_in_dim3A_172 : vector<16xf32> to vector<1x16xf32>
      tpu.vector_store %arg12[%swap3A_173, %swap3A_174], %swap3A_177 {strides = array<i32>} : memref<128x64xf32, #tpu.memory_space<vmem>>, vector<1x16xf32>,
      %broadcast_in_dim3A_178 = arith.constant 0.000000e+00 : f32
      %broadcast_in_dim3A_179 = vector.broadcast %broadcast_in_dim3A_178 : f32 to vector<16xf32>
      %swap3A_180 = arith.index_cast %add3A_170 : i32 to index
      %swap3A_181 = arith.constant 16 : index
      %swap3A_182 = tpu.vector_load %arg12[%swap3A_180, %swap3A_181] {strides = array<i32>} : memref<128x64xf32, #tpu.memory_space<vmem>>, vector<1x16xf32>,
      %swap3A_183 = vector.shape_cast %swap3A_182 : vector<1x16xf32> to vector<16xf32>
      %swap3A_184 = vector.shape_cast %broadcast_in_dim3A_179 : vector<16xf32> to vector<1x16xf32>
      tpu.vector_store %arg12[%swap3A_180, %swap3A_181], %swap3A_184 {strides = array<i32>} : memref<128x64xf32, #tpu.memory_space<vmem>>, vector<1x16xf32>,
      %broadcast_in_dim3A_185 = arith.constant 0.000000e+00 : f32
      %broadcast_in_dim3A_186 = vector.broadcast %broadcast_in_dim3A_185 : f32 to vector<16xf32>
      %swap3A_187 = arith.index_cast %add3A_170 : i32 to index
      %swap3A_188 = arith.constant 32 : index
      %swap3A_189 = tpu.vector_load %arg12[%swap3A_187, %swap3A_188] {strides = array<i32>} : memref<128x64xf32, #tpu.memory_space<vmem>>, vector<1x16xf32>,
      %swap3A_190 = vector.shape_cast %swap3A_189 : vector<1x16xf32> to vector<16xf32>
      %swap3A_191 = vector.shape_cast %broadcast_in_dim3A_186 : vector<16xf32> to vector<1x16xf32>
      tpu.vector_store %arg12[%swap3A_187, %swap3A_188], %swap3A_191 {strides = array<i32>} : memref<128x64xf32, #tpu.memory_space<vmem>>, vector<1x16xf32>,
      %broadcast_in_dim3A_192 = arith.constant 0.000000e+00 : f32
      %broadcast_in_dim3A_193 = vector.broadcast %broadcast_in_dim3A_192 : f32 to vector<16xf32>
      %swap3A_194 = arith.index_cast %add3A_170 : i32 to index
      %swap3A_195 = arith.constant 48 : index
      %swap3A_196 = tpu.vector_load %arg12[%swap3A_194, %swap3A_195] {strides = array<i32>} : memref<128x64xf32, #tpu.memory_space<vmem>>, vector<1x16xf32>,
      %swap3A_197 = vector.shape_cast %swap3A_196 : vector<1x16xf32> to vector<16xf32>
      %swap3A_198 = vector.shape_cast %broadcast_in_dim3A_193 : vector<16xf32> to vector<1x16xf32>
      tpu.vector_store %arg12[%swap3A_194, %swap3A_195], %swap3A_198 {strides = array<i32>} : memref<128x64xf32, #tpu.memory_space<vmem>>, vector<1x16xf32>,
    }
    %scan3A_4 = arith.constant 128 : i32
    %broadcast_in_dim3A = arith.constant 0 : i32
    %broadcast_in_dim3A_5 = vector.broadcast %broadcast_in_dim3A : i32 to vector<16xi32>
    %swap3A = arith.constant 80 : i32
    %swap3A_6 = arith.index_cast %swap3A : i32 to index
    %swap3A_7 = arith.constant 0 : index
    %swap3A_8 = tpu.vector_load %arg8[%swap3A_6, %swap3A_7] {strides = array<i32>} : memref<81x128xi32, #tpu.memory_space<vmem>>, vector<1x16xi32>,
    %swap3A_9 = vector.shape_cast %swap3A_8 : vector<1x16xi32> to vector<16xi32>
    %swap3A_10 = vector.shape_cast %broadcast_in_dim3A_5 : vector<16xi32> to vector<1x16xi32>
    tpu.vector_store %arg8[%swap3A_6, %swap3A_7], %swap3A_10 {strides = array<i32>} : memref<81x128xi32, #tpu.memory_space<vmem>>, vector<1x16xi32>,
    %broadcast_in_dim3A_11 = arith.constant 0 : i32
    %broadcast_in_dim3A_12 = vector.broadcast %broadcast_in_dim3A_11 : i32 to vector<16xi32>
    %swap3A_13 = arith.constant 80 : i32
    %swap3A_14 = arith.index_cast %swap3A_13 : i32 to index
    %swap3A_15 = arith.constant 16 : index
    %swap3A_16 = tpu.vector_load %arg8[%swap3A_14, %swap3A_15] {strides = array<i32>} : memref<81x128xi32, #tpu.memory_space<vmem>>, vector<1x16xi32>,
    %swap3A_17 = vector.shape_cast %swap3A_16 : vector<1x16xi32> to vector<16xi32>
    %swap3A_18 = vector.shape_cast %broadcast_in_dim3A_12 : vector<16xi32> to vector<1x16xi32>
    tpu.vector_store %arg8[%swap3A_14, %swap3A_15], %swap3A_18 {strides = array<i32>} : memref<81x128xi32, #tpu.memory_space<vmem>>, vector<1x16xi32>,
    %broadcast_in_dim3A_19 = arith.constant 0 : i32
    %broadcast_in_dim3A_20 = vector.broadcast %broadcast_in_dim3A_19 : i32 to vector<16xi32>
    %swap3A_21 = arith.constant 80 : i32
    %swap3A_22 = arith.index_cast %swap3A_21 : i32 to index
    %swap3A_23 = arith.constant 32 : index
    %swap3A_24 = tpu.vector_load %arg8[%swap3A_22, %swap3A_23] {strides = array<i32>} : memref<81x128xi32, #tpu.memory_space<vmem>>, vector<1x16xi32>,
    %swap3A_25 = vector.shape_cast %swap3A_24 : vector<1x16xi32> to vector<16xi32>
    %swap3A_26 = vector.shape_cast %broadcast_in_dim3A_20 : vector<16xi32> to vector<1x16xi32>
    tpu.vector_store %arg8[%swap3A_22, %swap3A_23], %swap3A_26 {strides = array<i32>} : memref<81x128xi32, #tpu.memory_space<vmem>>, vector<1x16xi32>,
    %broadcast_in_dim3A_27 = arith.constant 0 : i32
    %broadcast_in_dim3A_28 = vector.broadcast %broadcast_in_dim3A_27 : i32 to vector<16xi32>
    %swap3A_29 = arith.constant 80 : i32
    %swap3A_30 = arith.index_cast %swap3A_29 : i32 to index
    %swap3A_31 = arith.constant 48 : index
    %swap3A_32 = tpu.vector_load %arg8[%swap3A_30, %swap3A_31] {strides = array<i32>} : memref<81x128xi32, #tpu.memory_space<vmem>>, vector<1x16xi32>,
    %swap3A_33 = vector.shape_cast %swap3A_32 : vector<1x16xi32> to vector<16xi32>
    %swap3A_34 = vector.shape_cast %broadcast_in_dim3A_28 : vector<16xi32> to vector<1x16xi32>
    tpu.vector_store %arg8[%swap3A_30, %swap3A_31], %swap3A_34 {strides = array<i32>} : memref<81x128xi32, #tpu.memory_space<vmem>>, vector<1x16xi32>,
    %broadcast_in_dim3A_35 = arith.constant 0 : i32
    %broadcast_in_dim3A_36 = vector.broadcast %broadcast_in_dim3A_35 : i32 to vector<16xi32>
    %swap3A_37 = arith.constant 80 : i32
    %swap3A_38 = arith.index_cast %swap3A_37 : i32 to index
    %swap3A_39 = arith.constant 64 : index
    %swap3A_40 = tpu.vector_load %arg8[%swap3A_38, %swap3A_39] {strides = array<i32>} : memref<81x128xi32, #tpu.memory_space<vmem>>, vector<1x16xi32>,
    %swap3A_41 = vector.shape_cast %swap3A_40 : vector<1x16xi32> to vector<16xi32>
    %swap3A_42 = vector.shape_cast %broadcast_in_dim3A_36 : vector<16xi32> to vector<1x16xi32>
    tpu.vector_store %arg8[%swap3A_38, %swap3A_39], %swap3A_42 {strides = array<i32>} : memref<81x128xi32, #tpu.memory_space<vmem>>, vector<1x16xi32>,
    %broadcast_in_dim3A_43 = arith.constant 0 : i32
    %broadcast_in_dim3A_44 = vector.broadcast %broadcast_in_dim3A_43 : i32 to vector<16xi32>
    %swap3A_45 = arith.constant 80 : i32
    %swap3A_46 = arith.index_cast %swap3A_45 : i32 to index
    %swap3A_47 = arith.constant 80 : index
    %swap3A_48 = tpu.vector_load %arg8[%swap3A_46, %swap3A_47] {strides = array<i32>} : memref<81x128xi32, #tpu.memory_space<vmem>>, vector<1x16xi32>,
    %swap3A_49 = vector.shape_cast %swap3A_48 : vector<1x16xi32> to vector<16xi32>
    %swap3A_50 = vector.shape_cast %broadcast_in_dim3A_44 : vector<16xi32> to vector<1x16xi32>
    tpu.vector_store %arg8[%swap3A_46, %swap3A_47], %swap3A_50 {strides = array<i32>} : memref<81x128xi32, #tpu.memory_space<vmem>>, vector<1x16xi32>,
    %broadcast_in_dim3A_51 = arith.constant 0 : i32
    %broadcast_in_dim3A_52 = vector.broadcast %broadcast_in_dim3A_51 : i32 to vector<16xi32>
    %swap3A_53 = arith.constant 80 : i32
    %swap3A_54 = arith.index_cast %swap3A_53 : i32 to index
    %swap3A_55 = arith.constant 96 : index
    %swap3A_56 = tpu.vector_load %arg8[%swap3A_54, %swap3A_55] {strides = array<i32>} : memref<81x128xi32, #tpu.memory_space<vmem>>, vector<1x16xi32>,
    %swap3A_57 = vector.shape_cast %swap3A_56 : vector<1x16xi32> to vector<16xi32>
    %swap3A_58 = vector.shape_cast %broadcast_in_dim3A_52 : vector<16xi32> to vector<1x16xi32>
    tpu.vector_store %arg8[%swap3A_54, %swap3A_55], %swap3A_58 {strides = array<i32>} : memref<81x128xi32, #tpu.memory_space<vmem>>, vector<1x16xi32>,
    %broadcast_in_dim3A_59 = arith.constant 0 : i32
    %broadcast_in_dim3A_60 = vector.broadcast %broadcast_in_dim3A_59 : i32 to vector<16xi32>
    %swap3A_61 = arith.constant 80 : i32
    %swap3A_62 = arith.index_cast %swap3A_61 : i32 to index
    %swap3A_63 = arith.constant 112 : index
    %swap3A_64 = tpu.vector_load %arg8[%swap3A_62, %swap3A_63] {strides = array<i32>} : memref<81x128xi32, #tpu.memory_space<vmem>>, vector<1x16xi32>,
    %swap3A_65 = vector.shape_cast %swap3A_64 : vector<1x16xi32> to vector<16xi32>
    %swap3A_66 = vector.shape_cast %broadcast_in_dim3A_60 : vector<16xi32> to vector<1x16xi32>
    tpu.vector_store %arg8[%swap3A_62, %swap3A_63], %swap3A_66 {strides = array<i32>} : memref<81x128xi32, #tpu.memory_space<vmem>>, vector<1x16xi32>,
    %mul3A_67 = arith.constant 80 : i32
    %mul3A_68 = arith.muli %add3A, %mul3A_67 : i32
    "tpu.region"() ({
      %run_scoped3A = tpu.sem_alloc : memref<!tpu.dma_semaphore, #tpu.memory_space<semaphore_mem>>
      %dma_start3A_166 = arith.constant 0 : i32
      %dma_start3A_167 = arith.constant 0 : i32
      %dma_start3A_168 = tpu.memref_slice %arg8[%dma_start3A_166, %dma_start3A_167] : memref<81x128xi32, #tpu.memory_space<vmem>> -> memref<80x128xi32, #tpu.memory_space<vmem>>
      %dma_start3A_169 = arith.constant 0 : i32
      %dma_start3A_170 = tpu.memref_slice %arg4[%mul3A_68, %dma_start3A_169] : memref<2560x128xi32, #tpu.memory_space<hbm>> -> memref<80x128xi32, #tpu.memory_space<hbm>>
      %dma_start3A_171 = arith.constant 0 : i32
      %dma_start3A_172 = arith.constant 0 : i32
      %dma_start3A_173 = tpu.memref_slice %arg8[%dma_start3A_171, %dma_start3A_172] : memref<81x128xi32, #tpu.memory_space<vmem>> -> memref<80x128xi32, #tpu.memory_space<vmem>>
      %dma_start3A_174 = arith.constant 0 : i32
      %dma_start3A_175 = tpu.memref_slice %arg4[%mul3A_68, %dma_start3A_174] : memref<2560x128xi32, #tpu.memory_space<hbm>> -> memref<80x128xi32, #tpu.memory_space<hbm>>
      tpu.enqueue_dma source(%dma_start3A_175 : memref<80x128xi32, #tpu.memory_space<hbm>>) target(%dma_start3A_173 : memref<80x128xi32, #tpu.memory_space<vmem>>) target_semaphore(%run_scoped3A : memref<!tpu.dma_semaphore, #tpu.memory_space<semaphore_mem>>)
      %dma_wait3A_176 = arith.constant 0 : i32
      %dma_wait3A_177 = arith.constant 0 : i32
      %dma_wait3A_178 = tpu.memref_slice %arg8[%dma_wait3A_176, %dma_wait3A_177] : memref<81x128xi32, #tpu.memory_space<vmem>> -> memref<80x128xi32, #tpu.memory_space<vmem>>
      %dma_wait3A_179 = arith.constant 0 : i32
      %dma_wait3A_180 = tpu.memref_slice %arg4[%mul3A_68, %dma_wait3A_179] : memref<2560x128xi32, #tpu.memory_space<hbm>> -> memref<80x128xi32, #tpu.memory_space<hbm>>
      %dma_wait3A_181 = arith.constant 0 : i32
      %dma_wait3A_182 = arith.constant 0 : i32
      %dma_wait3A_183 = tpu.memref_slice %arg8[%dma_wait3A_181, %dma_wait3A_182] : memref<81x128xi32, #tpu.memory_space<vmem>> -> memref<80x128xi32, #tpu.memory_space<vmem>>
      %dma_wait3A_184 = arith.constant 0 : i32
      %dma_wait3A_185 = tpu.memref_slice %arg4[%mul3A_68, %dma_wait3A_184] : memref<2560x128xi32, #tpu.memory_space<hbm>> -> memref<80x128xi32, #tpu.memory_space<hbm>>
      tpu.wait_dma2 semaphore(%run_scoped3A : memref<!tpu.dma_semaphore, #tpu.memory_space<semaphore_mem>>) src(%dma_wait3A_185 : memref<80x128xi32, #tpu.memory_space<hbm>>) dst(%dma_wait3A_183 : memref<80x128xi32, #tpu.memory_space<vmem>>)
      tpu.yield
    }) : () -> ()
    %mul3A_69 = arith.constant 80 : i32
    %mul3A_70 = arith.muli %add3A, %mul3A_69 : i32
    "tpu.region"() ({
      %run_scoped3A = tpu.sem_alloc : memref<!tpu.dma_semaphore, #tpu.memory_space<semaphore_mem>>
      %dma_start3A_166 = arith.constant 0 : i32
      %dma_start3A_167 = tpu.memref_slice %arg5[%mul3A_70, %dma_start3A_166] : memref<2560x128xi32, #tpu.memory_space<hbm>> -> memref<80x128xi32, #tpu.memory_space<hbm>>
      %dma_start3A_168 = arith.constant 0 : i32
      %dma_start3A_169 = tpu.memref_slice %arg5[%mul3A_70, %dma_start3A_168] : memref<2560x128xi32, #tpu.memory_space<hbm>> -> memref<80x128xi32, #tpu.memory_space<hbm>>
      tpu.enqueue_dma source(%dma_start3A_169 : memref<80x128xi32, #tpu.memory_space<hbm>>) target(%arg9 : memref<80x128xi32, #tpu.memory_space<vmem>>) target_semaphore(%run_scoped3A : memref<!tpu.dma_semaphore, #tpu.memory_space<semaphore_mem>>)
      %dma_wait3A_170 = arith.constant 0 : i32
      %dma_wait3A_171 = tpu.memref_slice %arg5[%mul3A_70, %dma_wait3A_170] : memref<2560x128xi32, #tpu.memory_space<hbm>> -> memref<80x128xi32, #tpu.memory_space<hbm>>
      %dma_wait3A_172 = arith.constant 0 : i32
      %dma_wait3A_173 = tpu.memref_slice %arg5[%mul3A_70, %dma_wait3A_172] : memref<2560x128xi32, #tpu.memory_space<hbm>> -> memref<80x128xi32, #tpu.memory_space<hbm>>
      tpu.wait_dma2 semaphore(%run_scoped3A : memref<!tpu.dma_semaphore, #tpu.memory_space<semaphore_mem>>) src(%dma_wait3A_173 : memref<80x128xi32, #tpu.memory_space<hbm>>) dst(%arg9 : memref<80x128xi32, #tpu.memory_space<vmem>>)
      tpu.yield
    }) : () -> ()
    %mul3A_71 = arith.constant 640 : i32
    %mul3A_72 = arith.muli %arg1, %mul3A_71 : i32
    %add3A_73 = arith.constant 0 : i32
    %add3A_74 = arith.addi %mul3A_72, %add3A_73 : i32
    "tpu.region"() ({
      %run_scoped3A = tpu.sem_alloc : memref<!tpu.dma_semaphore, #tpu.memory_space<semaphore_mem>>
      %dma_start3A_166 = arith.constant 0 : i32
      %dma_start3A_167 = tpu.memref_slice %arg13[%add3A_74, %dma_start3A_166] : memref<10240x64xf32, #tpu.memory_space<vmem_shared>> -> memref<128x64xf32, #tpu.memory_space<vmem_shared>>
      %dma_start3A_168 = arith.constant 0 : i32
      %dma_start3A_169 = tpu.memref_slice %arg13[%add3A_74, %dma_start3A_168] : memref<10240x64xf32, #tpu.memory_space<vmem_shared>> -> memref<128x64xf32, #tpu.memory_space<vmem_shared>>
      tpu.enqueue_dma source(%arg12 : memref<128x64xf32, #tpu.memory_space<vmem>>) target(%dma_start3A_169 : memref<128x64xf32, #tpu.memory_space<vmem_shared>>) target_semaphore(%run_scoped3A : memref<!tpu.dma_semaphore, #tpu.memory_space<semaphore_mem>>)
      %dma_wait3A_170 = arith.constant 0 : i32
      %dma_wait3A_171 = tpu.memref_slice %arg13[%add3A_74, %dma_wait3A_170] : memref<10240x64xf32, #tpu.memory_space<vmem_shared>> -> memref<128x64xf32, #tpu.memory_space<vmem_shared>>
      %dma_wait3A_172 = arith.constant 0 : i32
      %dma_wait3A_173 = tpu.memref_slice %arg13[%add3A_74, %dma_wait3A_172] : memref<10240x64xf32, #tpu.memory_space<vmem_shared>> -> memref<128x64xf32, #tpu.memory_space<vmem_shared>>
      tpu.wait_dma2 semaphore(%run_scoped3A : memref<!tpu.dma_semaphore, #tpu.memory_space<semaphore_mem>>) src(%arg12 : memref<128x64xf32, #tpu.memory_space<vmem>>) dst(%dma_wait3A_173 : memref<128x64xf32, #tpu.memory_space<vmem_shared>>)
      tpu.yield
    }) : () -> ()
    %mul3A_75 = arith.constant 640 : i32
    %mul3A_76 = arith.muli %arg1, %mul3A_75 : i32
    %add3A_77 = arith.constant 128 : i32
    %add3A_78 = arith.addi %mul3A_76, %add3A_77 : i32
    "tpu.region"() ({
      %run_scoped3A = tpu.sem_alloc : memref<!tpu.dma_semaphore, #tpu.memory_space<semaphore_mem>>
      %dma_start3A_166 = arith.constant 0 : i32
      %dma_start3A_167 = tpu.memref_slice %arg13[%add3A_78, %dma_start3A_166] : memref<10240x64xf32, #tpu.memory_space<vmem_shared>> -> memref<128x64xf32, #tpu.memory_space<vmem_shared>>
      %dma_start3A_168 = arith.constant 0 : i32
      %dma_start3A_169 = tpu.memref_slice %arg13[%add3A_78, %dma_start3A_168] : memref<10240x64xf32, #tpu.memory_space<vmem_shared>> -> memref<128x64xf32, #tpu.memory_space<vmem_shared>>
      tpu.enqueue_dma source(%arg12 : memref<128x64xf32, #tpu.memory_space<vmem>>) target(%dma_start3A_169 : memref<128x64xf32, #tpu.memory_space<vmem_shared>>) target_semaphore(%run_scoped3A : memref<!tpu.dma_semaphore, #tpu.memory_space<semaphore_mem>>)
      %dma_wait3A_170 = arith.constant 0 : i32
      %dma_wait3A_171 = tpu.memref_slice %arg13[%add3A_78, %dma_wait3A_170] : memref<10240x64xf32, #tpu.memory_space<vmem_shared>> -> memref<128x64xf32, #tpu.memory_space<vmem_shared>>
      %dma_wait3A_172 = arith.constant 0 : i32
      %dma_wait3A_173 = tpu.memref_slice %arg13[%add3A_78, %dma_wait3A_172] : memref<10240x64xf32, #tpu.memory_space<vmem_shared>> -> memref<128x64xf32, #tpu.memory_space<vmem_shared>>
      tpu.wait_dma2 semaphore(%run_scoped3A : memref<!tpu.dma_semaphore, #tpu.memory_space<semaphore_mem>>) src(%arg12 : memref<128x64xf32, #tpu.memory_space<vmem>>) dst(%dma_wait3A_173 : memref<128x64xf32, #tpu.memory_space<vmem_shared>>)
      tpu.yield
    }) : () -> ()
    %mul3A_79 = arith.constant 640 : i32
    %mul3A_80 = arith.muli %arg1, %mul3A_79 : i32
    %add3A_81 = arith.constant 256 : i32
    %add3A_82 = arith.addi %mul3A_80, %add3A_81 : i32
    "tpu.region"() ({
      %run_scoped3A = tpu.sem_alloc : memref<!tpu.dma_semaphore, #tpu.memory_space<semaphore_mem>>
      %dma_start3A_166 = arith.constant 0 : i32
      %dma_start3A_167 = tpu.memref_slice %arg13[%add3A_82, %dma_start3A_166] : memref<10240x64xf32, #tpu.memory_space<vmem_shared>> -> memref<128x64xf32, #tpu.memory_space<vmem_shared>>
      %dma_start3A_168 = arith.constant 0 : i32
      %dma_start3A_169 = tpu.memref_slice %arg13[%add3A_82, %dma_start3A_168] : memref<10240x64xf32, #tpu.memory_space<vmem_shared>> -> memref<128x64xf32, #tpu.memory_space<vmem_shared>>
      tpu.enqueue_dma source(%arg12 : memref<128x64xf32, #tpu.memory_space<vmem>>) target(%dma_start3A_169 : memref<128x64xf32, #tpu.memory_space<vmem_shared>>) target_semaphore(%run_scoped3A : memref<!tpu.dma_semaphore, #tpu.memory_space<semaphore_mem>>)
      %dma_wait3A_170 = arith.constant 0 : i32
      %dma_wait3A_171 = tpu.memref_slice %arg13[%add3A_82, %dma_wait3A_170] : memref<10240x64xf32, #tpu.memory_space<vmem_shared>> -> memref<128x64xf32, #tpu.memory_space<vmem_shared>>
      %dma_wait3A_172 = arith.constant 0 : i32
      %dma_wait3A_173 = tpu.memref_slice %arg13[%add3A_82, %dma_wait3A_172] : memref<10240x64xf32, #tpu.memory_space<vmem_shared>> -> memref<128x64xf32, #tpu.memory_space<vmem_shared>>
      tpu.wait_dma2 semaphore(%run_scoped3A : memref<!tpu.dma_semaphore, #tpu.memory_space<semaphore_mem>>) src(%arg12 : memref<128x64xf32, #tpu.memory_space<vmem>>) dst(%dma_wait3A_173 : memref<128x64xf32, #tpu.memory_space<vmem_shared>>)
      tpu.yield
    }) : () -> ()
    %mul3A_83 = arith.constant 640 : i32
    %mul3A_84 = arith.muli %arg1, %mul3A_83 : i32
    %add3A_85 = arith.constant 384 : i32
    %add3A_86 = arith.addi %mul3A_84, %add3A_85 : i32
    "tpu.region"() ({
      %run_scoped3A = tpu.sem_alloc : memref<!tpu.dma_semaphore, #tpu.memory_space<semaphore_mem>>
      %dma_start3A_166 = arith.constant 0 : i32
      %dma_start3A_167 = tpu.memref_slice %arg13[%add3A_86, %dma_start3A_166] : memref<10240x64xf32, #tpu.memory_space<vmem_shared>> -> memref<128x64xf32, #tpu.memory_space<vmem_shared>>
      %dma_start3A_168 = arith.constant 0 : i32
      %dma_start3A_169 = tpu.memref_slice %arg13[%add3A_86, %dma_start3A_168] : memref<10240x64xf32, #tpu.memory_space<vmem_shared>> -> memref<128x64xf32, #tpu.memory_space<vmem_shared>>
      tpu.enqueue_dma source(%arg12 : memref<128x64xf32, #tpu.memory_space<vmem>>) target(%dma_start3A_169 : memref<128x64xf32, #tpu.memory_space<vmem_shared>>) target_semaphore(%run_scoped3A : memref<!tpu.dma_semaphore, #tpu.memory_space<semaphore_mem>>)
      %dma_wait3A_170 = arith.constant 0 : i32
      %dma_wait3A_171 = tpu.memref_slice %arg13[%add3A_86, %dma_wait3A_170] : memref<10240x64xf32, #tpu.memory_space<vmem_shared>> -> memref<128x64xf32, #tpu.memory_space<vmem_shared>>
      %dma_wait3A_172 = arith.constant 0 : i32
      %dma_wait3A_173 = tpu.memref_slice %arg13[%add3A_86, %dma_wait3A_172] : memref<10240x64xf32, #tpu.memory_space<vmem_shared>> -> memref<128x64xf32, #tpu.memory_space<vmem_shared>>
      tpu.wait_dma2 semaphore(%run_scoped3A : memref<!tpu.dma_semaphore, #tpu.memory_space<semaphore_mem>>) src(%arg12 : memref<128x64xf32, #tpu.memory_space<vmem>>) dst(%dma_wait3A_173 : memref<128x64xf32, #tpu.memory_space<vmem_shared>>)
      tpu.yield
    }) : () -> ()
    %mul3A_87 = arith.constant 640 : i32
    %mul3A_88 = arith.muli %arg1, %mul3A_87 : i32
    %add3A_89 = arith.constant 512 : i32
    %add3A_90 = arith.addi %mul3A_88, %add3A_89 : i32
    "tpu.region"() ({
      %run_scoped3A = tpu.sem_alloc : memref<!tpu.dma_semaphore, #tpu.memory_space<semaphore_mem>>
      %dma_start3A_166 = arith.constant 0 : i32
      %dma_start3A_167 = tpu.memref_slice %arg13[%add3A_90, %dma_start3A_166] : memref<10240x64xf32, #tpu.memory_space<vmem_shared>> -> memref<128x64xf32, #tpu.memory_space<vmem_shared>>
      %dma_start3A_168 = arith.constant 0 : i32
      %dma_start3A_169 = tpu.memref_slice %arg13[%add3A_90, %dma_start3A_168] : memref<10240x64xf32, #tpu.memory_space<vmem_shared>> -> memref<128x64xf32, #tpu.memory_space<vmem_shared>>
      tpu.enqueue_dma source(%arg12 : memref<128x64xf32, #tpu.memory_space<vmem>>) target(%dma_start3A_169 : memref<128x64xf32, #tpu.memory_space<vmem_shared>>) target_semaphore(%run_scoped3A : memref<!tpu.dma_semaphore, #tpu.memory_space<semaphore_mem>>)
      %dma_wait3A_170 = arith.constant 0 : i32
      %dma_wait3A_171 = tpu.memref_slice %arg13[%add3A_90, %dma_wait3A_170] : memref<10240x64xf32, #tpu.memory_space<vmem_shared>> -> memref<128x64xf32, #tpu.memory_space<vmem_shared>>
      %dma_wait3A_172 = arith.constant 0 : i32
      %dma_wait3A_173 = tpu.memref_slice %arg13[%add3A_90, %dma_wait3A_172] : memref<10240x64xf32, #tpu.memory_space<vmem_shared>> -> memref<128x64xf32, #tpu.memory_space<vmem_shared>>
      tpu.wait_dma2 semaphore(%run_scoped3A : memref<!tpu.dma_semaphore, #tpu.memory_space<semaphore_mem>>) src(%arg12 : memref<128x64xf32, #tpu.memory_space<vmem>>) dst(%dma_wait3A_173 : memref<128x64xf32, #tpu.memory_space<vmem_shared>>)
      tpu.yield
    }) : () -> ()
    %barrier3A = arith.constant 0 : index
    tpu.barrier barrier_id(%barrier3A)
    %dma_start3A = arith.constant 0 : i32
    %dma_start3A_91 = arith.constant 0 : i32
    %dma_start3A_92 = tpu.memref_slice %arg8[%dma_start3A, %dma_start3A_91] : memref<81x128xi32, #tpu.memory_space<vmem>> -> memref<1x128xi32, #tpu.memory_space<vmem>>
    %dma_start3A_93 = tpu.memref_squeeze %dma_start3A_92 : memref<1x128xi32, #tpu.memory_space<vmem>> -> memref<128xi32, #tpu.memory_space<vmem>>
    %dma_start3A_94 = arith.constant 0 : i32
    %dma_start3A_95 = arith.constant 0 : i32
    %dma_start3A_96 = tpu.memref_slice %arg2[%dma_start3A_94, %dma_start3A_95] : memref<10240x64xf32, #tpu.memory_space<hbm>> -> memref<10240x64xf32, #tpu.memory_space<hbm>>
    tpu.enqueue_indirect_dma source(%dma_start3A_96 : memref<10240x64xf32, #tpu.memory_space<hbm>>) target(%arg10 : memref<128x64xf32, #tpu.memory_space<vmem>>) offsets(%dma_start3A_93 : memref<128xi32, #tpu.memory_space<vmem>>) semaphore(%arg14 : memref<!tpu.dma_semaphore, #tpu.memory_space<semaphore_mem>>)
    %scan3A_97 = arith.constant 0 : i32
    %scan3A_98 = arith.constant 40 : i32
    %scan3A_99 = arith.addi %scan3A_97, %scan3A_98 : i32
    %scan3A_100 = arith.constant 1 : i32
    scf.for %scan3A_166 = %scan3A_97 to %scan3A_99 step %scan3A_100  : i32 {
      %mul3A_167 = arith.constant 2 : i32
      %mul3A_168 = arith.muli %scan3A_166, %mul3A_167 : i32
      %add3A_169 = arith.constant 0 : i32
      %add3A_170 = arith.addi %add3A_169, %mul3A_168 : i32
      %add3A_171 = arith.constant 1 : i32
      %add3A_172 = arith.addi %add3A_170, %add3A_171 : i32
      %dma_start3A_173 = arith.constant 0 : i32
      %dma_start3A_174 = tpu.memref_slice %arg8[%add3A_172, %dma_start3A_173] : memref<81x128xi32, #tpu.memory_space<vmem>> -> memref<1x128xi32, #tpu.memory_space<vmem>>
      %dma_start3A_175 = tpu.memref_squeeze %dma_start3A_174 : memref<1x128xi32, #tpu.memory_space<vmem>> -> memref<128xi32, #tpu.memory_space<vmem>>
      %dma_start3A_176 = arith.constant 0 : i32
      %dma_start3A_177 = arith.constant 0 : i32
      %dma_start3A_178 = tpu.memref_slice %arg2[%dma_start3A_176, %dma_start3A_177] : memref<10240x64xf32, #tpu.memory_space<hbm>> -> memref<10240x64xf32, #tpu.memory_space<hbm>>
      tpu.enqueue_indirect_dma source(%dma_start3A_178 : memref<10240x64xf32, #tpu.memory_space<hbm>>) target(%arg11 : memref<128x64xf32, #tpu.memory_space<vmem>>) offsets(%dma_start3A_175 : memref<128xi32, #tpu.memory_space<vmem>>) semaphore(%arg15 : memref<!tpu.dma_semaphore, #tpu.memory_space<semaphore_mem>>)
      %dma_wait3A_179 = arith.constant 0 : i32
      %dma_wait3A_180 = tpu.memref_slice %arg8[%add3A_170, %dma_wait3A_179] : memref<81x128xi32, #tpu.memory_space<vmem>> -> memref<1x128xi32, #tpu.memory_space<vmem>>
      %dma_wait3A_181 = tpu.memref_squeeze %dma_wait3A_180 : memref<1x128xi32, #tpu.memory_space<vmem>> -> memref<128xi32, #tpu.memory_space<vmem>>
      %dma_wait3A_182 = arith.constant 0 : i32
      %dma_wait3A_183 = arith.constant 0 : i32
      %dma_wait3A_184 = tpu.memref_slice %arg2[%dma_wait3A_182, %dma_wait3A_183] : memref<10240x64xf32, #tpu.memory_space<hbm>> -> memref<10240x64xf32, #tpu.memory_space<hbm>>
      tpu.wait_indirect_dma semaphore(%arg14 : memref<!tpu.dma_semaphore, #tpu.memory_space<semaphore_mem>>) src(%dma_wait3A_184 : memref<10240x64xf32, #tpu.memory_space<hbm>>) dst(%arg10 : memref<128x64xf32, #tpu.memory_space<vmem>>)
      "tpu.region"() ({
        %run_scoped3A = tpu.sem_alloc : memref<!tpu.dma_semaphore, #tpu.memory_space<semaphore_mem>>
        %dma_start3A_203 = arith.constant 0 : i32
        %dma_start3A_204 = tpu.memref_slice %arg9[%add3A_170, %dma_start3A_203] : memref<80x128xi32, #tpu.memory_space<vmem>> -> memref<1x128xi32, #tpu.memory_space<vmem>>
        %dma_start3A_205 = tpu.memref_squeeze %dma_start3A_204 : memref<1x128xi32, #tpu.memory_space<vmem>> -> memref<128xi32, #tpu.memory_space<vmem>>
        %dma_start3A_206 = arith.constant 0 : i32
        %dma_start3A_207 = arith.constant 0 : i32
        %dma_start3A_208 = tpu.memref_slice %arg13[%dma_start3A_206, %dma_start3A_207] : memref<10240x64xf32, #tpu.memory_space<vmem_shared>> -> memref<10240x64xf32, #tpu.memory_space<vmem_shared>>
        tpu.enqueue_indirect_dma source(%arg10 : memref<128x64xf32, #tpu.memory_space<vmem>>) target(%dma_start3A_208 : memref<10240x64xf32, #tpu.memory_space<vmem_shared>>) offsets(%dma_start3A_205 : memref<128xi32, #tpu.memory_space<vmem>>) semaphore(%run_scoped3A : memref<!tpu.dma_semaphore, #tpu.memory_space<semaphore_mem>>) {add = true}
        %dma_wait3A_209 = arith.constant 0 : i32
        %dma_wait3A_210 = tpu.memref_slice %arg9[%add3A_170, %dma_wait3A_209] : memref<80x128xi32, #tpu.memory_space<vmem>> -> memref<1x128xi32, #tpu.memory_space<vmem>>
        %dma_wait3A_211 = tpu.memref_squeeze %dma_wait3A_210 : memref<1x128xi32, #tpu.memory_space<vmem>> -> memref<128xi32, #tpu.memory_space<vmem>>
        %dma_wait3A_212 = arith.constant 0 : i32
        %dma_wait3A_213 = arith.constant 0 : i32
        %dma_wait3A_214 = tpu.memref_slice %arg13[%dma_wait3A_212, %dma_wait3A_213] : memref<10240x64xf32, #tpu.memory_space<vmem_shared>> -> memref<10240x64xf32, #tpu.memory_space<vmem_shared>>
        tpu.wait_indirect_dma semaphore(%run_scoped3A : memref<!tpu.dma_semaphore, #tpu.memory_space<semaphore_mem>>) src(%arg10 : memref<128x64xf32, #tpu.memory_space<vmem>>) dst(%dma_wait3A_214 : memref<10240x64xf32, #tpu.memory_space<vmem_shared>>)
        tpu.yield
      }) : () -> ()
      %add3A_185 = arith.constant 2 : i32
      %add3A_186 = arith.addi %add3A_170, %add3A_185 : i32
      %dma_start3A_187 = arith.constant 0 : i32
      %dma_start3A_188 = tpu.memref_slice %arg8[%add3A_186, %dma_start3A_187] : memref<81x128xi32, #tpu.memory_space<vmem>> -> memref<1x128xi32, #tpu.memory_space<vmem>>
      %dma_start3A_189 = tpu.memref_squeeze %dma_start3A_188 : memref<1x128xi32, #tpu.memory_space<vmem>> -> memref<128xi32, #tpu.memory_space<vmem>>
      %dma_start3A_190 = arith.constant 0 : i32
      %dma_start3A_191 = arith.constant 0 : i32
      %dma_start3A_192 = tpu.memref_slice %arg2[%dma_start3A_190, %dma_start3A_191] : memref<10240x64xf32, #tpu.memory_space<hbm>> -> memref<10240x64xf32, #tpu.memory_space<hbm>>
      tpu.enqueue_indirect_dma source(%dma_start3A_192 : memref<10240x64xf32, #tpu.memory_space<hbm>>) target(%arg10 : memref<128x64xf32, #tpu.memory_space<vmem>>) offsets(%dma_start3A_189 : memref<128xi32, #tpu.memory_space<vmem>>) semaphore(%arg14 : memref<!tpu.dma_semaphore, #tpu.memory_space<semaphore_mem>>)
      %add3A_193 = arith.constant 1 : i32
      %add3A_194 = arith.addi %add3A_170, %add3A_193 : i32
      %dma_wait3A_195 = arith.constant 0 : i32
      %dma_wait3A_196 = tpu.memref_slice %arg8[%add3A_194, %dma_wait3A_195] : memref<81x128xi32, #tpu.memory_space<vmem>> -> memref<1x128xi32, #tpu.memory_space<vmem>>
      %dma_wait3A_197 = tpu.memref_squeeze %dma_wait3A_196 : memref<1x128xi32, #tpu.memory_space<vmem>> -> memref<128xi32, #tpu.memory_space<vmem>>
      %dma_wait3A_198 = arith.constant 0 : i32
      %dma_wait3A_199 = arith.constant 0 : i32
      %dma_wait3A_200 = tpu.memref_slice %arg2[%dma_wait3A_198, %dma_wait3A_199] : memref<10240x64xf32, #tpu.memory_space<hbm>> -> memref<10240x64xf32, #tpu.memory_space<hbm>>
      tpu.wait_indirect_dma semaphore(%arg15 : memref<!tpu.dma_semaphore, #tpu.memory_space<semaphore_mem>>) src(%dma_wait3A_200 : memref<10240x64xf32, #tpu.memory_space<hbm>>) dst(%arg11 : memref<128x64xf32, #tpu.memory_space<vmem>>)
      %add3A_201 = arith.constant 1 : i32
      %add3A_202 = arith.addi %add3A_170, %add3A_201 : i32
      "tpu.region"() ({
        %run_scoped3A = tpu.sem_alloc : memref<!tpu.dma_semaphore, #tpu.memory_space<semaphore_mem>>
        %dma_start3A_203 = arith.constant 0 : i32
        %dma_start3A_204 = tpu.memref_slice %arg9[%add3A_202, %dma_start3A_203] : memref<80x128xi32, #tpu.memory_space<vmem>> -> memref<1x128xi32, #tpu.memory_space<vmem>>
        %dma_start3A_205 = tpu.memref_squeeze %dma_start3A_204 : memref<1x128xi32, #tpu.memory_space<vmem>> -> memref<128xi32, #tpu.memory_space<vmem>>
        %dma_start3A_206 = arith.constant 0 : i32
        %dma_start3A_207 = arith.constant 0 : i32
        %dma_start3A_208 = tpu.memref_slice %arg13[%dma_start3A_206, %dma_start3A_207] : memref<10240x64xf32, #tpu.memory_space<vmem_shared>> -> memref<10240x64xf32, #tpu.memory_space<vmem_shared>>
        tpu.enqueue_indirect_dma source(%arg11 : memref<128x64xf32, #tpu.memory_space<vmem>>) target(%dma_start3A_208 : memref<10240x64xf32, #tpu.memory_space<vmem_shared>>) offsets(%dma_start3A_205 : memref<128xi32, #tpu.memory_space<vmem>>) semaphore(%run_scoped3A : memref<!tpu.dma_semaphore, #tpu.memory_space<semaphore_mem>>) {add = true}
        %dma_wait3A_209 = arith.constant 0 : i32
        %dma_wait3A_210 = tpu.memref_slice %arg9[%add3A_202, %dma_wait3A_209] : memref<80x128xi32, #tpu.memory_space<vmem>> -> memref<1x128xi32, #tpu.memory_space<vmem>>
        %dma_wait3A_211 = tpu.memref_squeeze %dma_wait3A_210 : memref<1x128xi32, #tpu.memory_space<vmem>> -> memref<128xi32, #tpu.memory_space<vmem>>
        %dma_wait3A_212 = arith.constant 0 : i32
        %dma_wait3A_213 = arith.constant 0 : i32
        %dma_wait3A_214 = tpu.memref_slice %arg13[%dma_wait3A_212, %dma_wait3A_213] : memref<10240x64xf32, #tpu.memory_space<vmem_shared>> -> memref<10240x64xf32, #tpu.memory_space<vmem_shared>>
        tpu.wait_indirect_dma semaphore(%run_scoped3A : memref<!tpu.dma_semaphore, #tpu.memory_space<semaphore_mem>>) src(%arg11 : memref<128x64xf32, #tpu.memory_space<vmem>>) dst(%dma_wait3A_214 : memref<10240x64xf32, #tpu.memory_space<vmem_shared>>)
        tpu.yield
      }) : () -> ()
    }
    %scan3A_101 = arith.constant 40 : i32
    %dma_wait3A = arith.constant 0 : i32
    %dma_wait3A_102 = arith.constant 0 : i32
    %dma_wait3A_103 = tpu.memref_slice %arg8[%dma_wait3A, %dma_wait3A_102] : memref<81x128xi32, #tpu.memory_space<vmem>> -> memref<1x128xi32, #tpu.memory_space<vmem>>
    %dma_wait3A_104 = tpu.memref_squeeze %dma_wait3A_103 : memref<1x128xi32, #tpu.memory_space<vmem>> -> memref<128xi32, #tpu.memory_space<vmem>>
    %dma_wait3A_105 = arith.constant 0 : i32
    %dma_wait3A_106 = arith.constant 0 : i32
    %dma_wait3A_107 = tpu.memref_slice %arg2[%dma_wait3A_105, %dma_wait3A_106] : memref<10240x64xf32, #tpu.memory_space<hbm>> -> memref<10240x64xf32, #tpu.memory_space<hbm>>
    tpu.wait_indirect_dma semaphore(%arg14 : memref<!tpu.dma_semaphore, #tpu.memory_space<semaphore_mem>>) src(%dma_wait3A_107 : memref<10240x64xf32, #tpu.memory_space<hbm>>) dst(%arg10 : memref<128x64xf32, #tpu.memory_space<vmem>>)
    %barrier3A_108 = arith.constant 0 : index
    tpu.barrier barrier_id(%barrier3A_108)
    %mul3A_109 = arith.constant 640 : i32
    %mul3A_110 = arith.muli %arg1, %mul3A_109 : i32
    %mul3A_111 = arith.constant 10240 : i32
    %mul3A_112 = arith.muli %arg0, %mul3A_111 : i32
    %mul3A_113 = arith.constant 640 : i32
    %mul3A_114 = arith.muli %arg1, %mul3A_113 : i32
    %add3A_115 = arith.addi %mul3A_112, %mul3A_114 : i32
    "tpu.region"() ({
      %run_scoped3A = tpu.sem_alloc : memref<!tpu.dma_semaphore, #tpu.memory_space<semaphore_mem>>
      %dma_start3A_166 = arith.constant 0 : i32
      %dma_start3A_167 = tpu.memref_slice %arg6[%add3A_115, %dma_start3A_166] : memref<20480x64xf32, #tpu.memory_space<hbm>> -> memref<640x64xf32, #tpu.memory_space<hbm>>
      %dma_start3A_168 = arith.constant 0 : i32
      %dma_start3A_169 = tpu.memref_slice %arg13[%mul3A_110, %dma_start3A_168] : memref<10240x64xf32, #tpu.memory_space<vmem_shared>> -> memref<640x64xf32, #tpu.memory_space<vmem_shared>>
      tpu.enqueue_dma source(%dma_start3A_169 : memref<640x64xf32, #tpu.memory_space<vmem_shared>>) target(%dma_start3A_167 : memref<640x64xf32, #tpu.memory_space<hbm>>) target_semaphore(%run_scoped3A : memref<!tpu.dma_semaphore, #tpu.memory_space<semaphore_mem>>)
      %dma_wait3A_170 = arith.constant 0 : i32
      %dma_wait3A_171 = tpu.memref_slice %arg6[%add3A_115, %dma_wait3A_170] : memref<20480x64xf32, #tpu.memory_space<hbm>> -> memref<640x64xf32, #tpu.memory_space<hbm>>
      %dma_wait3A_172 = arith.constant 0 : i32
      %dma_wait3A_173 = tpu.memref_slice %arg13[%mul3A_110, %dma_wait3A_172] : memref<10240x64xf32, #tpu.memory_space<vmem_shared>> -> memref<640x64xf32, #tpu.memory_space<vmem_shared>>
      tpu.wait_dma2 semaphore(%run_scoped3A : memref<!tpu.dma_semaphore, #tpu.memory_space<semaphore_mem>>) src(%dma_wait3A_173 : memref<640x64xf32, #tpu.memory_space<vmem_shared>>) dst(%dma_wait3A_171 : memref<640x64xf32, #tpu.memory_space<hbm>>)
      tpu.yield
    }) : () -> ()
    %barrier3A_116 = arith.constant 0 : index
    tpu.barrier barrier_id(%barrier3A_116)
    %mul3A_117 = arith.constant 640 : i32
    %mul3A_118 = arith.muli %arg1, %mul3A_117 : i32
    %add3A_119 = arith.constant 0 : i32
    %add3A_120 = arith.addi %mul3A_118, %add3A_119 : i32
    "tpu.region"() ({
      %run_scoped3A = tpu.sem_alloc : memref<!tpu.dma_semaphore, #tpu.memory_space<semaphore_mem>>
      %dma_start3A_166 = arith.constant 0 : i32
      %dma_start3A_167 = tpu.memref_slice %arg13[%add3A_120, %dma_start3A_166] : memref<10240x64xf32, #tpu.memory_space<vmem_shared>> -> memref<128x64xf32, #tpu.memory_space<vmem_shared>>
      %dma_start3A_168 = arith.constant 0 : i32
      %dma_start3A_169 = tpu.memref_slice %arg13[%add3A_120, %dma_start3A_168] : memref<10240x64xf32, #tpu.memory_space<vmem_shared>> -> memref<128x64xf32, #tpu.memory_space<vmem_shared>>
      tpu.enqueue_dma source(%arg12 : memref<128x64xf32, #tpu.memory_space<vmem>>) target(%dma_start3A_169 : memref<128x64xf32, #tpu.memory_space<vmem_shared>>) target_semaphore(%run_scoped3A : memref<!tpu.dma_semaphore, #tpu.memory_space<semaphore_mem>>)
      %dma_wait3A_170 = arith.constant 0 : i32
      %dma_wait3A_171 = tpu.memref_slice %arg13[%add3A_120, %dma_wait3A_170] : memref<10240x64xf32, #tpu.memory_space<vmem_shared>> -> memref<128x64xf32, #tpu.memory_space<vmem_shared>>
      %dma_wait3A_172 = arith.constant 0 : i32
      %dma_wait3A_173 = tpu.memref_slice %arg13[%add3A_120, %dma_wait3A_172] : memref<10240x64xf32, #tpu.memory_space<vmem_shared>> -> memref<128x64xf32, #tpu.memory_space<vmem_shared>>
      tpu.wait_dma2 semaphore(%run_scoped3A : memref<!tpu.dma_semaphore, #tpu.memory_space<semaphore_mem>>) src(%arg12 : memref<128x64xf32, #tpu.memory_space<vmem>>) dst(%dma_wait3A_173 : memref<128x64xf32, #tpu.memory_space<vmem_shared>>)
      tpu.yield
    }) : () -> ()
    %mul3A_121 = arith.constant 640 : i32
    %mul3A_122 = arith.muli %arg1, %mul3A_121 : i32
    %add3A_123 = arith.constant 128 : i32
    %add3A_124 = arith.addi %mul3A_122, %add3A_123 : i32
    "tpu.region"() ({
      %run_scoped3A = tpu.sem_alloc : memref<!tpu.dma_semaphore, #tpu.memory_space<semaphore_mem>>
      %dma_start3A_166 = arith.constant 0 : i32
      %dma_start3A_167 = tpu.memref_slice %arg13[%add3A_124, %dma_start3A_166] : memref<10240x64xf32, #tpu.memory_space<vmem_shared>> -> memref<128x64xf32, #tpu.memory_space<vmem_shared>>
      %dma_start3A_168 = arith.constant 0 : i32
      %dma_start3A_169 = tpu.memref_slice %arg13[%add3A_124, %dma_start3A_168] : memref<10240x64xf32, #tpu.memory_space<vmem_shared>> -> memref<128x64xf32, #tpu.memory_space<vmem_shared>>
      tpu.enqueue_dma source(%arg12 : memref<128x64xf32, #tpu.memory_space<vmem>>) target(%dma_start3A_169 : memref<128x64xf32, #tpu.memory_space<vmem_shared>>) target_semaphore(%run_scoped3A : memref<!tpu.dma_semaphore, #tpu.memory_space<semaphore_mem>>)
      %dma_wait3A_170 = arith.constant 0 : i32
      %dma_wait3A_171 = tpu.memref_slice %arg13[%add3A_124, %dma_wait3A_170] : memref<10240x64xf32, #tpu.memory_space<vmem_shared>> -> memref<128x64xf32, #tpu.memory_space<vmem_shared>>
      %dma_wait3A_172 = arith.constant 0 : i32
      %dma_wait3A_173 = tpu.memref_slice %arg13[%add3A_124, %dma_wait3A_172] : memref<10240x64xf32, #tpu.memory_space<vmem_shared>> -> memref<128x64xf32, #tpu.memory_space<vmem_shared>>
      tpu.wait_dma2 semaphore(%run_scoped3A : memref<!tpu.dma_semaphore, #tpu.memory_space<semaphore_mem>>) src(%arg12 : memref<128x64xf32, #tpu.memory_space<vmem>>) dst(%dma_wait3A_173 : memref<128x64xf32, #tpu.memory_space<vmem_shared>>)
      tpu.yield
    }) : () -> ()
    %mul3A_125 = arith.constant 640 : i32
    %mul3A_126 = arith.muli %arg1, %mul3A_125 : i32
    %add3A_127 = arith.constant 256 : i32
    %add3A_128 = arith.addi %mul3A_126, %add3A_127 : i32
    "tpu.region"() ({
      %run_scoped3A = tpu.sem_alloc : memref<!tpu.dma_semaphore, #tpu.memory_space<semaphore_mem>>
      %dma_start3A_166 = arith.constant 0 : i32
      %dma_start3A_167 = tpu.memref_slice %arg13[%add3A_128, %dma_start3A_166] : memref<10240x64xf32, #tpu.memory_space<vmem_shared>> -> memref<128x64xf32, #tpu.memory_space<vmem_shared>>
      %dma_start3A_168 = arith.constant 0 : i32
      %dma_start3A_169 = tpu.memref_slice %arg13[%add3A_128, %dma_start3A_168] : memref<10240x64xf32, #tpu.memory_space<vmem_shared>> -> memref<128x64xf32, #tpu.memory_space<vmem_shared>>
      tpu.enqueue_dma source(%arg12 : memref<128x64xf32, #tpu.memory_space<vmem>>) target(%dma_start3A_169 : memref<128x64xf32, #tpu.memory_space<vmem_shared>>) target_semaphore(%run_scoped3A : memref<!tpu.dma_semaphore, #tpu.memory_space<semaphore_mem>>)
      %dma_wait3A_170 = arith.constant 0 : i32
      %dma_wait3A_171 = tpu.memref_slice %arg13[%add3A_128, %dma_wait3A_170] : memref<10240x64xf32, #tpu.memory_space<vmem_shared>> -> memref<128x64xf32, #tpu.memory_space<vmem_shared>>
      %dma_wait3A_172 = arith.constant 0 : i32
      %dma_wait3A_173 = tpu.memref_slice %arg13[%add3A_128, %dma_wait3A_172] : memref<10240x64xf32, #tpu.memory_space<vmem_shared>> -> memref<128x64xf32, #tpu.memory_space<vmem_shared>>
      tpu.wait_dma2 semaphore(%run_scoped3A : memref<!tpu.dma_semaphore, #tpu.memory_space<semaphore_mem>>) src(%arg12 : memref<128x64xf32, #tpu.memory_space<vmem>>) dst(%dma_wait3A_173 : memref<128x64xf32, #tpu.memory_space<vmem_shared>>)
      tpu.yield
    }) : () -> ()
    %mul3A_129 = arith.constant 640 : i32
    %mul3A_130 = arith.muli %arg1, %mul3A_129 : i32
    %add3A_131 = arith.constant 384 : i32
    %add3A_132 = arith.addi %mul3A_130, %add3A_131 : i32
    "tpu.region"() ({
      %run_scoped3A = tpu.sem_alloc : memref<!tpu.dma_semaphore, #tpu.memory_space<semaphore_mem>>
      %dma_start3A_166 = arith.constant 0 : i32
      %dma_start3A_167 = tpu.memref_slice %arg13[%add3A_132, %dma_start3A_166] : memref<10240x64xf32, #tpu.memory_space<vmem_shared>> -> memref<128x64xf32, #tpu.memory_space<vmem_shared>>
      %dma_start3A_168 = arith.constant 0 : i32
      %dma_start3A_169 = tpu.memref_slice %arg13[%add3A_132, %dma_start3A_168] : memref<10240x64xf32, #tpu.memory_space<vmem_shared>> -> memref<128x64xf32, #tpu.memory_space<vmem_shared>>
      tpu.enqueue_dma source(%arg12 : memref<128x64xf32, #tpu.memory_space<vmem>>) target(%dma_start3A_169 : memref<128x64xf32, #tpu.memory_space<vmem_shared>>) target_semaphore(%run_scoped3A : memref<!tpu.dma_semaphore, #tpu.memory_space<semaphore_mem>>)
      %dma_wait3A_170 = arith.constant 0 : i32
      %dma_wait3A_171 = tpu.memref_slice %arg13[%add3A_132, %dma_wait3A_170] : memref<10240x64xf32, #tpu.memory_space<vmem_shared>> -> memref<128x64xf32, #tpu.memory_space<vmem_shared>>
      %dma_wait3A_172 = arith.constant 0 : i32
      %dma_wait3A_173 = tpu.memref_slice %arg13[%add3A_132, %dma_wait3A_172] : memref<10240x64xf32, #tpu.memory_space<vmem_shared>> -> memref<128x64xf32, #tpu.memory_space<vmem_shared>>
      tpu.wait_dma2 semaphore(%run_scoped3A : memref<!tpu.dma_semaphore, #tpu.memory_space<semaphore_mem>>) src(%arg12 : memref<128x64xf32, #tpu.memory_space<vmem>>) dst(%dma_wait3A_173 : memref<128x64xf32, #tpu.memory_space<vmem_shared>>)
      tpu.yield
    }) : () -> ()
    %mul3A_133 = arith.constant 640 : i32
    %mul3A_134 = arith.muli %arg1, %mul3A_133 : i32
    %add3A_135 = arith.constant 512 : i32
    %add3A_136 = arith.addi %mul3A_134, %add3A_135 : i32
    "tpu.region"() ({
      %run_scoped3A = tpu.sem_alloc : memref<!tpu.dma_semaphore, #tpu.memory_space<semaphore_mem>>
      %dma_start3A_166 = arith.constant 0 : i32
      %dma_start3A_167 = tpu.memref_slice %arg13[%add3A_136, %dma_start3A_166] : memref<10240x64xf32, #tpu.memory_space<vmem_shared>> -> memref<128x64xf32, #tpu.memory_space<vmem_shared>>
      %dma_start3A_168 = arith.constant 0 : i32
      %dma_start3A_169 = tpu.memref_slice %arg13[%add3A_136, %dma_start3A_168] : memref<10240x64xf32, #tpu.memory_space<vmem_shared>> -> memref<128x64xf32, #tpu.memory_space<vmem_shared>>
      tpu.enqueue_dma source(%arg12 : memref<128x64xf32, #tpu.memory_space<vmem>>) target(%dma_start3A_169 : memref<128x64xf32, #tpu.memory_space<vmem_shared>>) target_semaphore(%run_scoped3A : memref<!tpu.dma_semaphore, #tpu.memory_space<semaphore_mem>>)
      %dma_wait3A_170 = arith.constant 0 : i32
      %dma_wait3A_171 = tpu.memref_slice %arg13[%add3A_136, %dma_wait3A_170] : memref<10240x64xf32, #tpu.memory_space<vmem_shared>> -> memref<128x64xf32, #tpu.memory_space<vmem_shared>>
      %dma_wait3A_172 = arith.constant 0 : i32
      %dma_wait3A_173 = tpu.memref_slice %arg13[%add3A_136, %dma_wait3A_172] : memref<10240x64xf32, #tpu.memory_space<vmem_shared>> -> memref<128x64xf32, #tpu.memory_space<vmem_shared>>
      tpu.wait_dma2 semaphore(%run_scoped3A : memref<!tpu.dma_semaphore, #tpu.memory_space<semaphore_mem>>) src(%arg12 : memref<128x64xf32, #tpu.memory_space<vmem>>) dst(%dma_wait3A_173 : memref<128x64xf32, #tpu.memory_space<vmem_shared>>)
      tpu.yield
    }) : () -> ()
    %barrier3A_137 = arith.constant 0 : index
    tpu.barrier barrier_id(%barrier3A_137)
    %dma_start3A_138 = arith.constant 0 : i32
    %dma_start3A_139 = arith.constant 0 : i32
    %dma_start3A_140 = tpu.memref_slice %arg8[%dma_start3A_138, %dma_start3A_139] : memref<81x128xi32, #tpu.memory_space<vmem>> -> memref<1x128xi32, #tpu.memory_space<vmem>>
    %dma_start3A_141 = tpu.memref_squeeze %dma_start3A_140 : memref<1x128xi32, #tpu.memory_space<vmem>> -> memref<128xi32, #tpu.memory_space<vmem>>
    %dma_start3A_142 = arith.constant 0 : i32
    %dma_start3A_143 = arith.constant 0 : i32
    %dma_start3A_144 = tpu.memref_slice %arg3[%dma_start3A_142, %dma_start3A_143] : memref<10240x64xf32, #tpu.memory_space<hbm>> -> memref<10240x64xf32, #tpu.memory_space<hbm>>
    tpu.enqueue_indirect_dma source(%dma_start3A_144 : memref<10240x64xf32, #tpu.memory_space<hbm>>) target(%arg10 : memref<128x64xf32, #tpu.memory_space<vmem>>) offsets(%dma_start3A_141 : memref<128xi32, #tpu.memory_space<vmem>>) semaphore(%arg14 : memref<!tpu.dma_semaphore, #tpu.memory_space<semaphore_mem>>)
    %scan3A_145 = arith.constant 0 : i32
    %scan3A_146 = arith.constant 40 : i32
    %scan3A_147 = arith.addi %scan3A_145, %scan3A_146 : i32
    %scan3A_148 = arith.constant 1 : i32
    scf.for %scan3A_166 = %scan3A_145 to %scan3A_147 step %scan3A_148  : i32 {
      %mul3A_167 = arith.constant 2 : i32
      %mul3A_168 = arith.muli %scan3A_166, %mul3A_167 : i32
      %add3A_169 = arith.constant 0 : i32
      %add3A_170 = arith.addi %add3A_169, %mul3A_168 : i32
      %add3A_171 = arith.constant 1 : i32
      %add3A_172 = arith.addi %add3A_170, %add3A_171 : i32
      %dma_start3A_173 = arith.constant 0 : i32
      %dma_start3A_174 = tpu.memref_slice %arg8[%add3A_172, %dma_start3A_173] : memref<81x128xi32, #tpu.memory_space<vmem>> -> memref<1x128xi32, #tpu.memory_space<vmem>>
      %dma_start3A_175 = tpu.memref_squeeze %dma_start3A_174 : memref<1x128xi32, #tpu.memory_space<vmem>> -> memref<128xi32, #tpu.memory_space<vmem>>
      %dma_start3A_176 = arith.constant 0 : i32
      %dma_start3A_177 = arith.constant 0 : i32
      %dma_start3A_178 = tpu.memref_slice %arg3[%dma_start3A_176, %dma_start3A_177] : memref<10240x64xf32, #tpu.memory_space<hbm>> -> memref<10240x64xf32, #tpu.memory_space<hbm>>
      tpu.enqueue_indirect_dma source(%dma_start3A_178 : memref<10240x64xf32, #tpu.memory_space<hbm>>) target(%arg11 : memref<128x64xf32, #tpu.memory_space<vmem>>) offsets(%dma_start3A_175 : memref<128xi32, #tpu.memory_space<vmem>>) semaphore(%arg15 : memref<!tpu.dma_semaphore, #tpu.memory_space<semaphore_mem>>)
      %dma_wait3A_179 = arith.constant 0 : i32
      %dma_wait3A_180 = tpu.memref_slice %arg8[%add3A_170, %dma_wait3A_179] : memref<81x128xi32, #tpu.memory_space<vmem>> -> memref<1x128xi32, #tpu.memory_space<vmem>>
      %dma_wait3A_181 = tpu.memref_squeeze %dma_wait3A_180 : memref<1x128xi32, #tpu.memory_space<vmem>> -> memref<128xi32, #tpu.memory_space<vmem>>
      %dma_wait3A_182 = arith.constant 0 : i32
      %dma_wait3A_183 = arith.constant 0 : i32
      %dma_wait3A_184 = tpu.memref_slice %arg3[%dma_wait3A_182, %dma_wait3A_183] : memref<10240x64xf32, #tpu.memory_space<hbm>> -> memref<10240x64xf32, #tpu.memory_space<hbm>>
      tpu.wait_indirect_dma semaphore(%arg14 : memref<!tpu.dma_semaphore, #tpu.memory_space<semaphore_mem>>) src(%dma_wait3A_184 : memref<10240x64xf32, #tpu.memory_space<hbm>>) dst(%arg10 : memref<128x64xf32, #tpu.memory_space<vmem>>)
      "tpu.region"() ({
        %run_scoped3A = tpu.sem_alloc : memref<!tpu.dma_semaphore, #tpu.memory_space<semaphore_mem>>
        %dma_start3A_203 = arith.constant 0 : i32
        %dma_start3A_204 = tpu.memref_slice %arg9[%add3A_170, %dma_start3A_203] : memref<80x128xi32, #tpu.memory_space<vmem>> -> memref<1x128xi32, #tpu.memory_space<vmem>>
        %dma_start3A_205 = tpu.memref_squeeze %dma_start3A_204 : memref<1x128xi32, #tpu.memory_space<vmem>> -> memref<128xi32, #tpu.memory_space<vmem>>
        %dma_start3A_206 = arith.constant 0 : i32
        %dma_start3A_207 = arith.constant 0 : i32
        %dma_start3A_208 = tpu.memref_slice %arg13[%dma_start3A_206, %dma_start3A_207] : memref<10240x64xf32, #tpu.memory_space<vmem_shared>> -> memref<10240x64xf32, #tpu.memory_space<vmem_shared>>
        tpu.enqueue_indirect_dma source(%arg10 : memref<128x64xf32, #tpu.memory_space<vmem>>) target(%dma_start3A_208 : memref<10240x64xf32, #tpu.memory_space<vmem_shared>>) offsets(%dma_start3A_205 : memref<128xi32, #tpu.memory_space<vmem>>) semaphore(%run_scoped3A : memref<!tpu.dma_semaphore, #tpu.memory_space<semaphore_mem>>) {add = true}
        %dma_wait3A_209 = arith.constant 0 : i32
        %dma_wait3A_210 = tpu.memref_slice %arg9[%add3A_170, %dma_wait3A_209] : memref<80x128xi32, #tpu.memory_space<vmem>> -> memref<1x128xi32, #tpu.memory_space<vmem>>
        %dma_wait3A_211 = tpu.memref_squeeze %dma_wait3A_210 : memref<1x128xi32, #tpu.memory_space<vmem>> -> memref<128xi32, #tpu.memory_space<vmem>>
        %dma_wait3A_212 = arith.constant 0 : i32
        %dma_wait3A_213 = arith.constant 0 : i32
        %dma_wait3A_214 = tpu.memref_slice %arg13[%dma_wait3A_212, %dma_wait3A_213] : memref<10240x64xf32, #tpu.memory_space<vmem_shared>> -> memref<10240x64xf32, #tpu.memory_space<vmem_shared>>
        tpu.wait_indirect_dma semaphore(%run_scoped3A : memref<!tpu.dma_semaphore, #tpu.memory_space<semaphore_mem>>) src(%arg10 : memref<128x64xf32, #tpu.memory_space<vmem>>) dst(%dma_wait3A_214 : memref<10240x64xf32, #tpu.memory_space<vmem_shared>>)
        tpu.yield
      }) : () -> ()
      %add3A_185 = arith.constant 2 : i32
      %add3A_186 = arith.addi %add3A_170, %add3A_185 : i32
      %dma_start3A_187 = arith.constant 0 : i32
      %dma_start3A_188 = tpu.memref_slice %arg8[%add3A_186, %dma_start3A_187] : memref<81x128xi32, #tpu.memory_space<vmem>> -> memref<1x128xi32, #tpu.memory_space<vmem>>
      %dma_start3A_189 = tpu.memref_squeeze %dma_start3A_188 : memref<1x128xi32, #tpu.memory_space<vmem>> -> memref<128xi32, #tpu.memory_space<vmem>>
      %dma_start3A_190 = arith.constant 0 : i32
      %dma_start3A_191 = arith.constant 0 : i32
      %dma_start3A_192 = tpu.memref_slice %arg3[%dma_start3A_190, %dma_start3A_191] : memref<10240x64xf32, #tpu.memory_space<hbm>> -> memref<10240x64xf32, #tpu.memory_space<hbm>>
      tpu.enqueue_indirect_dma source(%dma_start3A_192 : memref<10240x64xf32, #tpu.memory_space<hbm>>) target(%arg10 : memref<128x64xf32, #tpu.memory_space<vmem>>) offsets(%dma_start3A_189 : memref<128xi32, #tpu.memory_space<vmem>>) semaphore(%arg14 : memref<!tpu.dma_semaphore, #tpu.memory_space<semaphore_mem>>)
      %add3A_193 = arith.constant 1 : i32
      %add3A_194 = arith.addi %add3A_170, %add3A_193 : i32
      %dma_wait3A_195 = arith.constant 0 : i32
      %dma_wait3A_196 = tpu.memref_slice %arg8[%add3A_194, %dma_wait3A_195] : memref<81x128xi32, #tpu.memory_space<vmem>> -> memref<1x128xi32, #tpu.memory_space<vmem>>
      %dma_wait3A_197 = tpu.memref_squeeze %dma_wait3A_196 : memref<1x128xi32, #tpu.memory_space<vmem>> -> memref<128xi32, #tpu.memory_space<vmem>>
      %dma_wait3A_198 = arith.constant 0 : i32
      %dma_wait3A_199 = arith.constant 0 : i32
      %dma_wait3A_200 = tpu.memref_slice %arg3[%dma_wait3A_198, %dma_wait3A_199] : memref<10240x64xf32, #tpu.memory_space<hbm>> -> memref<10240x64xf32, #tpu.memory_space<hbm>>
      tpu.wait_indirect_dma semaphore(%arg15 : memref<!tpu.dma_semaphore, #tpu.memory_space<semaphore_mem>>) src(%dma_wait3A_200 : memref<10240x64xf32, #tpu.memory_space<hbm>>) dst(%arg11 : memref<128x64xf32, #tpu.memory_space<vmem>>)
      %add3A_201 = arith.constant 1 : i32
      %add3A_202 = arith.addi %add3A_170, %add3A_201 : i32
      "tpu.region"() ({
        %run_scoped3A = tpu.sem_alloc : memref<!tpu.dma_semaphore, #tpu.memory_space<semaphore_mem>>
        %dma_start3A_203 = arith.constant 0 : i32
        %dma_start3A_204 = tpu.memref_slice %arg9[%add3A_202, %dma_start3A_203] : memref<80x128xi32, #tpu.memory_space<vmem>> -> memref<1x128xi32, #tpu.memory_space<vmem>>
        %dma_start3A_205 = tpu.memref_squeeze %dma_start3A_204 : memref<1x128xi32, #tpu.memory_space<vmem>> -> memref<128xi32, #tpu.memory_space<vmem>>
        %dma_start3A_206 = arith.constant 0 : i32
        %dma_start3A_207 = arith.constant 0 : i32
        %dma_start3A_208 = tpu.memref_slice %arg13[%dma_start3A_206, %dma_start3A_207] : memref<10240x64xf32, #tpu.memory_space<vmem_shared>> -> memref<10240x64xf32, #tpu.memory_space<vmem_shared>>
        tpu.enqueue_indirect_dma source(%arg11 : memref<128x64xf32, #tpu.memory_space<vmem>>) target(%dma_start3A_208 : memref<10240x64xf32, #tpu.memory_space<vmem_shared>>) offsets(%dma_start3A_205 : memref<128xi32, #tpu.memory_space<vmem>>) semaphore(%run_scoped3A : memref<!tpu.dma_semaphore, #tpu.memory_space<semaphore_mem>>) {add = true}
        %dma_wait3A_209 = arith.constant 0 : i32
        %dma_wait3A_210 = tpu.memref_slice %arg9[%add3A_202, %dma_wait3A_209] : memref<80x128xi32, #tpu.memory_space<vmem>> -> memref<1x128xi32, #tpu.memory_space<vmem>>
        %dma_wait3A_211 = tpu.memref_squeeze %dma_wait3A_210 : memref<1x128xi32, #tpu.memory_space<vmem>> -> memref<128xi32, #tpu.memory_space<vmem>>
        %dma_wait3A_212 = arith.constant 0 : i32
        %dma_wait3A_213 = arith.constant 0 : i32
        %dma_wait3A_214 = tpu.memref_slice %arg13[%dma_wait3A_212, %dma_wait3A_213] : memref<10240x64xf32, #tpu.memory_space<vmem_shared>> -> memref<10240x64xf32, #tpu.memory_space<vmem_shared>>
        tpu.wait_indirect_dma semaphore(%run_scoped3A : memref<!tpu.dma_semaphore, #tpu.memory_space<semaphore_mem>>) src(%arg11 : memref<128x64xf32, #tpu.memory_space<vmem>>) dst(%dma_wait3A_214 : memref<10240x64xf32, #tpu.memory_space<vmem_shared>>)
        tpu.yield
      }) : () -> ()
    }
    %scan3A_149 = arith.constant 40 : i32
    %dma_wait3A_150 = arith.constant 0 : i32
    %dma_wait3A_151 = arith.constant 0 : i32
    %dma_wait3A_152 = tpu.memref_slice %arg8[%dma_wait3A_150, %dma_wait3A_151] : memref<81x128xi32, #tpu.memory_space<vmem>> -> memref<1x128xi32, #tpu.memory_space<vmem>>
    %dma_wait3A_153 = tpu.memref_squeeze %dma_wait3A_152 : memref<1x128xi32, #tpu.memory_space<vmem>> -> memref<128xi32, #tpu.memory_space<vmem>>
    %dma_wait3A_154 = arith.constant 0 : i32
    %dma_wait3A_155 = arith.constant 0 : i32
    %dma_wait3A_156 = tpu.memref_slice %arg3[%dma_wait3A_154, %dma_wait3A_155] : memref<10240x64xf32, #tpu.memory_space<hbm>> -> memref<10240x64xf32, #tpu.memory_space<hbm>>
    tpu.wait_indirect_dma semaphore(%arg14 : memref<!tpu.dma_semaphore, #tpu.memory_space<semaphore_mem>>) src(%dma_wait3A_156 : memref<10240x64xf32, #tpu.memory_space<hbm>>) dst(%arg10 : memref<128x64xf32, #tpu.memory_space<vmem>>)
    %barrier3A_157 = arith.constant 0 : index
    tpu.barrier barrier_id(%barrier3A_157)
    %mul3A_158 = arith.constant 640 : i32
    %mul3A_159 = arith.muli %arg1, %mul3A_158 : i32
    %mul3A_160 = arith.constant 10240 : i32
    %mul3A_161 = arith.muli %arg0, %mul3A_160 : i32
    %mul3A_162 = arith.constant 640 : i32
    %mul3A_163 = arith.muli %arg1, %mul3A_162 : i32
    %add3A_164 = arith.addi %mul3A_161, %mul3A_163 : i32
    "tpu.region"() ({
      %run_scoped3A = tpu.sem_alloc : memref<!tpu.dma_semaphore, #tpu.memory_space<semaphore_mem>>
      %dma_start3A_166 = arith.constant 0 : i32
      %dma_start3A_167 = tpu.memref_slice %arg7[%add3A_164, %dma_start3A_166] : memref<20480x64xf32, #tpu.memory_space<hbm>> -> memref<640x64xf32, #tpu.memory_space<hbm>>
      %dma_start3A_168 = arith.constant 0 : i32
      %dma_start3A_169 = tpu.memref_slice %arg13[%mul3A_159, %dma_start3A_168] : memref<10240x64xf32, #tpu.memory_space<vmem_shared>> -> memref<640x64xf32, #tpu.memory_space<vmem_shared>>
      tpu.enqueue_dma source(%dma_start3A_169 : memref<640x64xf32, #tpu.memory_space<vmem_shared>>) target(%dma_start3A_167 : memref<640x64xf32, #tpu.memory_space<hbm>>) target_semaphore(%run_scoped3A : memref<!tpu.dma_semaphore, #tpu.memory_space<semaphore_mem>>)
      %dma_wait3A_170 = arith.constant 0 : i32
      %dma_wait3A_171 = tpu.memref_slice %arg7[%add3A_164, %dma_wait3A_170] : memref<20480x64xf32, #tpu.memory_space<hbm>> -> memref<640x64xf32, #tpu.memory_space<hbm>>
      %dma_wait3A_172 = arith.constant 0 : i32
      %dma_wait3A_173 = tpu.memref_slice %arg13[%mul3A_159, %dma_wait3A_172] : memref<10240x64xf32, #tpu.memory_space<vmem_shared>> -> memref<640x64xf32, #tpu.memory_space<vmem_shared>>
      tpu.wait_dma2 semaphore(%run_scoped3A : memref<!tpu.dma_semaphore, #tpu.memory_space<semaphore_mem>>) src(%dma_wait3A_173 : memref<640x64xf32, #tpu.memory_space<vmem_shared>>) dst(%dma_wait3A_171 : memref<640x64xf32, #tpu.memory_space<hbm>>)
      tpu.yield
    }) : () -> ()
    %barrier3A_165 = arith.constant 0 : index
    tpu.barrier barrier_id(%barrier3A_165)
    return
  }
}

#map = affine_map<(d0, d1) -> (0, 0)>
module attributes {stable_mosaic.version = 14 : i64} {
  func.func @_deg_kernel(%arg0: i32, %arg1: i32, %arg2: memref<2560x128xi32, #tpu.memory_space<hbm>>, %arg3: memref<20480x16xf32, #tpu.memory_space<hbm>>, %arg4: memref<128x16xf32, #tpu.memory_space<vmem>>, %arg5: memref<128x16xf32, #tpu.memory_space<vmem>>, %arg6: memref<80x128xi32, #tpu.memory_space<vmem>>, %arg7: memref<10240x16xf32, #tpu.memory_space<vmem_shared>>) attributes {dimension_semantics = [#tpu.dimension_semantics<core_parallel>, #tpu.dimension_semantics<subcore_parallel>], iteration_bounds = array<i64: 2, 16>, scalar_prefetch = 0 : i64, scratch_operands = 4 : i64, tpu.core_type = #tpu.core_type<sc_vector_subcore>, window_params = [{transform_indices = #map}, {transform_indices = #map}]} {
    %mul3A = arith.constant 16 : i32
    %mul3A_0 = arith.muli %arg0, %mul3A : i32
    %add3A = arith.addi %mul3A_0, %arg1 : i32
    %scan3A = arith.constant 0 : i32
    %scan3A_1 = arith.constant 128 : i32
    %scan3A_2 = arith.addi %scan3A, %scan3A_1 : i32
    %scan3A_3 = arith.constant 1 : i32
    scf.for %scan3A_40 = %scan3A to %scan3A_2 step %scan3A_3  : i32 {
      %mul3A_41 = arith.constant 1 : i32
      %mul3A_42 = arith.muli %scan3A_40, %mul3A_41 : i32
      %add3A_43 = arith.constant 0 : i32
      %add3A_44 = arith.addi %add3A_43, %mul3A_42 : i32
      %broadcast_in_dim3A = arith.constant 1.000000e+00 : f32
      %broadcast_in_dim3A_45 = vector.broadcast %broadcast_in_dim3A : f32 to vector<16xf32>
      %swap3A = arith.index_cast %add3A_44 : i32 to index
      %swap3A_46 = arith.constant 0 : index
      %swap3A_47 = tpu.vector_load %arg4[%swap3A, %swap3A_46] {strides = array<i32>} : memref<128x16xf32, #tpu.memory_space<vmem>>, vector<1x16xf32>,
      %swap3A_48 = vector.shape_cast %swap3A_47 : vector<1x16xf32> to vector<16xf32>
      %swap3A_49 = vector.shape_cast %broadcast_in_dim3A_45 : vector<16xf32> to vector<1x16xf32>
      tpu.vector_store %arg4[%swap3A, %swap3A_46], %swap3A_49 {strides = array<i32>} : memref<128x16xf32, #tpu.memory_space<vmem>>, vector<1x16xf32>,
      %broadcast_in_dim3A_50 = arith.constant 0.000000e+00 : f32
      %broadcast_in_dim3A_51 = vector.broadcast %broadcast_in_dim3A_50 : f32 to vector<16xf32>
      %swap3A_52 = arith.index_cast %add3A_44 : i32 to index
      %swap3A_53 = arith.constant 0 : index
      %swap3A_54 = tpu.vector_load %arg5[%swap3A_52, %swap3A_53] {strides = array<i32>} : memref<128x16xf32, #tpu.memory_space<vmem>>, vector<1x16xf32>,
      %swap3A_55 = vector.shape_cast %swap3A_54 : vector<1x16xf32> to vector<16xf32>
      %swap3A_56 = vector.shape_cast %broadcast_in_dim3A_51 : vector<16xf32> to vector<1x16xf32>
      tpu.vector_store %arg5[%swap3A_52, %swap3A_53], %swap3A_56 {strides = array<i32>} : memref<128x16xf32, #tpu.memory_space<vmem>>, vector<1x16xf32>,
    }
    %scan3A_4 = arith.constant 128 : i32
    %mul3A_5 = arith.constant 640 : i32
    %mul3A_6 = arith.muli %arg1, %mul3A_5 : i32
    %add3A_7 = arith.constant 0 : i32
    %add3A_8 = arith.addi %mul3A_6, %add3A_7 : i32
    "tpu.region"() ({
      %run_scoped3A = tpu.sem_alloc : memref<!tpu.dma_semaphore, #tpu.memory_space<semaphore_mem>>
      %dma_start3A = arith.constant 0 : i32
      %dma_start3A_40 = tpu.memref_slice %arg7[%add3A_8, %dma_start3A] : memref<10240x16xf32, #tpu.memory_space<vmem_shared>> -> memref<128x16xf32, #tpu.memory_space<vmem_shared>>
      %dma_start3A_41 = arith.constant 0 : i32
      %dma_start3A_42 = tpu.memref_slice %arg7[%add3A_8, %dma_start3A_41] : memref<10240x16xf32, #tpu.memory_space<vmem_shared>> -> memref<128x16xf32, #tpu.memory_space<vmem_shared>>
      tpu.enqueue_dma source(%arg5 : memref<128x16xf32, #tpu.memory_space<vmem>>) target(%dma_start3A_42 : memref<128x16xf32, #tpu.memory_space<vmem_shared>>) target_semaphore(%run_scoped3A : memref<!tpu.dma_semaphore, #tpu.memory_space<semaphore_mem>>)
      %dma_wait3A = arith.constant 0 : i32
      %dma_wait3A_43 = tpu.memref_slice %arg7[%add3A_8, %dma_wait3A] : memref<10240x16xf32, #tpu.memory_space<vmem_shared>> -> memref<128x16xf32, #tpu.memory_space<vmem_shared>>
      %dma_wait3A_44 = arith.constant 0 : i32
      %dma_wait3A_45 = tpu.memref_slice %arg7[%add3A_8, %dma_wait3A_44] : memref<10240x16xf32, #tpu.memory_space<vmem_shared>> -> memref<128x16xf32, #tpu.memory_space<vmem_shared>>
      tpu.wait_dma2 semaphore(%run_scoped3A : memref<!tpu.dma_semaphore, #tpu.memory_space<semaphore_mem>>) src(%arg5 : memref<128x16xf32, #tpu.memory_space<vmem>>) dst(%dma_wait3A_45 : memref<128x16xf32, #tpu.memory_space<vmem_shared>>)
      tpu.yield
    }) : () -> ()
    %mul3A_9 = arith.constant 640 : i32
    %mul3A_10 = arith.muli %arg1, %mul3A_9 : i32
    %add3A_11 = arith.constant 128 : i32
    %add3A_12 = arith.addi %mul3A_10, %add3A_11 : i32
    "tpu.region"() ({
      %run_scoped3A = tpu.sem_alloc : memref<!tpu.dma_semaphore, #tpu.memory_space<semaphore_mem>>
      %dma_start3A = arith.constant 0 : i32
      %dma_start3A_40 = tpu.memref_slice %arg7[%add3A_12, %dma_start3A] : memref<10240x16xf32, #tpu.memory_space<vmem_shared>> -> memref<128x16xf32, #tpu.memory_space<vmem_shared>>
      %dma_start3A_41 = arith.constant 0 : i32
      %dma_start3A_42 = tpu.memref_slice %arg7[%add3A_12, %dma_start3A_41] : memref<10240x16xf32, #tpu.memory_space<vmem_shared>> -> memref<128x16xf32, #tpu.memory_space<vmem_shared>>
      tpu.enqueue_dma source(%arg5 : memref<128x16xf32, #tpu.memory_space<vmem>>) target(%dma_start3A_42 : memref<128x16xf32, #tpu.memory_space<vmem_shared>>) target_semaphore(%run_scoped3A : memref<!tpu.dma_semaphore, #tpu.memory_space<semaphore_mem>>)
      %dma_wait3A = arith.constant 0 : i32
      %dma_wait3A_43 = tpu.memref_slice %arg7[%add3A_12, %dma_wait3A] : memref<10240x16xf32, #tpu.memory_space<vmem_shared>> -> memref<128x16xf32, #tpu.memory_space<vmem_shared>>
      %dma_wait3A_44 = arith.constant 0 : i32
      %dma_wait3A_45 = tpu.memref_slice %arg7[%add3A_12, %dma_wait3A_44] : memref<10240x16xf32, #tpu.memory_space<vmem_shared>> -> memref<128x16xf32, #tpu.memory_space<vmem_shared>>
      tpu.wait_dma2 semaphore(%run_scoped3A : memref<!tpu.dma_semaphore, #tpu.memory_space<semaphore_mem>>) src(%arg5 : memref<128x16xf32, #tpu.memory_space<vmem>>) dst(%dma_wait3A_45 : memref<128x16xf32, #tpu.memory_space<vmem_shared>>)
      tpu.yield
    }) : () -> ()
    %mul3A_13 = arith.constant 640 : i32
    %mul3A_14 = arith.muli %arg1, %mul3A_13 : i32
    %add3A_15 = arith.constant 256 : i32
    %add3A_16 = arith.addi %mul3A_14, %add3A_15 : i32
    "tpu.region"() ({
      %run_scoped3A = tpu.sem_alloc : memref<!tpu.dma_semaphore, #tpu.memory_space<semaphore_mem>>
      %dma_start3A = arith.constant 0 : i32
      %dma_start3A_40 = tpu.memref_slice %arg7[%add3A_16, %dma_start3A] : memref<10240x16xf32, #tpu.memory_space<vmem_shared>> -> memref<128x16xf32, #tpu.memory_space<vmem_shared>>
      %dma_start3A_41 = arith.constant 0 : i32
      %dma_start3A_42 = tpu.memref_slice %arg7[%add3A_16, %dma_start3A_41] : memref<10240x16xf32, #tpu.memory_space<vmem_shared>> -> memref<128x16xf32, #tpu.memory_space<vmem_shared>>
      tpu.enqueue_dma source(%arg5 : memref<128x16xf32, #tpu.memory_space<vmem>>) target(%dma_start3A_42 : memref<128x16xf32, #tpu.memory_space<vmem_shared>>) target_semaphore(%run_scoped3A : memref<!tpu.dma_semaphore, #tpu.memory_space<semaphore_mem>>)
      %dma_wait3A = arith.constant 0 : i32
      %dma_wait3A_43 = tpu.memref_slice %arg7[%add3A_16, %dma_wait3A] : memref<10240x16xf32, #tpu.memory_space<vmem_shared>> -> memref<128x16xf32, #tpu.memory_space<vmem_shared>>
      %dma_wait3A_44 = arith.constant 0 : i32
      %dma_wait3A_45 = tpu.memref_slice %arg7[%add3A_16, %dma_wait3A_44] : memref<10240x16xf32, #tpu.memory_space<vmem_shared>> -> memref<128x16xf32, #tpu.memory_space<vmem_shared>>
      tpu.wait_dma2 semaphore(%run_scoped3A : memref<!tpu.dma_semaphore, #tpu.memory_space<semaphore_mem>>) src(%arg5 : memref<128x16xf32, #tpu.memory_space<vmem>>) dst(%dma_wait3A_45 : memref<128x16xf32, #tpu.memory_space<vmem_shared>>)
      tpu.yield
    }) : () -> ()
    %mul3A_17 = arith.constant 640 : i32
    %mul3A_18 = arith.muli %arg1, %mul3A_17 : i32
    %add3A_19 = arith.constant 384 : i32
    %add3A_20 = arith.addi %mul3A_18, %add3A_19 : i32
    "tpu.region"() ({
      %run_scoped3A = tpu.sem_alloc : memref<!tpu.dma_semaphore, #tpu.memory_space<semaphore_mem>>
      %dma_start3A = arith.constant 0 : i32
      %dma_start3A_40 = tpu.memref_slice %arg7[%add3A_20, %dma_start3A] : memref<10240x16xf32, #tpu.memory_space<vmem_shared>> -> memref<128x16xf32, #tpu.memory_space<vmem_shared>>
      %dma_start3A_41 = arith.constant 0 : i32
      %dma_start3A_42 = tpu.memref_slice %arg7[%add3A_20, %dma_start3A_41] : memref<10240x16xf32, #tpu.memory_space<vmem_shared>> -> memref<128x16xf32, #tpu.memory_space<vmem_shared>>
      tpu.enqueue_dma source(%arg5 : memref<128x16xf32, #tpu.memory_space<vmem>>) target(%dma_start3A_42 : memref<128x16xf32, #tpu.memory_space<vmem_shared>>) target_semaphore(%run_scoped3A : memref<!tpu.dma_semaphore, #tpu.memory_space<semaphore_mem>>)
      %dma_wait3A = arith.constant 0 : i32
      %dma_wait3A_43 = tpu.memref_slice %arg7[%add3A_20, %dma_wait3A] : memref<10240x16xf32, #tpu.memory_space<vmem_shared>> -> memref<128x16xf32, #tpu.memory_space<vmem_shared>>
      %dma_wait3A_44 = arith.constant 0 : i32
      %dma_wait3A_45 = tpu.memref_slice %arg7[%add3A_20, %dma_wait3A_44] : memref<10240x16xf32, #tpu.memory_space<vmem_shared>> -> memref<128x16xf32, #tpu.memory_space<vmem_shared>>
      tpu.wait_dma2 semaphore(%run_scoped3A : memref<!tpu.dma_semaphore, #tpu.memory_space<semaphore_mem>>) src(%arg5 : memref<128x16xf32, #tpu.memory_space<vmem>>) dst(%dma_wait3A_45 : memref<128x16xf32, #tpu.memory_space<vmem_shared>>)
      tpu.yield
    }) : () -> ()
    %mul3A_21 = arith.constant 640 : i32
    %mul3A_22 = arith.muli %arg1, %mul3A_21 : i32
    %add3A_23 = arith.constant 512 : i32
    %add3A_24 = arith.addi %mul3A_22, %add3A_23 : i32
    "tpu.region"() ({
      %run_scoped3A = tpu.sem_alloc : memref<!tpu.dma_semaphore, #tpu.memory_space<semaphore_mem>>
      %dma_start3A = arith.constant 0 : i32
      %dma_start3A_40 = tpu.memref_slice %arg7[%add3A_24, %dma_start3A] : memref<10240x16xf32, #tpu.memory_space<vmem_shared>> -> memref<128x16xf32, #tpu.memory_space<vmem_shared>>
      %dma_start3A_41 = arith.constant 0 : i32
      %dma_start3A_42 = tpu.memref_slice %arg7[%add3A_24, %dma_start3A_41] : memref<10240x16xf32, #tpu.memory_space<vmem_shared>> -> memref<128x16xf32, #tpu.memory_space<vmem_shared>>
      tpu.enqueue_dma source(%arg5 : memref<128x16xf32, #tpu.memory_space<vmem>>) target(%dma_start3A_42 : memref<128x16xf32, #tpu.memory_space<vmem_shared>>) target_semaphore(%run_scoped3A : memref<!tpu.dma_semaphore, #tpu.memory_space<semaphore_mem>>)
      %dma_wait3A = arith.constant 0 : i32
      %dma_wait3A_43 = tpu.memref_slice %arg7[%add3A_24, %dma_wait3A] : memref<10240x16xf32, #tpu.memory_space<vmem_shared>> -> memref<128x16xf32, #tpu.memory_space<vmem_shared>>
      %dma_wait3A_44 = arith.constant 0 : i32
      %dma_wait3A_45 = tpu.memref_slice %arg7[%add3A_24, %dma_wait3A_44] : memref<10240x16xf32, #tpu.memory_space<vmem_shared>> -> memref<128x16xf32, #tpu.memory_space<vmem_shared>>
      tpu.wait_dma2 semaphore(%run_scoped3A : memref<!tpu.dma_semaphore, #tpu.memory_space<semaphore_mem>>) src(%arg5 : memref<128x16xf32, #tpu.memory_space<vmem>>) dst(%dma_wait3A_45 : memref<128x16xf32, #tpu.memory_space<vmem_shared>>)
      tpu.yield
    }) : () -> ()
    %barrier3A = arith.constant 0 : index
    tpu.barrier barrier_id(%barrier3A)
    %mul3A_25 = arith.constant 80 : i32
    %mul3A_26 = arith.muli %add3A, %mul3A_25 : i32
    "tpu.region"() ({
      %run_scoped3A = tpu.sem_alloc : memref<!tpu.dma_semaphore, #tpu.memory_space<semaphore_mem>>
      %dma_start3A = arith.constant 0 : i32
      %dma_start3A_40 = tpu.memref_slice %arg2[%mul3A_26, %dma_start3A] : memref<2560x128xi32, #tpu.memory_space<hbm>> -> memref<80x128xi32, #tpu.memory_space<hbm>>
      %dma_start3A_41 = arith.constant 0 : i32
      %dma_start3A_42 = tpu.memref_slice %arg2[%mul3A_26, %dma_start3A_41] : memref<2560x128xi32, #tpu.memory_space<hbm>> -> memref<80x128xi32, #tpu.memory_space<hbm>>
      tpu.enqueue_dma source(%dma_start3A_42 : memref<80x128xi32, #tpu.memory_space<hbm>>) target(%arg6 : memref<80x128xi32, #tpu.memory_space<vmem>>) target_semaphore(%run_scoped3A : memref<!tpu.dma_semaphore, #tpu.memory_space<semaphore_mem>>)
      %dma_wait3A = arith.constant 0 : i32
      %dma_wait3A_43 = tpu.memref_slice %arg2[%mul3A_26, %dma_wait3A] : memref<2560x128xi32, #tpu.memory_space<hbm>> -> memref<80x128xi32, #tpu.memory_space<hbm>>
      %dma_wait3A_44 = arith.constant 0 : i32
      %dma_wait3A_45 = tpu.memref_slice %arg2[%mul3A_26, %dma_wait3A_44] : memref<2560x128xi32, #tpu.memory_space<hbm>> -> memref<80x128xi32, #tpu.memory_space<hbm>>
      tpu.wait_dma2 semaphore(%run_scoped3A : memref<!tpu.dma_semaphore, #tpu.memory_space<semaphore_mem>>) src(%dma_wait3A_45 : memref<80x128xi32, #tpu.memory_space<hbm>>) dst(%arg6 : memref<80x128xi32, #tpu.memory_space<vmem>>)
      tpu.yield
    }) : () -> ()
    %scan3A_27 = arith.constant 0 : i32
    %scan3A_28 = arith.constant 80 : i32
    %scan3A_29 = arith.addi %scan3A_27, %scan3A_28 : i32
    %scan3A_30 = arith.constant 1 : i32
    scf.for %scan3A_40 = %scan3A_27 to %scan3A_29 step %scan3A_30  : i32 {
      %mul3A_41 = arith.constant 1 : i32
      %mul3A_42 = arith.muli %scan3A_40, %mul3A_41 : i32
      %add3A_43 = arith.constant 0 : i32
      %add3A_44 = arith.addi %add3A_43, %mul3A_42 : i32
      "tpu.region"() ({
        %run_scoped3A = tpu.sem_alloc : memref<!tpu.dma_semaphore, #tpu.memory_space<semaphore_mem>>
        %dma_start3A = arith.constant 0 : i32
        %dma_start3A_45 = tpu.memref_slice %arg6[%add3A_44, %dma_start3A] : memref<80x128xi32, #tpu.memory_space<vmem>> -> memref<1x128xi32, #tpu.memory_space<vmem>>
        %dma_start3A_46 = tpu.memref_squeeze %dma_start3A_45 : memref<1x128xi32, #tpu.memory_space<vmem>> -> memref<128xi32, #tpu.memory_space<vmem>>
        %dma_start3A_47 = arith.constant 0 : i32
        %dma_start3A_48 = arith.constant 0 : i32
        %dma_start3A_49 = tpu.memref_slice %arg7[%dma_start3A_47, %dma_start3A_48] : memref<10240x16xf32, #tpu.memory_space<vmem_shared>> -> memref<10240x16xf32, #tpu.memory_space<vmem_shared>>
        tpu.enqueue_indirect_dma source(%arg4 : memref<128x16xf32, #tpu.memory_space<vmem>>) target(%dma_start3A_49 : memref<10240x16xf32, #tpu.memory_space<vmem_shared>>) offsets(%dma_start3A_46 : memref<128xi32, #tpu.memory_space<vmem>>) semaphore(%run_scoped3A : memref<!tpu.dma_semaphore, #tpu.memory_space<semaphore_mem>>) {add = true}
        %dma_wait3A = arith.constant 0 : i32
        %dma_wait3A_50 = tpu.memref_slice %arg6[%add3A_44, %dma_wait3A] : memref<80x128xi32, #tpu.memory_space<vmem>> -> memref<1x128xi32, #tpu.memory_space<vmem>>
        %dma_wait3A_51 = tpu.memref_squeeze %dma_wait3A_50 : memref<1x128xi32, #tpu.memory_space<vmem>> -> memref<128xi32, #tpu.memory_space<vmem>>
        %dma_wait3A_52 = arith.constant 0 : i32
        %dma_wait3A_53 = arith.constant 0 : i32
        %dma_wait3A_54 = tpu.memref_slice %arg7[%dma_wait3A_52, %dma_wait3A_53] : memref<10240x16xf32, #tpu.memory_space<vmem_shared>> -> memref<10240x16xf32, #tpu.memory_space<vmem_shared>>
        tpu.wait_indirect_dma semaphore(%run_scoped3A : memref<!tpu.dma_semaphore, #tpu.memory_space<semaphore_mem>>) src(%arg4 : memref<128x16xf32, #tpu.memory_space<vmem>>) dst(%dma_wait3A_54 : memref<10240x16xf32, #tpu.memory_space<vmem_shared>>)
        tpu.yield
      }) : () -> ()
    }
    %scan3A_31 = arith.constant 80 : i32
    %barrier3A_32 = arith.constant 0 : index
    tpu.barrier barrier_id(%barrier3A_32)
    %mul3A_33 = arith.constant 640 : i32
    %mul3A_34 = arith.muli %arg1, %mul3A_33 : i32
    %mul3A_35 = arith.constant 10240 : i32
    %mul3A_36 = arith.muli %arg0, %mul3A_35 : i32
    %mul3A_37 = arith.constant 640 : i32
    %mul3A_38 = arith.muli %arg1, %mul3A_37 : i32
    %add3A_39 = arith.addi %mul3A_36, %mul3A_38 : i32
    "tpu.region"() ({
      %run_scoped3A = tpu.sem_alloc : memref<!tpu.dma_semaphore, #tpu.memory_space<semaphore_mem>>
      %dma_start3A = arith.constant 0 : i32
      %dma_start3A_40 = tpu.memref_slice %arg3[%add3A_39, %dma_start3A] : memref<20480x16xf32, #tpu.memory_space<hbm>> -> memref<640x16xf32, #tpu.memory_space<hbm>>
      %dma_start3A_41 = arith.constant 0 : i32
      %dma_start3A_42 = tpu.memref_slice %arg7[%mul3A_34, %dma_start3A_41] : memref<10240x16xf32, #tpu.memory_space<vmem_shared>> -> memref<640x16xf32, #tpu.memory_space<vmem_shared>>
      tpu.enqueue_dma source(%dma_start3A_42 : memref<640x16xf32, #tpu.memory_space<vmem_shared>>) target(%dma_start3A_40 : memref<640x16xf32, #tpu.memory_space<hbm>>) target_semaphore(%run_scoped3A : memref<!tpu.dma_semaphore, #tpu.memory_space<semaphore_mem>>)
      %dma_wait3A = arith.constant 0 : i32
      %dma_wait3A_43 = tpu.memref_slice %arg3[%add3A_39, %dma_wait3A] : memref<20480x16xf32, #tpu.memory_space<hbm>> -> memref<640x16xf32, #tpu.memory_space<hbm>>
      %dma_wait3A_44 = arith.constant 0 : i32
      %dma_wait3A_45 = tpu.memref_slice %arg7[%mul3A_34, %dma_wait3A_44] : memref<10240x16xf32, #tpu.memory_space<vmem_shared>> -> memref<640x16xf32, #tpu.memory_space<vmem_shared>>
      tpu.wait_dma2 semaphore(%run_scoped3A : memref<!tpu.dma_semaphore, #tpu.memory_space<semaphore_mem>>) src(%dma_wait3A_45 : memref<640x16xf32, #tpu.memory_space<vmem_shared>>) dst(%dma_wait3A_43 : memref<640x16xf32, #tpu.memory_space<hbm>>)
      tpu.yield
    }) : () -> ()
    return
  }
}

#map = affine_map<(d0, d1) -> (0, 0)>
module attributes {stable_mosaic.version = 14 : i64} {
  func.func @_agg_kernel(%arg0: i32, %arg1: i32, %arg2: memref<10240x64xf32, #tpu.memory_space<hbm>>, %arg3: memref<10240x64xf32, #tpu.memory_space<hbm>>, %arg4: memref<2560x128xi32, #tpu.memory_space<hbm>>, %arg5: memref<2560x128xi32, #tpu.memory_space<hbm>>, %arg6: memref<20480x64xf32, #tpu.memory_space<hbm>>, %arg7: memref<20480x64xf32, #tpu.memory_space<hbm>>, %arg8: memref<81x128xi32, #tpu.memory_space<vmem>>, %arg9: memref<80x128xi32, #tpu.memory_space<vmem>>, %arg10: memref<128x64xf32, #tpu.memory_space<vmem>>, %arg11: memref<128x64xf32, #tpu.memory_space<vmem>>, %arg12: memref<128x64xf32, #tpu.memory_space<vmem>>, %arg13: memref<10240x64xf32, #tpu.memory_space<vmem_shared>>, %arg14: memref<!tpu.dma_semaphore, #tpu.memory_space<semaphore_mem>>, %arg15: memref<!tpu.dma_semaphore, #tpu.memory_space<semaphore_mem>>) attributes {dimension_semantics = [#tpu.dimension_semantics<core_parallel>, #tpu.dimension_semantics<subcore_parallel>], iteration_bounds = array<i64: 2, 16>, scalar_prefetch = 0 : i64, scratch_operands = 8 : i64, tpu.core_type = #tpu.core_type<sc_vector_subcore>, window_params = [{transform_indices = #map}, {transform_indices = #map}, {transform_indices = #map}, {transform_indices = #map}, {transform_indices = #map}, {transform_indices = #map}]} {
    %mul3A = arith.constant 16 : i32
    %mul3A_0 = arith.muli %arg0, %mul3A : i32
    %add3A = arith.addi %mul3A_0, %arg1 : i32
    %scan3A = arith.constant 0 : i32
    %scan3A_1 = arith.constant 128 : i32
    %scan3A_2 = arith.addi %scan3A, %scan3A_1 : i32
    %scan3A_3 = arith.constant 1 : i32
    scf.for %scan3A_166 = %scan3A to %scan3A_2 step %scan3A_3  : i32 {
      %mul3A_167 = arith.constant 1 : i32
      %mul3A_168 = arith.muli %scan3A_166, %mul3A_167 : i32
      %add3A_169 = arith.constant 0 : i32
      %add3A_170 = arith.addi %add3A_169, %mul3A_168 : i32
      %broadcast_in_dim3A_171 = arith.constant 0.000000e+00 : f32
      %broadcast_in_dim3A_172 = vector.broadcast %broadcast_in_dim3A_171 : f32 to vector<16xf32>
      %swap3A_173 = arith.index_cast %add3A_170 : i32 to index
      %swap3A_174 = arith.constant 0 : index
      %swap3A_175 = tpu.vector_load %arg12[%swap3A_173, %swap3A_174] {strides = array<i32>} : memref<128x64xf32, #tpu.memory_space<vmem>>, vector<1x16xf32>,
      %swap3A_176 = vector.shape_cast %swap3A_175 : vector<1x16xf32> to vector<16xf32>
      %swap3A_177 = vector.shape_cast %broadcast_in_dim3A_172 : vector<16xf32> to vector<1x16xf32>
      tpu.vector_store %arg12[%swap3A_173, %swap3A_174], %swap3A_177 {strides = array<i32>} : memref<128x64xf32, #tpu.memory_space<vmem>>, vector<1x16xf32>,
      %broadcast_in_dim3A_178 = arith.constant 0.000000e+00 : f32
      %broadcast_in_dim3A_179 = vector.broadcast %broadcast_in_dim3A_178 : f32 to vector<16xf32>
      %swap3A_180 = arith.index_cast %add3A_170 : i32 to index
      %swap3A_181 = arith.constant 16 : index
      %swap3A_182 = tpu.vector_load %arg12[%swap3A_180, %swap3A_181] {strides = array<i32>} : memref<128x64xf32, #tpu.memory_space<vmem>>, vector<1x16xf32>,
      %swap3A_183 = vector.shape_cast %swap3A_182 : vector<1x16xf32> to vector<16xf32>
      %swap3A_184 = vector.shape_cast %broadcast_in_dim3A_179 : vector<16xf32> to vector<1x16xf32>
      tpu.vector_store %arg12[%swap3A_180, %swap3A_181], %swap3A_184 {strides = array<i32>} : memref<128x64xf32, #tpu.memory_space<vmem>>, vector<1x16xf32>,
      %broadcast_in_dim3A_185 = arith.constant 0.000000e+00 : f32
      %broadcast_in_dim3A_186 = vector.broadcast %broadcast_in_dim3A_185 : f32 to vector<16xf32>
      %swap3A_187 = arith.index_cast %add3A_170 : i32 to index
      %swap3A_188 = arith.constant 32 : index
      %swap3A_189 = tpu.vector_load %arg12[%swap3A_187, %swap3A_188] {strides = array<i32>} : memref<128x64xf32, #tpu.memory_space<vmem>>, vector<1x16xf32>,
      %swap3A_190 = vector.shape_cast %swap3A_189 : vector<1x16xf32> to vector<16xf32>
      %swap3A_191 = vector.shape_cast %broadcast_in_dim3A_186 : vector<16xf32> to vector<1x16xf32>
      tpu.vector_store %arg12[%swap3A_187, %swap3A_188], %swap3A_191 {strides = array<i32>} : memref<128x64xf32, #tpu.memory_space<vmem>>, vector<1x16xf32>,
      %broadcast_in_dim3A_192 = arith.constant 0.000000e+00 : f32
      %broadcast_in_dim3A_193 = vector.broadcast %broadcast_in_dim3A_192 : f32 to vector<16xf32>
      %swap3A_194 = arith.index_cast %add3A_170 : i32 to index
      %swap3A_195 = arith.constant 48 : index
      %swap3A_196 = tpu.vector_load %arg12[%swap3A_194, %swap3A_195] {strides = array<i32>} : memref<128x64xf32, #tpu.memory_space<vmem>>, vector<1x16xf32>,
      %swap3A_197 = vector.shape_cast %swap3A_196 : vector<1x16xf32> to vector<16xf32>
      %swap3A_198 = vector.shape_cast %broadcast_in_dim3A_193 : vector<16xf32> to vector<1x16xf32>
      tpu.vector_store %arg12[%swap3A_194, %swap3A_195], %swap3A_198 {strides = array<i32>} : memref<128x64xf32, #tpu.memory_space<vmem>>, vector<1x16xf32>,
    }
    %scan3A_4 = arith.constant 128 : i32
    %broadcast_in_dim3A = arith.constant 0 : i32
    %broadcast_in_dim3A_5 = vector.broadcast %broadcast_in_dim3A : i32 to vector<16xi32>
    %swap3A = arith.constant 80 : i32
    %swap3A_6 = arith.index_cast %swap3A : i32 to index
    %swap3A_7 = arith.constant 0 : index
    %swap3A_8 = tpu.vector_load %arg8[%swap3A_6, %swap3A_7] {strides = array<i32>} : memref<81x128xi32, #tpu.memory_space<vmem>>, vector<1x16xi32>,
    %swap3A_9 = vector.shape_cast %swap3A_8 : vector<1x16xi32> to vector<16xi32>
    %swap3A_10 = vector.shape_cast %broadcast_in_dim3A_5 : vector<16xi32> to vector<1x16xi32>
    tpu.vector_store %arg8[%swap3A_6, %swap3A_7], %swap3A_10 {strides = array<i32>} : memref<81x128xi32, #tpu.memory_space<vmem>>, vector<1x16xi32>,
    %broadcast_in_dim3A_11 = arith.constant 0 : i32
    %broadcast_in_dim3A_12 = vector.broadcast %broadcast_in_dim3A_11 : i32 to vector<16xi32>
    %swap3A_13 = arith.constant 80 : i32
    %swap3A_14 = arith.index_cast %swap3A_13 : i32 to index
    %swap3A_15 = arith.constant 16 : index
    %swap3A_16 = tpu.vector_load %arg8[%swap3A_14, %swap3A_15] {strides = array<i32>} : memref<81x128xi32, #tpu.memory_space<vmem>>, vector<1x16xi32>,
    %swap3A_17 = vector.shape_cast %swap3A_16 : vector<1x16xi32> to vector<16xi32>
    %swap3A_18 = vector.shape_cast %broadcast_in_dim3A_12 : vector<16xi32> to vector<1x16xi32>
    tpu.vector_store %arg8[%swap3A_14, %swap3A_15], %swap3A_18 {strides = array<i32>} : memref<81x128xi32, #tpu.memory_space<vmem>>, vector<1x16xi32>,
    %broadcast_in_dim3A_19 = arith.constant 0 : i32
    %broadcast_in_dim3A_20 = vector.broadcast %broadcast_in_dim3A_19 : i32 to vector<16xi32>
    %swap3A_21 = arith.constant 80 : i32
    %swap3A_22 = arith.index_cast %swap3A_21 : i32 to index
    %swap3A_23 = arith.constant 32 : index
    %swap3A_24 = tpu.vector_load %arg8[%swap3A_22, %swap3A_23] {strides = array<i32>} : memref<81x128xi32, #tpu.memory_space<vmem>>, vector<1x16xi32>,
    %swap3A_25 = vector.shape_cast %swap3A_24 : vector<1x16xi32> to vector<16xi32>
    %swap3A_26 = vector.shape_cast %broadcast_in_dim3A_20 : vector<16xi32> to vector<1x16xi32>
    tpu.vector_store %arg8[%swap3A_22, %swap3A_23], %swap3A_26 {strides = array<i32>} : memref<81x128xi32, #tpu.memory_space<vmem>>, vector<1x16xi32>,
    %broadcast_in_dim3A_27 = arith.constant 0 : i32
    %broadcast_in_dim3A_28 = vector.broadcast %broadcast_in_dim3A_27 : i32 to vector<16xi32>
    %swap3A_29 = arith.constant 80 : i32
    %swap3A_30 = arith.index_cast %swap3A_29 : i32 to index
    %swap3A_31 = arith.constant 48 : index
    %swap3A_32 = tpu.vector_load %arg8[%swap3A_30, %swap3A_31] {strides = array<i32>} : memref<81x128xi32, #tpu.memory_space<vmem>>, vector<1x16xi32>,
    %swap3A_33 = vector.shape_cast %swap3A_32 : vector<1x16xi32> to vector<16xi32>
    %swap3A_34 = vector.shape_cast %broadcast_in_dim3A_28 : vector<16xi32> to vector<1x16xi32>
    tpu.vector_store %arg8[%swap3A_30, %swap3A_31], %swap3A_34 {strides = array<i32>} : memref<81x128xi32, #tpu.memory_space<vmem>>, vector<1x16xi32>,
    %broadcast_in_dim3A_35 = arith.constant 0 : i32
    %broadcast_in_dim3A_36 = vector.broadcast %broadcast_in_dim3A_35 : i32 to vector<16xi32>
    %swap3A_37 = arith.constant 80 : i32
    %swap3A_38 = arith.index_cast %swap3A_37 : i32 to index
    %swap3A_39 = arith.constant 64 : index
    %swap3A_40 = tpu.vector_load %arg8[%swap3A_38, %swap3A_39] {strides = array<i32>} : memref<81x128xi32, #tpu.memory_space<vmem>>, vector<1x16xi32>,
    %swap3A_41 = vector.shape_cast %swap3A_40 : vector<1x16xi32> to vector<16xi32>
    %swap3A_42 = vector.shape_cast %broadcast_in_dim3A_36 : vector<16xi32> to vector<1x16xi32>
    tpu.vector_store %arg8[%swap3A_38, %swap3A_39], %swap3A_42 {strides = array<i32>} : memref<81x128xi32, #tpu.memory_space<vmem>>, vector<1x16xi32>,
    %broadcast_in_dim3A_43 = arith.constant 0 : i32
    %broadcast_in_dim3A_44 = vector.broadcast %broadcast_in_dim3A_43 : i32 to vector<16xi32>
    %swap3A_45 = arith.constant 80 : i32
    %swap3A_46 = arith.index_cast %swap3A_45 : i32 to index
    %swap3A_47 = arith.constant 80 : index
    %swap3A_48 = tpu.vector_load %arg8[%swap3A_46, %swap3A_47] {strides = array<i32>} : memref<81x128xi32, #tpu.memory_space<vmem>>, vector<1x16xi32>,
    %swap3A_49 = vector.shape_cast %swap3A_48 : vector<1x16xi32> to vector<16xi32>
    %swap3A_50 = vector.shape_cast %broadcast_in_dim3A_44 : vector<16xi32> to vector<1x16xi32>
    tpu.vector_store %arg8[%swap3A_46, %swap3A_47], %swap3A_50 {strides = array<i32>} : memref<81x128xi32, #tpu.memory_space<vmem>>, vector<1x16xi32>,
    %broadcast_in_dim3A_51 = arith.constant 0 : i32
    %broadcast_in_dim3A_52 = vector.broadcast %broadcast_in_dim3A_51 : i32 to vector<16xi32>
    %swap3A_53 = arith.constant 80 : i32
    %swap3A_54 = arith.index_cast %swap3A_53 : i32 to index
    %swap3A_55 = arith.constant 96 : index
    %swap3A_56 = tpu.vector_load %arg8[%swap3A_54, %swap3A_55] {strides = array<i32>} : memref<81x128xi32, #tpu.memory_space<vmem>>, vector<1x16xi32>,
    %swap3A_57 = vector.shape_cast %swap3A_56 : vector<1x16xi32> to vector<16xi32>
    %swap3A_58 = vector.shape_cast %broadcast_in_dim3A_52 : vector<16xi32> to vector<1x16xi32>
    tpu.vector_store %arg8[%swap3A_54, %swap3A_55], %swap3A_58 {strides = array<i32>} : memref<81x128xi32, #tpu.memory_space<vmem>>, vector<1x16xi32>,
    %broadcast_in_dim3A_59 = arith.constant 0 : i32
    %broadcast_in_dim3A_60 = vector.broadcast %broadcast_in_dim3A_59 : i32 to vector<16xi32>
    %swap3A_61 = arith.constant 80 : i32
    %swap3A_62 = arith.index_cast %swap3A_61 : i32 to index
    %swap3A_63 = arith.constant 112 : index
    %swap3A_64 = tpu.vector_load %arg8[%swap3A_62, %swap3A_63] {strides = array<i32>} : memref<81x128xi32, #tpu.memory_space<vmem>>, vector<1x16xi32>,
    %swap3A_65 = vector.shape_cast %swap3A_64 : vector<1x16xi32> to vector<16xi32>
    %swap3A_66 = vector.shape_cast %broadcast_in_dim3A_60 : vector<16xi32> to vector<1x16xi32>
    tpu.vector_store %arg8[%swap3A_62, %swap3A_63], %swap3A_66 {strides = array<i32>} : memref<81x128xi32, #tpu.memory_space<vmem>>, vector<1x16xi32>,
    %mul3A_67 = arith.constant 80 : i32
    %mul3A_68 = arith.muli %add3A, %mul3A_67 : i32
    "tpu.region"() ({
      %run_scoped3A = tpu.sem_alloc : memref<!tpu.dma_semaphore, #tpu.memory_space<semaphore_mem>>
      %dma_start3A_166 = arith.constant 0 : i32
      %dma_start3A_167 = arith.constant 0 : i32
      %dma_start3A_168 = tpu.memref_slice %arg8[%dma_start3A_166, %dma_start3A_167] : memref<81x128xi32, #tpu.memory_space<vmem>> -> memref<80x128xi32, #tpu.memory_space<vmem>>
      %dma_start3A_169 = arith.constant 0 : i32
      %dma_start3A_170 = tpu.memref_slice %arg4[%mul3A_68, %dma_start3A_169] : memref<2560x128xi32, #tpu.memory_space<hbm>> -> memref<80x128xi32, #tpu.memory_space<hbm>>
      %dma_start3A_171 = arith.constant 0 : i32
      %dma_start3A_172 = arith.constant 0 : i32
      %dma_start3A_173 = tpu.memref_slice %arg8[%dma_start3A_171, %dma_start3A_172] : memref<81x128xi32, #tpu.memory_space<vmem>> -> memref<80x128xi32, #tpu.memory_space<vmem>>
      %dma_start3A_174 = arith.constant 0 : i32
      %dma_start3A_175 = tpu.memref_slice %arg4[%mul3A_68, %dma_start3A_174] : memref<2560x128xi32, #tpu.memory_space<hbm>> -> memref<80x128xi32, #tpu.memory_space<hbm>>
      tpu.enqueue_dma source(%dma_start3A_175 : memref<80x128xi32, #tpu.memory_space<hbm>>) target(%dma_start3A_173 : memref<80x128xi32, #tpu.memory_space<vmem>>) target_semaphore(%run_scoped3A : memref<!tpu.dma_semaphore, #tpu.memory_space<semaphore_mem>>)
      %dma_wait3A_176 = arith.constant 0 : i32
      %dma_wait3A_177 = arith.constant 0 : i32
      %dma_wait3A_178 = tpu.memref_slice %arg8[%dma_wait3A_176, %dma_wait3A_177] : memref<81x128xi32, #tpu.memory_space<vmem>> -> memref<80x128xi32, #tpu.memory_space<vmem>>
      %dma_wait3A_179 = arith.constant 0 : i32
      %dma_wait3A_180 = tpu.memref_slice %arg4[%mul3A_68, %dma_wait3A_179] : memref<2560x128xi32, #tpu.memory_space<hbm>> -> memref<80x128xi32, #tpu.memory_space<hbm>>
      %dma_wait3A_181 = arith.constant 0 : i32
      %dma_wait3A_182 = arith.constant 0 : i32
      %dma_wait3A_183 = tpu.memref_slice %arg8[%dma_wait3A_181, %dma_wait3A_182] : memref<81x128xi32, #tpu.memory_space<vmem>> -> memref<80x128xi32, #tpu.memory_space<vmem>>
      %dma_wait3A_184 = arith.constant 0 : i32
      %dma_wait3A_185 = tpu.memref_slice %arg4[%mul3A_68, %dma_wait3A_184] : memref<2560x128xi32, #tpu.memory_space<hbm>> -> memref<80x128xi32, #tpu.memory_space<hbm>>
      tpu.wait_dma2 semaphore(%run_scoped3A : memref<!tpu.dma_semaphore, #tpu.memory_space<semaphore_mem>>) src(%dma_wait3A_185 : memref<80x128xi32, #tpu.memory_space<hbm>>) dst(%dma_wait3A_183 : memref<80x128xi32, #tpu.memory_space<vmem>>)
      tpu.yield
    }) : () -> ()
    %mul3A_69 = arith.constant 80 : i32
    %mul3A_70 = arith.muli %add3A, %mul3A_69 : i32
    "tpu.region"() ({
      %run_scoped3A = tpu.sem_alloc : memref<!tpu.dma_semaphore, #tpu.memory_space<semaphore_mem>>
      %dma_start3A_166 = arith.constant 0 : i32
      %dma_start3A_167 = tpu.memref_slice %arg5[%mul3A_70, %dma_start3A_166] : memref<2560x128xi32, #tpu.memory_space<hbm>> -> memref<80x128xi32, #tpu.memory_space<hbm>>
      %dma_start3A_168 = arith.constant 0 : i32
      %dma_start3A_169 = tpu.memref_slice %arg5[%mul3A_70, %dma_start3A_168] : memref<2560x128xi32, #tpu.memory_space<hbm>> -> memref<80x128xi32, #tpu.memory_space<hbm>>
      tpu.enqueue_dma source(%dma_start3A_169 : memref<80x128xi32, #tpu.memory_space<hbm>>) target(%arg9 : memref<80x128xi32, #tpu.memory_space<vmem>>) target_semaphore(%run_scoped3A : memref<!tpu.dma_semaphore, #tpu.memory_space<semaphore_mem>>)
      %dma_wait3A_170 = arith.constant 0 : i32
      %dma_wait3A_171 = tpu.memref_slice %arg5[%mul3A_70, %dma_wait3A_170] : memref<2560x128xi32, #tpu.memory_space<hbm>> -> memref<80x128xi32, #tpu.memory_space<hbm>>
      %dma_wait3A_172 = arith.constant 0 : i32
      %dma_wait3A_173 = tpu.memref_slice %arg5[%mul3A_70, %dma_wait3A_172] : memref<2560x128xi32, #tpu.memory_space<hbm>> -> memref<80x128xi32, #tpu.memory_space<hbm>>
      tpu.wait_dma2 semaphore(%run_scoped3A : memref<!tpu.dma_semaphore, #tpu.memory_space<semaphore_mem>>) src(%dma_wait3A_173 : memref<80x128xi32, #tpu.memory_space<hbm>>) dst(%arg9 : memref<80x128xi32, #tpu.memory_space<vmem>>)
      tpu.yield
    }) : () -> ()
    %mul3A_71 = arith.constant 640 : i32
    %mul3A_72 = arith.muli %arg1, %mul3A_71 : i32
    %add3A_73 = arith.constant 0 : i32
    %add3A_74 = arith.addi %mul3A_72, %add3A_73 : i32
    "tpu.region"() ({
      %run_scoped3A = tpu.sem_alloc : memref<!tpu.dma_semaphore, #tpu.memory_space<semaphore_mem>>
      %dma_start3A_166 = arith.constant 0 : i32
      %dma_start3A_167 = tpu.memref_slice %arg13[%add3A_74, %dma_start3A_166] : memref<10240x64xf32, #tpu.memory_space<vmem_shared>> -> memref<128x64xf32, #tpu.memory_space<vmem_shared>>
      %dma_start3A_168 = arith.constant 0 : i32
      %dma_start3A_169 = tpu.memref_slice %arg13[%add3A_74, %dma_start3A_168] : memref<10240x64xf32, #tpu.memory_space<vmem_shared>> -> memref<128x64xf32, #tpu.memory_space<vmem_shared>>
      tpu.enqueue_dma source(%arg12 : memref<128x64xf32, #tpu.memory_space<vmem>>) target(%dma_start3A_169 : memref<128x64xf32, #tpu.memory_space<vmem_shared>>) target_semaphore(%run_scoped3A : memref<!tpu.dma_semaphore, #tpu.memory_space<semaphore_mem>>)
      %dma_wait3A_170 = arith.constant 0 : i32
      %dma_wait3A_171 = tpu.memref_slice %arg13[%add3A_74, %dma_wait3A_170] : memref<10240x64xf32, #tpu.memory_space<vmem_shared>> -> memref<128x64xf32, #tpu.memory_space<vmem_shared>>
      %dma_wait3A_172 = arith.constant 0 : i32
      %dma_wait3A_173 = tpu.memref_slice %arg13[%add3A_74, %dma_wait3A_172] : memref<10240x64xf32, #tpu.memory_space<vmem_shared>> -> memref<128x64xf32, #tpu.memory_space<vmem_shared>>
      tpu.wait_dma2 semaphore(%run_scoped3A : memref<!tpu.dma_semaphore, #tpu.memory_space<semaphore_mem>>) src(%arg12 : memref<128x64xf32, #tpu.memory_space<vmem>>) dst(%dma_wait3A_173 : memref<128x64xf32, #tpu.memory_space<vmem_shared>>)
      tpu.yield
    }) : () -> ()
    %mul3A_75 = arith.constant 640 : i32
    %mul3A_76 = arith.muli %arg1, %mul3A_75 : i32
    %add3A_77 = arith.constant 128 : i32
    %add3A_78 = arith.addi %mul3A_76, %add3A_77 : i32
    "tpu.region"() ({
      %run_scoped3A = tpu.sem_alloc : memref<!tpu.dma_semaphore, #tpu.memory_space<semaphore_mem>>
      %dma_start3A_166 = arith.constant 0 : i32
      %dma_start3A_167 = tpu.memref_slice %arg13[%add3A_78, %dma_start3A_166] : memref<10240x64xf32, #tpu.memory_space<vmem_shared>> -> memref<128x64xf32, #tpu.memory_space<vmem_shared>>
      %dma_start3A_168 = arith.constant 0 : i32
      %dma_start3A_169 = tpu.memref_slice %arg13[%add3A_78, %dma_start3A_168] : memref<10240x64xf32, #tpu.memory_space<vmem_shared>> -> memref<128x64xf32, #tpu.memory_space<vmem_shared>>
      tpu.enqueue_dma source(%arg12 : memref<128x64xf32, #tpu.memory_space<vmem>>) target(%dma_start3A_169 : memref<128x64xf32, #tpu.memory_space<vmem_shared>>) target_semaphore(%run_scoped3A : memref<!tpu.dma_semaphore, #tpu.memory_space<semaphore_mem>>)
      %dma_wait3A_170 = arith.constant 0 : i32
      %dma_wait3A_171 = tpu.memref_slice %arg13[%add3A_78, %dma_wait3A_170] : memref<10240x64xf32, #tpu.memory_space<vmem_shared>> -> memref<128x64xf32, #tpu.memory_space<vmem_shared>>
      %dma_wait3A_172 = arith.constant 0 : i32
      %dma_wait3A_173 = tpu.memref_slice %arg13[%add3A_78, %dma_wait3A_172] : memref<10240x64xf32, #tpu.memory_space<vmem_shared>> -> memref<128x64xf32, #tpu.memory_space<vmem_shared>>
      tpu.wait_dma2 semaphore(%run_scoped3A : memref<!tpu.dma_semaphore, #tpu.memory_space<semaphore_mem>>) src(%arg12 : memref<128x64xf32, #tpu.memory_space<vmem>>) dst(%dma_wait3A_173 : memref<128x64xf32, #tpu.memory_space<vmem_shared>>)
      tpu.yield
    }) : () -> ()
    %mul3A_79 = arith.constant 640 : i32
    %mul3A_80 = arith.muli %arg1, %mul3A_79 : i32
    %add3A_81 = arith.constant 256 : i32
    %add3A_82 = arith.addi %mul3A_80, %add3A_81 : i32
    "tpu.region"() ({
      %run_scoped3A = tpu.sem_alloc : memref<!tpu.dma_semaphore, #tpu.memory_space<semaphore_mem>>
      %dma_start3A_166 = arith.constant 0 : i32
      %dma_start3A_167 = tpu.memref_slice %arg13[%add3A_82, %dma_start3A_166] : memref<10240x64xf32, #tpu.memory_space<vmem_shared>> -> memref<128x64xf32, #tpu.memory_space<vmem_shared>>
      %dma_start3A_168 = arith.constant 0 : i32
      %dma_start3A_169 = tpu.memref_slice %arg13[%add3A_82, %dma_start3A_168] : memref<10240x64xf32, #tpu.memory_space<vmem_shared>> -> memref<128x64xf32, #tpu.memory_space<vmem_shared>>
      tpu.enqueue_dma source(%arg12 : memref<128x64xf32, #tpu.memory_space<vmem>>) target(%dma_start3A_169 : memref<128x64xf32, #tpu.memory_space<vmem_shared>>) target_semaphore(%run_scoped3A : memref<!tpu.dma_semaphore, #tpu.memory_space<semaphore_mem>>)
      %dma_wait3A_170 = arith.constant 0 : i32
      %dma_wait3A_171 = tpu.memref_slice %arg13[%add3A_82, %dma_wait3A_170] : memref<10240x64xf32, #tpu.memory_space<vmem_shared>> -> memref<128x64xf32, #tpu.memory_space<vmem_shared>>
      %dma_wait3A_172 = arith.constant 0 : i32
      %dma_wait3A_173 = tpu.memref_slice %arg13[%add3A_82, %dma_wait3A_172] : memref<10240x64xf32, #tpu.memory_space<vmem_shared>> -> memref<128x64xf32, #tpu.memory_space<vmem_shared>>
      tpu.wait_dma2 semaphore(%run_scoped3A : memref<!tpu.dma_semaphore, #tpu.memory_space<semaphore_mem>>) src(%arg12 : memref<128x64xf32, #tpu.memory_space<vmem>>) dst(%dma_wait3A_173 : memref<128x64xf32, #tpu.memory_space<vmem_shared>>)
      tpu.yield
    }) : () -> ()
    %mul3A_83 = arith.constant 640 : i32
    %mul3A_84 = arith.muli %arg1, %mul3A_83 : i32
    %add3A_85 = arith.constant 384 : i32
    %add3A_86 = arith.addi %mul3A_84, %add3A_85 : i32
    "tpu.region"() ({
      %run_scoped3A = tpu.sem_alloc : memref<!tpu.dma_semaphore, #tpu.memory_space<semaphore_mem>>
      %dma_start3A_166 = arith.constant 0 : i32
      %dma_start3A_167 = tpu.memref_slice %arg13[%add3A_86, %dma_start3A_166] : memref<10240x64xf32, #tpu.memory_space<vmem_shared>> -> memref<128x64xf32, #tpu.memory_space<vmem_shared>>
      %dma_start3A_168 = arith.constant 0 : i32
      %dma_start3A_169 = tpu.memref_slice %arg13[%add3A_86, %dma_start3A_168] : memref<10240x64xf32, #tpu.memory_space<vmem_shared>> -> memref<128x64xf32, #tpu.memory_space<vmem_shared>>
      tpu.enqueue_dma source(%arg12 : memref<128x64xf32, #tpu.memory_space<vmem>>) target(%dma_start3A_169 : memref<128x64xf32, #tpu.memory_space<vmem_shared>>) target_semaphore(%run_scoped3A : memref<!tpu.dma_semaphore, #tpu.memory_space<semaphore_mem>>)
      %dma_wait3A_170 = arith.constant 0 : i32
      %dma_wait3A_171 = tpu.memref_slice %arg13[%add3A_86, %dma_wait3A_170] : memref<10240x64xf32, #tpu.memory_space<vmem_shared>> -> memref<128x64xf32, #tpu.memory_space<vmem_shared>>
      %dma_wait3A_172 = arith.constant 0 : i32
      %dma_wait3A_173 = tpu.memref_slice %arg13[%add3A_86, %dma_wait3A_172] : memref<10240x64xf32, #tpu.memory_space<vmem_shared>> -> memref<128x64xf32, #tpu.memory_space<vmem_shared>>
      tpu.wait_dma2 semaphore(%run_scoped3A : memref<!tpu.dma_semaphore, #tpu.memory_space<semaphore_mem>>) src(%arg12 : memref<128x64xf32, #tpu.memory_space<vmem>>) dst(%dma_wait3A_173 : memref<128x64xf32, #tpu.memory_space<vmem_shared>>)
      tpu.yield
    }) : () -> ()
    %mul3A_87 = arith.constant 640 : i32
    %mul3A_88 = arith.muli %arg1, %mul3A_87 : i32
    %add3A_89 = arith.constant 512 : i32
    %add3A_90 = arith.addi %mul3A_88, %add3A_89 : i32
    "tpu.region"() ({
      %run_scoped3A = tpu.sem_alloc : memref<!tpu.dma_semaphore, #tpu.memory_space<semaphore_mem>>
      %dma_start3A_166 = arith.constant 0 : i32
      %dma_start3A_167 = tpu.memref_slice %arg13[%add3A_90, %dma_start3A_166] : memref<10240x64xf32, #tpu.memory_space<vmem_shared>> -> memref<128x64xf32, #tpu.memory_space<vmem_shared>>
      %dma_start3A_168 = arith.constant 0 : i32
      %dma_start3A_169 = tpu.memref_slice %arg13[%add3A_90, %dma_start3A_168] : memref<10240x64xf32, #tpu.memory_space<vmem_shared>> -> memref<128x64xf32, #tpu.memory_space<vmem_shared>>
      tpu.enqueue_dma source(%arg12 : memref<128x64xf32, #tpu.memory_space<vmem>>) target(%dma_start3A_169 : memref<128x64xf32, #tpu.memory_space<vmem_shared>>) target_semaphore(%run_scoped3A : memref<!tpu.dma_semaphore, #tpu.memory_space<semaphore_mem>>)
      %dma_wait3A_170 = arith.constant 0 : i32
      %dma_wait3A_171 = tpu.memref_slice %arg13[%add3A_90, %dma_wait3A_170] : memref<10240x64xf32, #tpu.memory_space<vmem_shared>> -> memref<128x64xf32, #tpu.memory_space<vmem_shared>>
      %dma_wait3A_172 = arith.constant 0 : i32
      %dma_wait3A_173 = tpu.memref_slice %arg13[%add3A_90, %dma_wait3A_172] : memref<10240x64xf32, #tpu.memory_space<vmem_shared>> -> memref<128x64xf32, #tpu.memory_space<vmem_shared>>
      tpu.wait_dma2 semaphore(%run_scoped3A : memref<!tpu.dma_semaphore, #tpu.memory_space<semaphore_mem>>) src(%arg12 : memref<128x64xf32, #tpu.memory_space<vmem>>) dst(%dma_wait3A_173 : memref<128x64xf32, #tpu.memory_space<vmem_shared>>)
      tpu.yield
    }) : () -> ()
    %barrier3A = arith.constant 0 : index
    tpu.barrier barrier_id(%barrier3A)
    %dma_start3A = arith.constant 0 : i32
    %dma_start3A_91 = arith.constant 0 : i32
    %dma_start3A_92 = tpu.memref_slice %arg8[%dma_start3A, %dma_start3A_91] : memref<81x128xi32, #tpu.memory_space<vmem>> -> memref<1x128xi32, #tpu.memory_space<vmem>>
    %dma_start3A_93 = tpu.memref_squeeze %dma_start3A_92 : memref<1x128xi32, #tpu.memory_space<vmem>> -> memref<128xi32, #tpu.memory_space<vmem>>
    %dma_start3A_94 = arith.constant 0 : i32
    %dma_start3A_95 = arith.constant 0 : i32
    %dma_start3A_96 = tpu.memref_slice %arg2[%dma_start3A_94, %dma_start3A_95] : memref<10240x64xf32, #tpu.memory_space<hbm>> -> memref<10240x64xf32, #tpu.memory_space<hbm>>
    tpu.enqueue_indirect_dma source(%dma_start3A_96 : memref<10240x64xf32, #tpu.memory_space<hbm>>) target(%arg10 : memref<128x64xf32, #tpu.memory_space<vmem>>) offsets(%dma_start3A_93 : memref<128xi32, #tpu.memory_space<vmem>>) semaphore(%arg14 : memref<!tpu.dma_semaphore, #tpu.memory_space<semaphore_mem>>)
    %scan3A_97 = arith.constant 0 : i32
    %scan3A_98 = arith.constant 40 : i32
    %scan3A_99 = arith.addi %scan3A_97, %scan3A_98 : i32
    %scan3A_100 = arith.constant 1 : i32
    scf.for %scan3A_166 = %scan3A_97 to %scan3A_99 step %scan3A_100  : i32 {
      %mul3A_167 = arith.constant 2 : i32
      %mul3A_168 = arith.muli %scan3A_166, %mul3A_167 : i32
      %add3A_169 = arith.constant 0 : i32
      %add3A_170 = arith.addi %add3A_169, %mul3A_168 : i32
      %add3A_171 = arith.constant 1 : i32
      %add3A_172 = arith.addi %add3A_170, %add3A_171 : i32
      %dma_start3A_173 = arith.constant 0 : i32
      %dma_start3A_174 = tpu.memref_slice %arg8[%add3A_172, %dma_start3A_173] : memref<81x128xi32, #tpu.memory_space<vmem>> -> memref<1x128xi32, #tpu.memory_space<vmem>>
      %dma_start3A_175 = tpu.memref_squeeze %dma_start3A_174 : memref<1x128xi32, #tpu.memory_space<vmem>> -> memref<128xi32, #tpu.memory_space<vmem>>
      %dma_start3A_176 = arith.constant 0 : i32
      %dma_start3A_177 = arith.constant 0 : i32
      %dma_start3A_178 = tpu.memref_slice %arg2[%dma_start3A_176, %dma_start3A_177] : memref<10240x64xf32, #tpu.memory_space<hbm>> -> memref<10240x64xf32, #tpu.memory_space<hbm>>
      tpu.enqueue_indirect_dma source(%dma_start3A_178 : memref<10240x64xf32, #tpu.memory_space<hbm>>) target(%arg11 : memref<128x64xf32, #tpu.memory_space<vmem>>) offsets(%dma_start3A_175 : memref<128xi32, #tpu.memory_space<vmem>>) semaphore(%arg15 : memref<!tpu.dma_semaphore, #tpu.memory_space<semaphore_mem>>)
      %dma_wait3A_179 = arith.constant 0 : i32
      %dma_wait3A_180 = tpu.memref_slice %arg8[%add3A_170, %dma_wait3A_179] : memref<81x128xi32, #tpu.memory_space<vmem>> -> memref<1x128xi32, #tpu.memory_space<vmem>>
      %dma_wait3A_181 = tpu.memref_squeeze %dma_wait3A_180 : memref<1x128xi32, #tpu.memory_space<vmem>> -> memref<128xi32, #tpu.memory_space<vmem>>
      %dma_wait3A_182 = arith.constant 0 : i32
      %dma_wait3A_183 = arith.constant 0 : i32
      %dma_wait3A_184 = tpu.memref_slice %arg2[%dma_wait3A_182, %dma_wait3A_183] : memref<10240x64xf32, #tpu.memory_space<hbm>> -> memref<10240x64xf32, #tpu.memory_space<hbm>>
      tpu.wait_indirect_dma semaphore(%arg14 : memref<!tpu.dma_semaphore, #tpu.memory_space<semaphore_mem>>) src(%dma_wait3A_184 : memref<10240x64xf32, #tpu.memory_space<hbm>>) dst(%arg10 : memref<128x64xf32, #tpu.memory_space<vmem>>)
      "tpu.region"() ({
        %run_scoped3A = tpu.sem_alloc : memref<!tpu.dma_semaphore, #tpu.memory_space<semaphore_mem>>
        %dma_start3A_203 = arith.constant 0 : i32
        %dma_start3A_204 = tpu.memref_slice %arg9[%add3A_170, %dma_start3A_203] : memref<80x128xi32, #tpu.memory_space<vmem>> -> memref<1x128xi32, #tpu.memory_space<vmem>>
        %dma_start3A_205 = tpu.memref_squeeze %dma_start3A_204 : memref<1x128xi32, #tpu.memory_space<vmem>> -> memref<128xi32, #tpu.memory_space<vmem>>
        %dma_start3A_206 = arith.constant 0 : i32
        %dma_start3A_207 = arith.constant 0 : i32
        %dma_start3A_208 = tpu.memref_slice %arg13[%dma_start3A_206, %dma_start3A_207] : memref<10240x64xf32, #tpu.memory_space<vmem_shared>> -> memref<10240x64xf32, #tpu.memory_space<vmem_shared>>
        tpu.enqueue_indirect_dma source(%arg10 : memref<128x64xf32, #tpu.memory_space<vmem>>) target(%dma_start3A_208 : memref<10240x64xf32, #tpu.memory_space<vmem_shared>>) offsets(%dma_start3A_205 : memref<128xi32, #tpu.memory_space<vmem>>) semaphore(%run_scoped3A : memref<!tpu.dma_semaphore, #tpu.memory_space<semaphore_mem>>) {add = true}
        %dma_wait3A_209 = arith.constant 0 : i32
        %dma_wait3A_210 = tpu.memref_slice %arg9[%add3A_170, %dma_wait3A_209] : memref<80x128xi32, #tpu.memory_space<vmem>> -> memref<1x128xi32, #tpu.memory_space<vmem>>
        %dma_wait3A_211 = tpu.memref_squeeze %dma_wait3A_210 : memref<1x128xi32, #tpu.memory_space<vmem>> -> memref<128xi32, #tpu.memory_space<vmem>>
        %dma_wait3A_212 = arith.constant 0 : i32
        %dma_wait3A_213 = arith.constant 0 : i32
        %dma_wait3A_214 = tpu.memref_slice %arg13[%dma_wait3A_212, %dma_wait3A_213] : memref<10240x64xf32, #tpu.memory_space<vmem_shared>> -> memref<10240x64xf32, #tpu.memory_space<vmem_shared>>
        tpu.wait_indirect_dma semaphore(%run_scoped3A : memref<!tpu.dma_semaphore, #tpu.memory_space<semaphore_mem>>) src(%arg10 : memref<128x64xf32, #tpu.memory_space<vmem>>) dst(%dma_wait3A_214 : memref<10240x64xf32, #tpu.memory_space<vmem_shared>>)
        tpu.yield
      }) : () -> ()
      %add3A_185 = arith.constant 2 : i32
      %add3A_186 = arith.addi %add3A_170, %add3A_185 : i32
      %dma_start3A_187 = arith.constant 0 : i32
      %dma_start3A_188 = tpu.memref_slice %arg8[%add3A_186, %dma_start3A_187] : memref<81x128xi32, #tpu.memory_space<vmem>> -> memref<1x128xi32, #tpu.memory_space<vmem>>
      %dma_start3A_189 = tpu.memref_squeeze %dma_start3A_188 : memref<1x128xi32, #tpu.memory_space<vmem>> -> memref<128xi32, #tpu.memory_space<vmem>>
      %dma_start3A_190 = arith.constant 0 : i32
      %dma_start3A_191 = arith.constant 0 : i32
      %dma_start3A_192 = tpu.memref_slice %arg2[%dma_start3A_190, %dma_start3A_191] : memref<10240x64xf32, #tpu.memory_space<hbm>> -> memref<10240x64xf32, #tpu.memory_space<hbm>>
      tpu.enqueue_indirect_dma source(%dma_start3A_192 : memref<10240x64xf32, #tpu.memory_space<hbm>>) target(%arg10 : memref<128x64xf32, #tpu.memory_space<vmem>>) offsets(%dma_start3A_189 : memref<128xi32, #tpu.memory_space<vmem>>) semaphore(%arg14 : memref<!tpu.dma_semaphore, #tpu.memory_space<semaphore_mem>>)
      %add3A_193 = arith.constant 1 : i32
      %add3A_194 = arith.addi %add3A_170, %add3A_193 : i32
      %dma_wait3A_195 = arith.constant 0 : i32
      %dma_wait3A_196 = tpu.memref_slice %arg8[%add3A_194, %dma_wait3A_195] : memref<81x128xi32, #tpu.memory_space<vmem>> -> memref<1x128xi32, #tpu.memory_space<vmem>>
      %dma_wait3A_197 = tpu.memref_squeeze %dma_wait3A_196 : memref<1x128xi32, #tpu.memory_space<vmem>> -> memref<128xi32, #tpu.memory_space<vmem>>
      %dma_wait3A_198 = arith.constant 0 : i32
      %dma_wait3A_199 = arith.constant 0 : i32
      %dma_wait3A_200 = tpu.memref_slice %arg2[%dma_wait3A_198, %dma_wait3A_199] : memref<10240x64xf32, #tpu.memory_space<hbm>> -> memref<10240x64xf32, #tpu.memory_space<hbm>>
      tpu.wait_indirect_dma semaphore(%arg15 : memref<!tpu.dma_semaphore, #tpu.memory_space<semaphore_mem>>) src(%dma_wait3A_200 : memref<10240x64xf32, #tpu.memory_space<hbm>>) dst(%arg11 : memref<128x64xf32, #tpu.memory_space<vmem>>)
      %add3A_201 = arith.constant 1 : i32
      %add3A_202 = arith.addi %add3A_170, %add3A_201 : i32
      "tpu.region"() ({
        %run_scoped3A = tpu.sem_alloc : memref<!tpu.dma_semaphore, #tpu.memory_space<semaphore_mem>>
        %dma_start3A_203 = arith.constant 0 : i32
        %dma_start3A_204 = tpu.memref_slice %arg9[%add3A_202, %dma_start3A_203] : memref<80x128xi32, #tpu.memory_space<vmem>> -> memref<1x128xi32, #tpu.memory_space<vmem>>
        %dma_start3A_205 = tpu.memref_squeeze %dma_start3A_204 : memref<1x128xi32, #tpu.memory_space<vmem>> -> memref<128xi32, #tpu.memory_space<vmem>>
        %dma_start3A_206 = arith.constant 0 : i32
        %dma_start3A_207 = arith.constant 0 : i32
        %dma_start3A_208 = tpu.memref_slice %arg13[%dma_start3A_206, %dma_start3A_207] : memref<10240x64xf32, #tpu.memory_space<vmem_shared>> -> memref<10240x64xf32, #tpu.memory_space<vmem_shared>>
        tpu.enqueue_indirect_dma source(%arg11 : memref<128x64xf32, #tpu.memory_space<vmem>>) target(%dma_start3A_208 : memref<10240x64xf32, #tpu.memory_space<vmem_shared>>) offsets(%dma_start3A_205 : memref<128xi32, #tpu.memory_space<vmem>>) semaphore(%run_scoped3A : memref<!tpu.dma_semaphore, #tpu.memory_space<semaphore_mem>>) {add = true}
        %dma_wait3A_209 = arith.constant 0 : i32
        %dma_wait3A_210 = tpu.memref_slice %arg9[%add3A_202, %dma_wait3A_209] : memref<80x128xi32, #tpu.memory_space<vmem>> -> memref<1x128xi32, #tpu.memory_space<vmem>>
        %dma_wait3A_211 = tpu.memref_squeeze %dma_wait3A_210 : memref<1x128xi32, #tpu.memory_space<vmem>> -> memref<128xi32, #tpu.memory_space<vmem>>
        %dma_wait3A_212 = arith.constant 0 : i32
        %dma_wait3A_213 = arith.constant 0 : i32
        %dma_wait3A_214 = tpu.memref_slice %arg13[%dma_wait3A_212, %dma_wait3A_213] : memref<10240x64xf32, #tpu.memory_space<vmem_shared>> -> memref<10240x64xf32, #tpu.memory_space<vmem_shared>>
        tpu.wait_indirect_dma semaphore(%run_scoped3A : memref<!tpu.dma_semaphore, #tpu.memory_space<semaphore_mem>>) src(%arg11 : memref<128x64xf32, #tpu.memory_space<vmem>>) dst(%dma_wait3A_214 : memref<10240x64xf32, #tpu.memory_space<vmem_shared>>)
        tpu.yield
      }) : () -> ()
    }
    %scan3A_101 = arith.constant 40 : i32
    %dma_wait3A = arith.constant 0 : i32
    %dma_wait3A_102 = arith.constant 0 : i32
    %dma_wait3A_103 = tpu.memref_slice %arg8[%dma_wait3A, %dma_wait3A_102] : memref<81x128xi32, #tpu.memory_space<vmem>> -> memref<1x128xi32, #tpu.memory_space<vmem>>
    %dma_wait3A_104 = tpu.memref_squeeze %dma_wait3A_103 : memref<1x128xi32, #tpu.memory_space<vmem>> -> memref<128xi32, #tpu.memory_space<vmem>>
    %dma_wait3A_105 = arith.constant 0 : i32
    %dma_wait3A_106 = arith.constant 0 : i32
    %dma_wait3A_107 = tpu.memref_slice %arg2[%dma_wait3A_105, %dma_wait3A_106] : memref<10240x64xf32, #tpu.memory_space<hbm>> -> memref<10240x64xf32, #tpu.memory_space<hbm>>
    tpu.wait_indirect_dma semaphore(%arg14 : memref<!tpu.dma_semaphore, #tpu.memory_space<semaphore_mem>>) src(%dma_wait3A_107 : memref<10240x64xf32, #tpu.memory_space<hbm>>) dst(%arg10 : memref<128x64xf32, #tpu.memory_space<vmem>>)
    %barrier3A_108 = arith.constant 0 : index
    tpu.barrier barrier_id(%barrier3A_108)
    %mul3A_109 = arith.constant 640 : i32
    %mul3A_110 = arith.muli %arg1, %mul3A_109 : i32
    %mul3A_111 = arith.constant 10240 : i32
    %mul3A_112 = arith.muli %arg0, %mul3A_111 : i32
    %mul3A_113 = arith.constant 640 : i32
    %mul3A_114 = arith.muli %arg1, %mul3A_113 : i32
    %add3A_115 = arith.addi %mul3A_112, %mul3A_114 : i32
    "tpu.region"() ({
      %run_scoped3A = tpu.sem_alloc : memref<!tpu.dma_semaphore, #tpu.memory_space<semaphore_mem>>
      %dma_start3A_166 = arith.constant 0 : i32
      %dma_start3A_167 = tpu.memref_slice %arg6[%add3A_115, %dma_start3A_166] : memref<20480x64xf32, #tpu.memory_space<hbm>> -> memref<640x64xf32, #tpu.memory_space<hbm>>
      %dma_start3A_168 = arith.constant 0 : i32
      %dma_start3A_169 = tpu.memref_slice %arg13[%mul3A_110, %dma_start3A_168] : memref<10240x64xf32, #tpu.memory_space<vmem_shared>> -> memref<640x64xf32, #tpu.memory_space<vmem_shared>>
      tpu.enqueue_dma source(%dma_start3A_169 : memref<640x64xf32, #tpu.memory_space<vmem_shared>>) target(%dma_start3A_167 : memref<640x64xf32, #tpu.memory_space<hbm>>) target_semaphore(%run_scoped3A : memref<!tpu.dma_semaphore, #tpu.memory_space<semaphore_mem>>)
      %dma_wait3A_170 = arith.constant 0 : i32
      %dma_wait3A_171 = tpu.memref_slice %arg6[%add3A_115, %dma_wait3A_170] : memref<20480x64xf32, #tpu.memory_space<hbm>> -> memref<640x64xf32, #tpu.memory_space<hbm>>
      %dma_wait3A_172 = arith.constant 0 : i32
      %dma_wait3A_173 = tpu.memref_slice %arg13[%mul3A_110, %dma_wait3A_172] : memref<10240x64xf32, #tpu.memory_space<vmem_shared>> -> memref<640x64xf32, #tpu.memory_space<vmem_shared>>
      tpu.wait_dma2 semaphore(%run_scoped3A : memref<!tpu.dma_semaphore, #tpu.memory_space<semaphore_mem>>) src(%dma_wait3A_173 : memref<640x64xf32, #tpu.memory_space<vmem_shared>>) dst(%dma_wait3A_171 : memref<640x64xf32, #tpu.memory_space<hbm>>)
      tpu.yield
    }) : () -> ()
    %barrier3A_116 = arith.constant 0 : index
    tpu.barrier barrier_id(%barrier3A_116)
    %mul3A_117 = arith.constant 640 : i32
    %mul3A_118 = arith.muli %arg1, %mul3A_117 : i32
    %add3A_119 = arith.constant 0 : i32
    %add3A_120 = arith.addi %mul3A_118, %add3A_119 : i32
    "tpu.region"() ({
      %run_scoped3A = tpu.sem_alloc : memref<!tpu.dma_semaphore, #tpu.memory_space<semaphore_mem>>
      %dma_start3A_166 = arith.constant 0 : i32
      %dma_start3A_167 = tpu.memref_slice %arg13[%add3A_120, %dma_start3A_166] : memref<10240x64xf32, #tpu.memory_space<vmem_shared>> -> memref<128x64xf32, #tpu.memory_space<vmem_shared>>
      %dma_start3A_168 = arith.constant 0 : i32
      %dma_start3A_169 = tpu.memref_slice %arg13[%add3A_120, %dma_start3A_168] : memref<10240x64xf32, #tpu.memory_space<vmem_shared>> -> memref<128x64xf32, #tpu.memory_space<vmem_shared>>
      tpu.enqueue_dma source(%arg12 : memref<128x64xf32, #tpu.memory_space<vmem>>) target(%dma_start3A_169 : memref<128x64xf32, #tpu.memory_space<vmem_shared>>) target_semaphore(%run_scoped3A : memref<!tpu.dma_semaphore, #tpu.memory_space<semaphore_mem>>)
      %dma_wait3A_170 = arith.constant 0 : i32
      %dma_wait3A_171 = tpu.memref_slice %arg13[%add3A_120, %dma_wait3A_170] : memref<10240x64xf32, #tpu.memory_space<vmem_shared>> -> memref<128x64xf32, #tpu.memory_space<vmem_shared>>
      %dma_wait3A_172 = arith.constant 0 : i32
      %dma_wait3A_173 = tpu.memref_slice %arg13[%add3A_120, %dma_wait3A_172] : memref<10240x64xf32, #tpu.memory_space<vmem_shared>> -> memref<128x64xf32, #tpu.memory_space<vmem_shared>>
      tpu.wait_dma2 semaphore(%run_scoped3A : memref<!tpu.dma_semaphore, #tpu.memory_space<semaphore_mem>>) src(%arg12 : memref<128x64xf32, #tpu.memory_space<vmem>>) dst(%dma_wait3A_173 : memref<128x64xf32, #tpu.memory_space<vmem_shared>>)
      tpu.yield
    }) : () -> ()
    %mul3A_121 = arith.constant 640 : i32
    %mul3A_122 = arith.muli %arg1, %mul3A_121 : i32
    %add3A_123 = arith.constant 128 : i32
    %add3A_124 = arith.addi %mul3A_122, %add3A_123 : i32
    "tpu.region"() ({
      %run_scoped3A = tpu.sem_alloc : memref<!tpu.dma_semaphore, #tpu.memory_space<semaphore_mem>>
      %dma_start3A_166 = arith.constant 0 : i32
      %dma_start3A_167 = tpu.memref_slice %arg13[%add3A_124, %dma_start3A_166] : memref<10240x64xf32, #tpu.memory_space<vmem_shared>> -> memref<128x64xf32, #tpu.memory_space<vmem_shared>>
      %dma_start3A_168 = arith.constant 0 : i32
      %dma_start3A_169 = tpu.memref_slice %arg13[%add3A_124, %dma_start3A_168] : memref<10240x64xf32, #tpu.memory_space<vmem_shared>> -> memref<128x64xf32, #tpu.memory_space<vmem_shared>>
      tpu.enqueue_dma source(%arg12 : memref<128x64xf32, #tpu.memory_space<vmem>>) target(%dma_start3A_169 : memref<128x64xf32, #tpu.memory_space<vmem_shared>>) target_semaphore(%run_scoped3A : memref<!tpu.dma_semaphore, #tpu.memory_space<semaphore_mem>>)
      %dma_wait3A_170 = arith.constant 0 : i32
      %dma_wait3A_171 = tpu.memref_slice %arg13[%add3A_124, %dma_wait3A_170] : memref<10240x64xf32, #tpu.memory_space<vmem_shared>> -> memref<128x64xf32, #tpu.memory_space<vmem_shared>>
      %dma_wait3A_172 = arith.constant 0 : i32
      %dma_wait3A_173 = tpu.memref_slice %arg13[%add3A_124, %dma_wait3A_172] : memref<10240x64xf32, #tpu.memory_space<vmem_shared>> -> memref<128x64xf32, #tpu.memory_space<vmem_shared>>
      tpu.wait_dma2 semaphore(%run_scoped3A : memref<!tpu.dma_semaphore, #tpu.memory_space<semaphore_mem>>) src(%arg12 : memref<128x64xf32, #tpu.memory_space<vmem>>) dst(%dma_wait3A_173 : memref<128x64xf32, #tpu.memory_space<vmem_shared>>)
      tpu.yield
    }) : () -> ()
    %mul3A_125 = arith.constant 640 : i32
    %mul3A_126 = arith.muli %arg1, %mul3A_125 : i32
    %add3A_127 = arith.constant 256 : i32
    %add3A_128 = arith.addi %mul3A_126, %add3A_127 : i32
    "tpu.region"() ({
      %run_scoped3A = tpu.sem_alloc : memref<!tpu.dma_semaphore, #tpu.memory_space<semaphore_mem>>
      %dma_start3A_166 = arith.constant 0 : i32
      %dma_start3A_167 = tpu.memref_slice %arg13[%add3A_128, %dma_start3A_166] : memref<10240x64xf32, #tpu.memory_space<vmem_shared>> -> memref<128x64xf32, #tpu.memory_space<vmem_shared>>
      %dma_start3A_168 = arith.constant 0 : i32
      %dma_start3A_169 = tpu.memref_slice %arg13[%add3A_128, %dma_start3A_168] : memref<10240x64xf32, #tpu.memory_space<vmem_shared>> -> memref<128x64xf32, #tpu.memory_space<vmem_shared>>
      tpu.enqueue_dma source(%arg12 : memref<128x64xf32, #tpu.memory_space<vmem>>) target(%dma_start3A_169 : memref<128x64xf32, #tpu.memory_space<vmem_shared>>) target_semaphore(%run_scoped3A : memref<!tpu.dma_semaphore, #tpu.memory_space<semaphore_mem>>)
      %dma_wait3A_170 = arith.constant 0 : i32
      %dma_wait3A_171 = tpu.memref_slice %arg13[%add3A_128, %dma_wait3A_170] : memref<10240x64xf32, #tpu.memory_space<vmem_shared>> -> memref<128x64xf32, #tpu.memory_space<vmem_shared>>
      %dma_wait3A_172 = arith.constant 0 : i32
      %dma_wait3A_173 = tpu.memref_slice %arg13[%add3A_128, %dma_wait3A_172] : memref<10240x64xf32, #tpu.memory_space<vmem_shared>> -> memref<128x64xf32, #tpu.memory_space<vmem_shared>>
      tpu.wait_dma2 semaphore(%run_scoped3A : memref<!tpu.dma_semaphore, #tpu.memory_space<semaphore_mem>>) src(%arg12 : memref<128x64xf32, #tpu.memory_space<vmem>>) dst(%dma_wait3A_173 : memref<128x64xf32, #tpu.memory_space<vmem_shared>>)
      tpu.yield
    }) : () -> ()
    %mul3A_129 = arith.constant 640 : i32
    %mul3A_130 = arith.muli %arg1, %mul3A_129 : i32
    %add3A_131 = arith.constant 384 : i32
    %add3A_132 = arith.addi %mul3A_130, %add3A_131 : i32
    "tpu.region"() ({
      %run_scoped3A = tpu.sem_alloc : memref<!tpu.dma_semaphore, #tpu.memory_space<semaphore_mem>>
      %dma_start3A_166 = arith.constant 0 : i32
      %dma_start3A_167 = tpu.memref_slice %arg13[%add3A_132, %dma_start3A_166] : memref<10240x64xf32, #tpu.memory_space<vmem_shared>> -> memref<128x64xf32, #tpu.memory_space<vmem_shared>>
      %dma_start3A_168 = arith.constant 0 : i32
      %dma_start3A_169 = tpu.memref_slice %arg13[%add3A_132, %dma_start3A_168] : memref<10240x64xf32, #tpu.memory_space<vmem_shared>> -> memref<128x64xf32, #tpu.memory_space<vmem_shared>>
      tpu.enqueue_dma source(%arg12 : memref<128x64xf32, #tpu.memory_space<vmem>>) target(%dma_start3A_169 : memref<128x64xf32, #tpu.memory_space<vmem_shared>>) target_semaphore(%run_scoped3A : memref<!tpu.dma_semaphore, #tpu.memory_space<semaphore_mem>>)
      %dma_wait3A_170 = arith.constant 0 : i32
      %dma_wait3A_171 = tpu.memref_slice %arg13[%add3A_132, %dma_wait3A_170] : memref<10240x64xf32, #tpu.memory_space<vmem_shared>> -> memref<128x64xf32, #tpu.memory_space<vmem_shared>>
      %dma_wait3A_172 = arith.constant 0 : i32
      %dma_wait3A_173 = tpu.memref_slice %arg13[%add3A_132, %dma_wait3A_172] : memref<10240x64xf32, #tpu.memory_space<vmem_shared>> -> memref<128x64xf32, #tpu.memory_space<vmem_shared>>
      tpu.wait_dma2 semaphore(%run_scoped3A : memref<!tpu.dma_semaphore, #tpu.memory_space<semaphore_mem>>) src(%arg12 : memref<128x64xf32, #tpu.memory_space<vmem>>) dst(%dma_wait3A_173 : memref<128x64xf32, #tpu.memory_space<vmem_shared>>)
      tpu.yield
    }) : () -> ()
    %mul3A_133 = arith.constant 640 : i32
    %mul3A_134 = arith.muli %arg1, %mul3A_133 : i32
    %add3A_135 = arith.constant 512 : i32
    %add3A_136 = arith.addi %mul3A_134, %add3A_135 : i32
    "tpu.region"() ({
      %run_scoped3A = tpu.sem_alloc : memref<!tpu.dma_semaphore, #tpu.memory_space<semaphore_mem>>
      %dma_start3A_166 = arith.constant 0 : i32
      %dma_start3A_167 = tpu.memref_slice %arg13[%add3A_136, %dma_start3A_166] : memref<10240x64xf32, #tpu.memory_space<vmem_shared>> -> memref<128x64xf32, #tpu.memory_space<vmem_shared>>
      %dma_start3A_168 = arith.constant 0 : i32
      %dma_start3A_169 = tpu.memref_slice %arg13[%add3A_136, %dma_start3A_168] : memref<10240x64xf32, #tpu.memory_space<vmem_shared>> -> memref<128x64xf32, #tpu.memory_space<vmem_shared>>
      tpu.enqueue_dma source(%arg12 : memref<128x64xf32, #tpu.memory_space<vmem>>) target(%dma_start3A_169 : memref<128x64xf32, #tpu.memory_space<vmem_shared>>) target_semaphore(%run_scoped3A : memref<!tpu.dma_semaphore, #tpu.memory_space<semaphore_mem>>)
      %dma_wait3A_170 = arith.constant 0 : i32
      %dma_wait3A_171 = tpu.memref_slice %arg13[%add3A_136, %dma_wait3A_170] : memref<10240x64xf32, #tpu.memory_space<vmem_shared>> -> memref<128x64xf32, #tpu.memory_space<vmem_shared>>
      %dma_wait3A_172 = arith.constant 0 : i32
      %dma_wait3A_173 = tpu.memref_slice %arg13[%add3A_136, %dma_wait3A_172] : memref<10240x64xf32, #tpu.memory_space<vmem_shared>> -> memref<128x64xf32, #tpu.memory_space<vmem_shared>>
      tpu.wait_dma2 semaphore(%run_scoped3A : memref<!tpu.dma_semaphore, #tpu.memory_space<semaphore_mem>>) src(%arg12 : memref<128x64xf32, #tpu.memory_space<vmem>>) dst(%dma_wait3A_173 : memref<128x64xf32, #tpu.memory_space<vmem_shared>>)
      tpu.yield
    }) : () -> ()
    %barrier3A_137 = arith.constant 0 : index
    tpu.barrier barrier_id(%barrier3A_137)
    %dma_start3A_138 = arith.constant 0 : i32
    %dma_start3A_139 = arith.constant 0 : i32
    %dma_start3A_140 = tpu.memref_slice %arg8[%dma_start3A_138, %dma_start3A_139] : memref<81x128xi32, #tpu.memory_space<vmem>> -> memref<1x128xi32, #tpu.memory_space<vmem>>
    %dma_start3A_141 = tpu.memref_squeeze %dma_start3A_140 : memref<1x128xi32, #tpu.memory_space<vmem>> -> memref<128xi32, #tpu.memory_space<vmem>>
    %dma_start3A_142 = arith.constant 0 : i32
    %dma_start3A_143 = arith.constant 0 : i32
    %dma_start3A_144 = tpu.memref_slice %arg3[%dma_start3A_142, %dma_start3A_143] : memref<10240x64xf32, #tpu.memory_space<hbm>> -> memref<10240x64xf32, #tpu.memory_space<hbm>>
    tpu.enqueue_indirect_dma source(%dma_start3A_144 : memref<10240x64xf32, #tpu.memory_space<hbm>>) target(%arg10 : memref<128x64xf32, #tpu.memory_space<vmem>>) offsets(%dma_start3A_141 : memref<128xi32, #tpu.memory_space<vmem>>) semaphore(%arg14 : memref<!tpu.dma_semaphore, #tpu.memory_space<semaphore_mem>>)
    %scan3A_145 = arith.constant 0 : i32
    %scan3A_146 = arith.constant 40 : i32
    %scan3A_147 = arith.addi %scan3A_145, %scan3A_146 : i32
    %scan3A_148 = arith.constant 1 : i32
    scf.for %scan3A_166 = %scan3A_145 to %scan3A_147 step %scan3A_148  : i32 {
      %mul3A_167 = arith.constant 2 : i32
      %mul3A_168 = arith.muli %scan3A_166, %mul3A_167 : i32
      %add3A_169 = arith.constant 0 : i32
      %add3A_170 = arith.addi %add3A_169, %mul3A_168 : i32
      %add3A_171 = arith.constant 1 : i32
      %add3A_172 = arith.addi %add3A_170, %add3A_171 : i32
      %dma_start3A_173 = arith.constant 0 : i32
      %dma_start3A_174 = tpu.memref_slice %arg8[%add3A_172, %dma_start3A_173] : memref<81x128xi32, #tpu.memory_space<vmem>> -> memref<1x128xi32, #tpu.memory_space<vmem>>
      %dma_start3A_175 = tpu.memref_squeeze %dma_start3A_174 : memref<1x128xi32, #tpu.memory_space<vmem>> -> memref<128xi32, #tpu.memory_space<vmem>>
      %dma_start3A_176 = arith.constant 0 : i32
      %dma_start3A_177 = arith.constant 0 : i32
      %dma_start3A_178 = tpu.memref_slice %arg3[%dma_start3A_176, %dma_start3A_177] : memref<10240x64xf32, #tpu.memory_space<hbm>> -> memref<10240x64xf32, #tpu.memory_space<hbm>>
      tpu.enqueue_indirect_dma source(%dma_start3A_178 : memref<10240x64xf32, #tpu.memory_space<hbm>>) target(%arg11 : memref<128x64xf32, #tpu.memory_space<vmem>>) offsets(%dma_start3A_175 : memref<128xi32, #tpu.memory_space<vmem>>) semaphore(%arg15 : memref<!tpu.dma_semaphore, #tpu.memory_space<semaphore_mem>>)
      %dma_wait3A_179 = arith.constant 0 : i32
      %dma_wait3A_180 = tpu.memref_slice %arg8[%add3A_170, %dma_wait3A_179] : memref<81x128xi32, #tpu.memory_space<vmem>> -> memref<1x128xi32, #tpu.memory_space<vmem>>
      %dma_wait3A_181 = tpu.memref_squeeze %dma_wait3A_180 : memref<1x128xi32, #tpu.memory_space<vmem>> -> memref<128xi32, #tpu.memory_space<vmem>>
      %dma_wait3A_182 = arith.constant 0 : i32
      %dma_wait3A_183 = arith.constant 0 : i32
      %dma_wait3A_184 = tpu.memref_slice %arg3[%dma_wait3A_182, %dma_wait3A_183] : memref<10240x64xf32, #tpu.memory_space<hbm>> -> memref<10240x64xf32, #tpu.memory_space<hbm>>
      tpu.wait_indirect_dma semaphore(%arg14 : memref<!tpu.dma_semaphore, #tpu.memory_space<semaphore_mem>>) src(%dma_wait3A_184 : memref<10240x64xf32, #tpu.memory_space<hbm>>) dst(%arg10 : memref<128x64xf32, #tpu.memory_space<vmem>>)
      "tpu.region"() ({
        %run_scoped3A = tpu.sem_alloc : memref<!tpu.dma_semaphore, #tpu.memory_space<semaphore_mem>>
        %dma_start3A_203 = arith.constant 0 : i32
        %dma_start3A_204 = tpu.memref_slice %arg9[%add3A_170, %dma_start3A_203] : memref<80x128xi32, #tpu.memory_space<vmem>> -> memref<1x128xi32, #tpu.memory_space<vmem>>
        %dma_start3A_205 = tpu.memref_squeeze %dma_start3A_204 : memref<1x128xi32, #tpu.memory_space<vmem>> -> memref<128xi32, #tpu.memory_space<vmem>>
        %dma_start3A_206 = arith.constant 0 : i32
        %dma_start3A_207 = arith.constant 0 : i32
        %dma_start3A_208 = tpu.memref_slice %arg13[%dma_start3A_206, %dma_start3A_207] : memref<10240x64xf32, #tpu.memory_space<vmem_shared>> -> memref<10240x64xf32, #tpu.memory_space<vmem_shared>>
        tpu.enqueue_indirect_dma source(%arg10 : memref<128x64xf32, #tpu.memory_space<vmem>>) target(%dma_start3A_208 : memref<10240x64xf32, #tpu.memory_space<vmem_shared>>) offsets(%dma_start3A_205 : memref<128xi32, #tpu.memory_space<vmem>>) semaphore(%run_scoped3A : memref<!tpu.dma_semaphore, #tpu.memory_space<semaphore_mem>>) {add = true}
        %dma_wait3A_209 = arith.constant 0 : i32
        %dma_wait3A_210 = tpu.memref_slice %arg9[%add3A_170, %dma_wait3A_209] : memref<80x128xi32, #tpu.memory_space<vmem>> -> memref<1x128xi32, #tpu.memory_space<vmem>>
        %dma_wait3A_211 = tpu.memref_squeeze %dma_wait3A_210 : memref<1x128xi32, #tpu.memory_space<vmem>> -> memref<128xi32, #tpu.memory_space<vmem>>
        %dma_wait3A_212 = arith.constant 0 : i32
        %dma_wait3A_213 = arith.constant 0 : i32
        %dma_wait3A_214 = tpu.memref_slice %arg13[%dma_wait3A_212, %dma_wait3A_213] : memref<10240x64xf32, #tpu.memory_space<vmem_shared>> -> memref<10240x64xf32, #tpu.memory_space<vmem_shared>>
        tpu.wait_indirect_dma semaphore(%run_scoped3A : memref<!tpu.dma_semaphore, #tpu.memory_space<semaphore_mem>>) src(%arg10 : memref<128x64xf32, #tpu.memory_space<vmem>>) dst(%dma_wait3A_214 : memref<10240x64xf32, #tpu.memory_space<vmem_shared>>)
        tpu.yield
      }) : () -> ()
      %add3A_185 = arith.constant 2 : i32
      %add3A_186 = arith.addi %add3A_170, %add3A_185 : i32
      %dma_start3A_187 = arith.constant 0 : i32
      %dma_start3A_188 = tpu.memref_slice %arg8[%add3A_186, %dma_start3A_187] : memref<81x128xi32, #tpu.memory_space<vmem>> -> memref<1x128xi32, #tpu.memory_space<vmem>>
      %dma_start3A_189 = tpu.memref_squeeze %dma_start3A_188 : memref<1x128xi32, #tpu.memory_space<vmem>> -> memref<128xi32, #tpu.memory_space<vmem>>
      %dma_start3A_190 = arith.constant 0 : i32
      %dma_start3A_191 = arith.constant 0 : i32
      %dma_start3A_192 = tpu.memref_slice %arg3[%dma_start3A_190, %dma_start3A_191] : memref<10240x64xf32, #tpu.memory_space<hbm>> -> memref<10240x64xf32, #tpu.memory_space<hbm>>
      tpu.enqueue_indirect_dma source(%dma_start3A_192 : memref<10240x64xf32, #tpu.memory_space<hbm>>) target(%arg10 : memref<128x64xf32, #tpu.memory_space<vmem>>) offsets(%dma_start3A_189 : memref<128xi32, #tpu.memory_space<vmem>>) semaphore(%arg14 : memref<!tpu.dma_semaphore, #tpu.memory_space<semaphore_mem>>)
      %add3A_193 = arith.constant 1 : i32
      %add3A_194 = arith.addi %add3A_170, %add3A_193 : i32
      %dma_wait3A_195 = arith.constant 0 : i32
      %dma_wait3A_196 = tpu.memref_slice %arg8[%add3A_194, %dma_wait3A_195] : memref<81x128xi32, #tpu.memory_space<vmem>> -> memref<1x128xi32, #tpu.memory_space<vmem>>
      %dma_wait3A_197 = tpu.memref_squeeze %dma_wait3A_196 : memref<1x128xi32, #tpu.memory_space<vmem>> -> memref<128xi32, #tpu.memory_space<vmem>>
      %dma_wait3A_198 = arith.constant 0 : i32
      %dma_wait3A_199 = arith.constant 0 : i32
      %dma_wait3A_200 = tpu.memref_slice %arg3[%dma_wait3A_198, %dma_wait3A_199] : memref<10240x64xf32, #tpu.memory_space<hbm>> -> memref<10240x64xf32, #tpu.memory_space<hbm>>
      tpu.wait_indirect_dma semaphore(%arg15 : memref<!tpu.dma_semaphore, #tpu.memory_space<semaphore_mem>>) src(%dma_wait3A_200 : memref<10240x64xf32, #tpu.memory_space<hbm>>) dst(%arg11 : memref<128x64xf32, #tpu.memory_space<vmem>>)
      %add3A_201 = arith.constant 1 : i32
      %add3A_202 = arith.addi %add3A_170, %add3A_201 : i32
      "tpu.region"() ({
        %run_scoped3A = tpu.sem_alloc : memref<!tpu.dma_semaphore, #tpu.memory_space<semaphore_mem>>
        %dma_start3A_203 = arith.constant 0 : i32
        %dma_start3A_204 = tpu.memref_slice %arg9[%add3A_202, %dma_start3A_203] : memref<80x128xi32, #tpu.memory_space<vmem>> -> memref<1x128xi32, #tpu.memory_space<vmem>>
        %dma_start3A_205 = tpu.memref_squeeze %dma_start3A_204 : memref<1x128xi32, #tpu.memory_space<vmem>> -> memref<128xi32, #tpu.memory_space<vmem>>
        %dma_start3A_206 = arith.constant 0 : i32
        %dma_start3A_207 = arith.constant 0 : i32
        %dma_start3A_208 = tpu.memref_slice %arg13[%dma_start3A_206, %dma_start3A_207] : memref<10240x64xf32, #tpu.memory_space<vmem_shared>> -> memref<10240x64xf32, #tpu.memory_space<vmem_shared>>
        tpu.enqueue_indirect_dma source(%arg11 : memref<128x64xf32, #tpu.memory_space<vmem>>) target(%dma_start3A_208 : memref<10240x64xf32, #tpu.memory_space<vmem_shared>>) offsets(%dma_start3A_205 : memref<128xi32, #tpu.memory_space<vmem>>) semaphore(%run_scoped3A : memref<!tpu.dma_semaphore, #tpu.memory_space<semaphore_mem>>) {add = true}
        %dma_wait3A_209 = arith.constant 0 : i32
        %dma_wait3A_210 = tpu.memref_slice %arg9[%add3A_202, %dma_wait3A_209] : memref<80x128xi32, #tpu.memory_space<vmem>> -> memref<1x128xi32, #tpu.memory_space<vmem>>
        %dma_wait3A_211 = tpu.memref_squeeze %dma_wait3A_210 : memref<1x128xi32, #tpu.memory_space<vmem>> -> memref<128xi32, #tpu.memory_space<vmem>>
        %dma_wait3A_212 = arith.constant 0 : i32
        %dma_wait3A_213 = arith.constant 0 : i32
        %dma_wait3A_214 = tpu.memref_slice %arg13[%dma_wait3A_212, %dma_wait3A_213] : memref<10240x64xf32, #tpu.memory_space<vmem_shared>> -> memref<10240x64xf32, #tpu.memory_space<vmem_shared>>
        tpu.wait_indirect_dma semaphore(%run_scoped3A : memref<!tpu.dma_semaphore, #tpu.memory_space<semaphore_mem>>) src(%arg11 : memref<128x64xf32, #tpu.memory_space<vmem>>) dst(%dma_wait3A_214 : memref<10240x64xf32, #tpu.memory_space<vmem_shared>>)
        tpu.yield
      }) : () -> ()
    }
    %scan3A_149 = arith.constant 40 : i32
    %dma_wait3A_150 = arith.constant 0 : i32
    %dma_wait3A_151 = arith.constant 0 : i32
    %dma_wait3A_152 = tpu.memref_slice %arg8[%dma_wait3A_150, %dma_wait3A_151] : memref<81x128xi32, #tpu.memory_space<vmem>> -> memref<1x128xi32, #tpu.memory_space<vmem>>
    %dma_wait3A_153 = tpu.memref_squeeze %dma_wait3A_152 : memref<1x128xi32, #tpu.memory_space<vmem>> -> memref<128xi32, #tpu.memory_space<vmem>>
    %dma_wait3A_154 = arith.constant 0 : i32
    %dma_wait3A_155 = arith.constant 0 : i32
    %dma_wait3A_156 = tpu.memref_slice %arg3[%dma_wait3A_154, %dma_wait3A_155] : memref<10240x64xf32, #tpu.memory_space<hbm>> -> memref<10240x64xf32, #tpu.memory_space<hbm>>
    tpu.wait_indirect_dma semaphore(%arg14 : memref<!tpu.dma_semaphore, #tpu.memory_space<semaphore_mem>>) src(%dma_wait3A_156 : memref<10240x64xf32, #tpu.memory_space<hbm>>) dst(%arg10 : memref<128x64xf32, #tpu.memory_space<vmem>>)
    %barrier3A_157 = arith.constant 0 : index
    tpu.barrier barrier_id(%barrier3A_157)
    %mul3A_158 = arith.constant 640 : i32
    %mul3A_159 = arith.muli %arg1, %mul3A_158 : i32
    %mul3A_160 = arith.constant 10240 : i32
    %mul3A_161 = arith.muli %arg0, %mul3A_160 : i32
    %mul3A_162 = arith.constant 640 : i32
    %mul3A_163 = arith.muli %arg1, %mul3A_162 : i32
    %add3A_164 = arith.addi %mul3A_161, %mul3A_163 : i32
    "tpu.region"() ({
      %run_scoped3A = tpu.sem_alloc : memref<!tpu.dma_semaphore, #tpu.memory_space<semaphore_mem>>
      %dma_start3A_166 = arith.constant 0 : i32
      %dma_start3A_167 = tpu.memref_slice %arg7[%add3A_164, %dma_start3A_166] : memref<20480x64xf32, #tpu.memory_space<hbm>> -> memref<640x64xf32, #tpu.memory_space<hbm>>
      %dma_start3A_168 = arith.constant 0 : i32
      %dma_start3A_169 = tpu.memref_slice %arg13[%mul3A_159, %dma_start3A_168] : memref<10240x64xf32, #tpu.memory_space<vmem_shared>> -> memref<640x64xf32, #tpu.memory_space<vmem_shared>>
      tpu.enqueue_dma source(%dma_start3A_169 : memref<640x64xf32, #tpu.memory_space<vmem_shared>>) target(%dma_start3A_167 : memref<640x64xf32, #tpu.memory_space<hbm>>) target_semaphore(%run_scoped3A : memref<!tpu.dma_semaphore, #tpu.memory_space<semaphore_mem>>)
      %dma_wait3A_170 = arith.constant 0 : i32
      %dma_wait3A_171 = tpu.memref_slice %arg7[%add3A_164, %dma_wait3A_170] : memref<20480x64xf32, #tpu.memory_space<hbm>> -> memref<640x64xf32, #tpu.memory_space<hbm>>
      %dma_wait3A_172 = arith.constant 0 : i32
      %dma_wait3A_173 = tpu.memref_slice %arg13[%mul3A_159, %dma_wait3A_172] : memref<10240x64xf32, #tpu.memory_space<vmem_shared>> -> memref<640x64xf32, #tpu.memory_space<vmem_shared>>
      tpu.wait_dma2 semaphore(%run_scoped3A : memref<!tpu.dma_semaphore, #tpu.memory_space<semaphore_mem>>) src(%dma_wait3A_173 : memref<640x64xf32, #tpu.memory_space<vmem_shared>>) dst(%dma_wait3A_171 : memref<640x64xf32, #tpu.memory_space<hbm>>)
      tpu.yield
    }) : () -> ()
    %barrier3A_165 = arith.constant 0 : index
    tpu.barrier barrier_id(%barrier3A_165)
    return
  }
}

module attributes {stable_mosaic.version = 14 : i64} {
  func.func @_mm_scale_body(%arg0: i32, %arg1: memref<256x128xf32, #tpu.memory_space<vmem>>, %arg2: memref<128x128xf32, #tpu.memory_space<vmem>>, %arg3: memref<256x1xf32, #tpu.memory_space<vmem>>, %arg4: memref<256x64xf32, #tpu.memory_space<vmem>>, %arg5: memref<256x64xf32, #tpu.memory_space<vmem>>) attributes {dimension_semantics = [#tpu.dimension_semantics<arbitrary>], iteration_bounds = array<i64: 40>, scalar_prefetch = 0 : i64, scratch_operands = 0 : i64, tpu.core_type = #tpu.core_type<tc>, window_params = [{transform_indices = @transform_0, window_bounds = array<i64: 256, 128>}, {pipeline_mode = #tpu.pipeline_mode<synchronous>, transform_indices = @transform_1, window_bounds = array<i64: 128, 128>}, {transform_indices = @transform_2, window_bounds = array<i64: 256, 1>}, {transform_indices = @transform_3, window_bounds = array<i64: 256, 64>}, {transform_indices = @transform_4, window_bounds = array<i64: 256, 64>}]} {
    %get3A = arith.constant 0 : index
    %get3A_0 = arith.constant 0 : index
    %get3A_1 = vector.load %arg3[%get3A, %get3A_0] : memref<256x1xf32, #tpu.memory_space<vmem>>, vector<256x1xf32>
    %rsqrt3A = math.rsqrt %get3A_1 : vector<256x1xf32>
    %get3A_2 = arith.constant 0 : index
    %get3A_3 = arith.constant 0 : index
    %get3A_4 = vector.load %arg1[%get3A_2, %get3A_3] : memref<256x128xf32, #tpu.memory_space<vmem>>, vector<256x128xf32>
    %get3A_5 = arith.constant 0 : index
    %get3A_6 = arith.constant 0 : index
    %get3A_7 = vector.load %arg2[%get3A_5, %get3A_6] : memref<128x128xf32, #tpu.memory_space<vmem>>, vector<128x128xf32>
    %dot_general3A = arith.constant dense<0.000000e+00> : vector<256x128xf32>
    %dot_general3A_8 = tpu.matmul %get3A_4, %get3A_7, %dot_general3A {dimension_numbers = #tpu.dot_dimension_numbers<[1], [0], [0], [1], [0, 0, 1, 1], [], []>, transpose_lhs_hint = false} : vector<256x128xf32>, vector<128x128xf32>, vector<256x128xf32> -> vector<256x128xf32>
    %mul3A = vector.broadcast %rsqrt3A : vector<256x1xf32> to vector<256x128xf32>
    %mul3A_9 = arith.mulf %dot_general3A_8, %mul3A : vector<256x128xf32>
    %slice3A = vector.extract_strided_slice %mul3A_9 {offsets = [0, 0], sizes = [256, 64], strides = [1, 1]} : vector<256x128xf32> to vector<256x64xf32>
    %swap3A = arith.constant 0 : index
    %swap3A_10 = arith.constant 0 : index
    %swap3A_11 = vector.load %arg4[%swap3A, %swap3A_10] : memref<256x64xf32, #tpu.memory_space<vmem>>, vector<256x64xf32>
    tpu.vector_store %arg4[%swap3A, %swap3A_10], %slice3A {strides = array<i32>} : memref<256x64xf32, #tpu.memory_space<vmem>>, vector<256x64xf32>,
    %slice3A_12 = vector.extract_strided_slice %mul3A_9 {offsets = [0, 64], sizes = [256, 64], strides = [1, 1]} : vector<256x128xf32> to vector<256x64xf32>
    %swap3A_13 = arith.constant 0 : index
    %swap3A_14 = arith.constant 0 : index
    %swap3A_15 = vector.load %arg5[%swap3A_13, %swap3A_14] : memref<256x64xf32, #tpu.memory_space<vmem>>, vector<256x64xf32>
    tpu.vector_store %arg5[%swap3A_13, %swap3A_14], %slice3A_12 {strides = array<i32>} : memref<256x64xf32, #tpu.memory_space<vmem>>, vector<256x64xf32>,
    return
  }
  func.func @transform_0(%arg0: i32) -> (i32, i32) {
    %c0_i32 = arith.constant 0 : i32
    %c0_i32_0 = arith.constant 0 : i32
    return %arg0, %c0_i32 : i32, i32
  }
  func.func @transform_1(%arg0: i32) -> (i32, i32) {
    %c0_i32 = arith.constant 0 : i32
    %c0_i32_0 = arith.constant 0 : i32
    %c0_i32_1 = arith.constant 0 : i32
    return %c0_i32, %c0_i32_0 : i32, i32
  }
  func.func @transform_2(%arg0: i32) -> (i32, i32) {
    %c0_i32 = arith.constant 0 : i32
    %c0_i32_0 = arith.constant 0 : i32
    return %arg0, %c0_i32 : i32, i32
  }
  func.func @transform_3(%arg0: i32) -> (i32, i32) {
    %c0_i32 = arith.constant 0 : i32
    %c0_i32_0 = arith.constant 0 : i32
    return %arg0, %c0_i32 : i32, i32
  }
  func.func @transform_4(%arg0: i32) -> (i32, i32) {
    %c0_i32 = arith.constant 0 : i32
    %c0_i32_0 = arith.constant 0 : i32
    return %arg0, %c0_i32 : i32, i32
  }
}

module attributes {stable_mosaic.version = 14 : i64} {
  func.func @_mid_body(%arg0: i32, %arg1: memref<2x256x64xf32, #tpu.memory_space<vmem>>, %arg2: memref<2x256x64xf32, #tpu.memory_space<vmem>>, %arg3: memref<256x64xf32, #tpu.memory_space<vmem>>, %arg4: memref<256x64xf32, #tpu.memory_space<vmem>>, %arg5: memref<256x1xf32, #tpu.memory_space<vmem>>, %arg6: memref<1x128xf32, #tpu.memory_space<vmem>>, %arg7: memref<128x128xf32, #tpu.memory_space<vmem>>, %arg8: memref<256x64xf32, #tpu.memory_space<vmem>>, %arg9: memref<256x64xf32, #tpu.memory_space<vmem>>) attributes {dimension_semantics = [#tpu.dimension_semantics<arbitrary>], iteration_bounds = array<i64: 40>, scalar_prefetch = 0 : i64, scratch_operands = 0 : i64, tpu.core_type = #tpu.core_type<tc>, window_params = [{transform_indices = @transform_0, window_bounds = array<i64: 2, 256, 64>}, {transform_indices = @transform_1, window_bounds = array<i64: 2, 256, 64>}, {transform_indices = @transform_2, window_bounds = array<i64: 256, 64>}, {transform_indices = @transform_3, window_bounds = array<i64: 256, 64>}, {transform_indices = @transform_4, window_bounds = array<i64: 256, 1>}, {pipeline_mode = #tpu.pipeline_mode<synchronous>, transform_indices = @transform_5, window_bounds = array<i64: 1, 128>}, {pipeline_mode = #tpu.pipeline_mode<synchronous>, transform_indices = @transform_6, window_bounds = array<i64: 128, 128>}, {transform_indices = @transform_7, window_bounds = array<i64: 256, 64>}, {transform_indices = @transform_8, window_bounds = array<i64: 256, 64>}]} {
    %get3A = arith.constant 0 : index
    %get3A_0 = arith.constant 0 : index
    %get3A_1 = vector.load %arg5[%get3A, %get3A_0] : memref<256x1xf32, #tpu.memory_space<vmem>>, vector<256x1xf32>
    %rsqrt3A = math.rsqrt %get3A_1 : vector<256x1xf32>
    %get3A_2 = arith.constant 0 : index
    %get3A_3 = arith.constant 0 : index
    %get3A_4 = arith.constant 0 : index
    %get3A_5 = vector.load %arg1[%get3A_2, %get3A_3, %get3A_4] : memref<2x256x64xf32, #tpu.memory_space<vmem>>, vector<1x256x64xf32>
    %get3A_6 = vector.shape_cast %get3A_5 : vector<1x256x64xf32> to vector<256x64xf32>
    %get3A_7 = arith.constant 1 : index
    %get3A_8 = arith.constant 0 : index
    %get3A_9 = arith.constant 0 : index
    %get3A_10 = vector.load %arg1[%get3A_7, %get3A_8, %get3A_9] : memref<2x256x64xf32, #tpu.memory_space<vmem>>, vector<1x256x64xf32>
    %get3A_11 = vector.shape_cast %get3A_10 : vector<1x256x64xf32> to vector<256x64xf32>
    %add3A = arith.addf %get3A_6, %get3A_11 : vector<256x64xf32>
    %get3A_12 = arith.constant 0 : index
    %get3A_13 = arith.constant 0 : index
    %get3A_14 = vector.load %arg3[%get3A_12, %get3A_13] : memref<256x64xf32, #tpu.memory_space<vmem>>, vector<256x64xf32>
    %add3A_15 = arith.addf %add3A, %get3A_14 : vector<256x64xf32>
    %get3A_16 = arith.constant 0 : index
    %get3A_17 = arith.constant 0 : index
    %get3A_18 = arith.constant 0 : index
    %get3A_19 = vector.load %arg2[%get3A_16, %get3A_17, %get3A_18] : memref<2x256x64xf32, #tpu.memory_space<vmem>>, vector<1x256x64xf32>
    %get3A_20 = vector.shape_cast %get3A_19 : vector<1x256x64xf32> to vector<256x64xf32>
    %get3A_21 = arith.constant 1 : index
    %get3A_22 = arith.constant 0 : index
    %get3A_23 = arith.constant 0 : index
    %get3A_24 = vector.load %arg2[%get3A_21, %get3A_22, %get3A_23] : memref<2x256x64xf32, #tpu.memory_space<vmem>>, vector<1x256x64xf32>
    %get3A_25 = vector.shape_cast %get3A_24 : vector<1x256x64xf32> to vector<256x64xf32>
    %add3A_26 = arith.addf %get3A_20, %get3A_25 : vector<256x64xf32>
    %get3A_27 = arith.constant 0 : index
    %get3A_28 = arith.constant 0 : index
    %get3A_29 = vector.load %arg4[%get3A_27, %get3A_28] : memref<256x64xf32, #tpu.memory_space<vmem>>, vector<256x64xf32>
    %add3A_30 = arith.addf %add3A_26, %get3A_29 : vector<256x64xf32>
    %concatenate3A = tpu.concatenate %add3A_15, %add3A_30 in 1 : vector<256x64xf32>, vector<256x64xf32> -> vector<256x128xf32>
    %mul3A = vector.broadcast %rsqrt3A : vector<256x1xf32> to vector<256x128xf32>
    %mul3A_31 = arith.mulf %concatenate3A, %mul3A : vector<256x128xf32>
    %get3A_32 = arith.constant 0 : index
    %get3A_33 = arith.constant 0 : index
    %get3A_34 = vector.load %arg6[%get3A_32, %get3A_33] : memref<1x128xf32, #tpu.memory_space<vmem>>, vector<1x128xf32>
    %add3A_35 = vector.broadcast %get3A_34 : vector<1x128xf32> to vector<256x128xf32>
    %add3A_36 = arith.addf %mul3A_31, %add3A_35 : vector<256x128xf32>
    %max3A = arith.constant 0.000000e+00 : f32
    %max3A_37 = vector.broadcast %max3A : f32 to vector<256x128xf32>
    %max3A_38 = arith.maximumf %add3A_36, %max3A_37 : vector<256x128xf32>
    %get3A_39 = arith.constant 0 : index
    %get3A_40 = arith.constant 0 : index
    %get3A_41 = vector.load %arg7[%get3A_39, %get3A_40] : memref<128x128xf32, #tpu.memory_space<vmem>>, vector<128x128xf32>
    %dot_general3A = arith.constant dense<0.000000e+00> : vector<256x128xf32>
    %dot_general3A_42 = tpu.matmul %max3A_38, %get3A_41, %dot_general3A {dimension_numbers = #tpu.dot_dimension_numbers<[1], [0], [0], [1], [0, 0, 1, 1], [], []>, transpose_lhs_hint = false} : vector<256x128xf32>, vector<128x128xf32>, vector<256x128xf32> -> vector<256x128xf32>
    %mul3A_43 = vector.broadcast %rsqrt3A : vector<256x1xf32> to vector<256x128xf32>
    %mul3A_44 = arith.mulf %dot_general3A_42, %mul3A_43 : vector<256x128xf32>
    %slice3A = vector.extract_strided_slice %mul3A_44 {offsets = [0, 0], sizes = [256, 64], strides = [1, 1]} : vector<256x128xf32> to vector<256x64xf32>
    %swap3A = arith.constant 0 : index
    %swap3A_45 = arith.constant 0 : index
    %swap3A_46 = vector.load %arg8[%swap3A, %swap3A_45] : memref<256x64xf32, #tpu.memory_space<vmem>>, vector<256x64xf32>
    tpu.vector_store %arg8[%swap3A, %swap3A_45], %slice3A {strides = array<i32>} : memref<256x64xf32, #tpu.memory_space<vmem>>, vector<256x64xf32>,
    %slice3A_47 = vector.extract_strided_slice %mul3A_44 {offsets = [0, 64], sizes = [256, 64], strides = [1, 1]} : vector<256x128xf32> to vector<256x64xf32>
    %swap3A_48 = arith.constant 0 : index
    %swap3A_49 = arith.constant 0 : index
    %swap3A_50 = vector.load %arg9[%swap3A_48, %swap3A_49] : memref<256x64xf32, #tpu.memory_space<vmem>>, vector<256x64xf32>
    tpu.vector_store %arg9[%swap3A_48, %swap3A_49], %slice3A_47 {strides = array<i32>} : memref<256x64xf32, #tpu.memory_space<vmem>>, vector<256x64xf32>,
    return
  }
  func.func @transform_0(%arg0: i32) -> (i32, i32, i32) {
    %c0_i32 = arith.constant 0 : i32
    %c0_i32_0 = arith.constant 0 : i32
    %c0_i32_1 = arith.constant 0 : i32
    return %c0_i32, %arg0, %c0_i32_0 : i32, i32, i32
  }
  func.func @transform_1(%arg0: i32) -> (i32, i32, i32) {
    %c0_i32 = arith.constant 0 : i32
    %c0_i32_0 = arith.constant 0 : i32
    %c0_i32_1 = arith.constant 0 : i32
    return %c0_i32, %arg0, %c0_i32_0 : i32, i32, i32
  }
  func.func @transform_2(%arg0: i32) -> (i32, i32) {
    %c0_i32 = arith.constant 0 : i32
    %c0_i32_0 = arith.constant 0 : i32
    return %arg0, %c0_i32 : i32, i32
  }
  func.func @transform_3(%arg0: i32) -> (i32, i32) {
    %c0_i32 = arith.constant 0 : i32
    %c0_i32_0 = arith.constant 0 : i32
    return %arg0, %c0_i32 : i32, i32
  }
  func.func @transform_4(%arg0: i32) -> (i32, i32) {
    %c0_i32 = arith.constant 0 : i32
    %c0_i32_0 = arith.constant 0 : i32
    return %arg0, %c0_i32 : i32, i32
  }
  func.func @transform_5(%arg0: i32) -> (i32, i32) {
    %c0_i32 = arith.constant 0 : i32
    %c0_i32_0 = arith.constant 0 : i32
    %c0_i32_1 = arith.constant 0 : i32
    return %c0_i32, %c0_i32_0 : i32, i32
  }
  func.func @transform_6(%arg0: i32) -> (i32, i32) {
    %c0_i32 = arith.constant 0 : i32
    %c0_i32_0 = arith.constant 0 : i32
    %c0_i32_1 = arith.constant 0 : i32
    return %c0_i32, %c0_i32_0 : i32, i32
  }
  func.func @transform_7(%arg0: i32) -> (i32, i32) {
    %c0_i32 = arith.constant 0 : i32
    %c0_i32_0 = arith.constant 0 : i32
    return %arg0, %c0_i32 : i32, i32
  }
  func.func @transform_8(%arg0: i32) -> (i32, i32) {
    %c0_i32 = arith.constant 0 : i32
    %c0_i32_0 = arith.constant 0 : i32
    return %arg0, %c0_i32 : i32, i32
  }
}

module attributes {stable_mosaic.version = 14 : i64} {
  func.func @_final_body(%arg0: i32, %arg1: memref<2x256x64xf32, #tpu.memory_space<vmem>>, %arg2: memref<2x256x64xf32, #tpu.memory_space<vmem>>, %arg3: memref<256x64xf32, #tpu.memory_space<vmem>>, %arg4: memref<256x64xf32, #tpu.memory_space<vmem>>, %arg5: memref<256x1xf32, #tpu.memory_space<vmem>>, %arg6: memref<1x128xf32, #tpu.memory_space<vmem>>, %arg7: memref<256x128xf32, #tpu.memory_space<vmem>>) attributes {dimension_semantics = [#tpu.dimension_semantics<arbitrary>], iteration_bounds = array<i64: 40>, scalar_prefetch = 0 : i64, scratch_operands = 0 : i64, tpu.core_type = #tpu.core_type<tc>, window_params = [{transform_indices = @transform_0, window_bounds = array<i64: 2, 256, 64>}, {transform_indices = @transform_1, window_bounds = array<i64: 2, 256, 64>}, {transform_indices = @transform_2, window_bounds = array<i64: 256, 64>}, {transform_indices = @transform_3, window_bounds = array<i64: 256, 64>}, {transform_indices = @transform_4, window_bounds = array<i64: 256, 1>}, {pipeline_mode = #tpu.pipeline_mode<synchronous>, transform_indices = @transform_5, window_bounds = array<i64: 1, 128>}, {transform_indices = @transform_6, window_bounds = array<i64: 256, 128>}]} {
    %get3A = arith.constant 0 : index
    %get3A_0 = arith.constant 0 : index
    %get3A_1 = vector.load %arg5[%get3A, %get3A_0] : memref<256x1xf32, #tpu.memory_space<vmem>>, vector<256x1xf32>
    %rsqrt3A = math.rsqrt %get3A_1 : vector<256x1xf32>
    %get3A_2 = arith.constant 0 : index
    %get3A_3 = arith.constant 0 : index
    %get3A_4 = arith.constant 0 : index
    %get3A_5 = vector.load %arg1[%get3A_2, %get3A_3, %get3A_4] : memref<2x256x64xf32, #tpu.memory_space<vmem>>, vector<1x256x64xf32>
    %get3A_6 = vector.shape_cast %get3A_5 : vector<1x256x64xf32> to vector<256x64xf32>
    %get3A_7 = arith.constant 1 : index
    %get3A_8 = arith.constant 0 : index
    %get3A_9 = arith.constant 0 : index
    %get3A_10 = vector.load %arg1[%get3A_7, %get3A_8, %get3A_9] : memref<2x256x64xf32, #tpu.memory_space<vmem>>, vector<1x256x64xf32>
    %get3A_11 = vector.shape_cast %get3A_10 : vector<1x256x64xf32> to vector<256x64xf32>
    %add3A = arith.addf %get3A_6, %get3A_11 : vector<256x64xf32>
    %get3A_12 = arith.constant 0 : index
    %get3A_13 = arith.constant 0 : index
    %get3A_14 = vector.load %arg3[%get3A_12, %get3A_13] : memref<256x64xf32, #tpu.memory_space<vmem>>, vector<256x64xf32>
    %add3A_15 = arith.addf %add3A, %get3A_14 : vector<256x64xf32>
    %get3A_16 = arith.constant 0 : index
    %get3A_17 = arith.constant 0 : index
    %get3A_18 = arith.constant 0 : index
    %get3A_19 = vector.load %arg2[%get3A_16, %get3A_17, %get3A_18] : memref<2x256x64xf32, #tpu.memory_space<vmem>>, vector<1x256x64xf32>
    %get3A_20 = vector.shape_cast %get3A_19 : vector<1x256x64xf32> to vector<256x64xf32>
    %get3A_21 = arith.constant 1 : index
    %get3A_22 = arith.constant 0 : index
    %get3A_23 = arith.constant 0 : index
    %get3A_24 = vector.load %arg2[%get3A_21, %get3A_22, %get3A_23] : memref<2x256x64xf32, #tpu.memory_space<vmem>>, vector<1x256x64xf32>
    %get3A_25 = vector.shape_cast %get3A_24 : vector<1x256x64xf32> to vector<256x64xf32>
    %add3A_26 = arith.addf %get3A_20, %get3A_25 : vector<256x64xf32>
    %get3A_27 = arith.constant 0 : index
    %get3A_28 = arith.constant 0 : index
    %get3A_29 = vector.load %arg4[%get3A_27, %get3A_28] : memref<256x64xf32, #tpu.memory_space<vmem>>, vector<256x64xf32>
    %add3A_30 = arith.addf %add3A_26, %get3A_29 : vector<256x64xf32>
    %concatenate3A = tpu.concatenate %add3A_15, %add3A_30 in 1 : vector<256x64xf32>, vector<256x64xf32> -> vector<256x128xf32>
    %mul3A = vector.broadcast %rsqrt3A : vector<256x1xf32> to vector<256x128xf32>
    %mul3A_31 = arith.mulf %concatenate3A, %mul3A : vector<256x128xf32>
    %get3A_32 = arith.constant 0 : index
    %get3A_33 = arith.constant 0 : index
    %get3A_34 = vector.load %arg6[%get3A_32, %get3A_33] : memref<1x128xf32, #tpu.memory_space<vmem>>, vector<1x128xf32>
    %add3A_35 = vector.broadcast %get3A_34 : vector<1x128xf32> to vector<256x128xf32>
    %add3A_36 = arith.addf %mul3A_31, %add3A_35 : vector<256x128xf32>
    %swap3A = arith.constant 0 : index
    %swap3A_37 = arith.constant 0 : index
    %swap3A_38 = vector.load %arg7[%swap3A, %swap3A_37] : memref<256x128xf32, #tpu.memory_space<vmem>>, vector<256x128xf32>
    tpu.vector_store %arg7[%swap3A, %swap3A_37], %add3A_36 {strides = array<i32>} : memref<256x128xf32, #tpu.memory_space<vmem>>, vector<256x128xf32>,
    return
  }
  func.func @transform_0(%arg0: i32) -> (i32, i32, i32) {
    %c0_i32 = arith.constant 0 : i32
    %c0_i32_0 = arith.constant 0 : i32
    %c0_i32_1 = arith.constant 0 : i32
    return %c0_i32, %arg0, %c0_i32_0 : i32, i32, i32
  }
  func.func @transform_1(%arg0: i32) -> (i32, i32, i32) {
    %c0_i32 = arith.constant 0 : i32
    %c0_i32_0 = arith.constant 0 : i32
    %c0_i32_1 = arith.constant 0 : i32
    return %c0_i32, %arg0, %c0_i32_0 : i32, i32, i32
  }
  func.func @transform_2(%arg0: i32) -> (i32, i32) {
    %c0_i32 = arith.constant 0 : i32
    %c0_i32_0 = arith.constant 0 : i32
    return %arg0, %c0_i32 : i32, i32
  }
  func.func @transform_3(%arg0: i32) -> (i32, i32) {
    %c0_i32 = arith.constant 0 : i32
    %c0_i32_0 = arith.constant 0 : i32
    return %arg0, %c0_i32 : i32, i32
  }
  func.func @transform_4(%arg0: i32) -> (i32, i32) {
    %c0_i32 = arith.constant 0 : i32
    %c0_i32_0 = arith.constant 0 : i32
    return %arg0, %c0_i32 : i32, i32
  }
  func.func @transform_5(%arg0: i32) -> (i32, i32) {
    %c0_i32 = arith.constant 0 : i32
    %c0_i32_0 = arith.constant 0 : i32
    %c0_i32_1 = arith.constant 0 : i32
    return %c0_i32, %c0_i32_0 : i32, i32
  }
  func.func @transform_6(%arg0: i32) -> (i32, i32) {
    %c0_i32 = arith.constant 0 : i32
    %c0_i32_0 = arith.constant 0 : i32
    return %arg0, %c0_i32 : i32, i32
  }
}

</mosaic_0001>

<sc_bundles>
// kernel: kernel.11.cloned.1.call-start
scs
__scs_entry_jumppad:
0x0: {  	(pc) =	sbr.rel $0x88, $3  }
0x1: {  	(tag) =	ssettag $0x0;
	lr =	simm.s32 $0x1  }
0x2: {  	[smem:$0x3F9B] =	sst lr;
	_ =	strace $0xD0000000  }
0x3: {  	_ = 	snop  }
0x4: {  	_ = 	snop  }
0x5: {  	_ = 	snop  }
0x6: {  	_ = 	snop  }
0x7: {  	_ = 	snop  }
__scs_overlays_trampoline_lowered:
0x8: {  	[smem:$0x3FAA] =	sst s0  }
0x9: {  	[smem:$0x3FAB] =	sst s1  }
0xa: {  	[smem:$0x3FAC] =	sst s2  }
0xb: {  	[smem:$0x3FAD] =	sst s3  }
0xc: {  	[smem:$0x3FAE] =	sst s4  }
0xd: {  	[smem:$0x3FAF] =	sst s5  }
0xe: {  	[smem:$0x3FB0] =	sst s6  }
0xf: {  	[smem:$0x3FB1] =	sst s7  }
0x10: {  	[smem:$0x3FB2] =	sst s8  }
0x11: {  	[smem:$0x3FB3] =	sst s9;
	s0 =	simm.s32 @!p0 $0x0  }
0x12: {  	s1 =	sld [smem:$0x3F99];
	s0 =	simm.s32 @p0 $0x1  }
0x13: {  	[smem:$0x3FB4] =	sst s0;
	s0 =	simm.s32 @!p1 $0x0  }
0x14: {  	s2 =	sld [smem:$0x3F98];
	s0 =	simm.s32 @p1 $0x1  }
0x15: {  	[smem:$0x3FB5] =	sst s0;
	s0 =	simm.s32 @!p2 $0x0  }
0x16: {  	s3 =	sld [smem:$0x3FDB];
	s0 =	simm.s32 @p2 $0x1  }
0x17: {  	s4 =	simm.s32 $0x1BF5;
	[smem:$0x3FB7] =	sst s0  }
0x18: {  	s0 =	sld [smem:$0x3F9A];
	_ =	swait.ge [sflag:s4], $0x0  }
0x19: {  	s7 =	sld [smem:$0x3F9B]  }
0x1a: {  	s8 =	sadd.s32 $0xFFFFE003, lr  }
0x1b: {  	s9 =	sadd.s32 $0xFFFFFEF7, lr;
	s5 =	simm.s32 $0xFFFFFFFF;
	p2 =	slt.u32 s8, $0xFFFFF086  }
0x1c: {  	p1 =	slt.u32 s9, $0xF7A;
	s5 =	simm.s32 @!p2 $0x0  }
0x1d: {  	s5 =	simm.s32 @p1 $0x1;
	p0 =	seq.s32 s7, s2  }
0x1e: {  	s7 =	smul.u32 @!p0 $0xF7A, s2;
	p2 =	seq.s32 @!p0 s5, $0x0  }
0x1f: {  	s9 =	smul.u32 $0xF7A, s1;
	s8 =	simm.s32 @!p0 $0x1BF5;
	p2 =	por !p2, p0  }
0x20: {  	[sflag:s8] =	ssyncset.s32 @!p0 $0xFFFFF086;
	s6 =	sadd.s32 @!p0 s3, s7;
	s7 =	simm.s32 @!p0 $0x108  }
0x21: {  	s3 =	sadd.s32 s3, s9;
	s6 =	sadd.s32 @!p0 $0x88, s6;
	s7 =	simm.s32 @p2 $0x1082  }
0x22: {  	[simem:s7], [sflag:s8] =	dma.local @!p0 [hbm:s6], $0xF7A  }
0x23: {  	s9 =	sor.u32 $0xD0000000, s2;
	s6 =	simm.s32 $0x108;
	_ =	swait.ge @!p0 [sflag:s8], $0x0  }
0x24: {  	s3 =	sadd.s32 $0x88, s3;
	s6 =	simm.s32 @!p1 $0x1082;
	[sflag:s4] =	ssyncset.s32 $0xFFFFF086  }
0x25: {  	[simem:s6], [sflag:s4] =	dma.local [hbm:s3], $0xF7A  }
0x26: {  	[smem:$0x3F9B] =	sst s1;
	(tag) =	ssettag s2;
	_ =	strace s9  }
0x27: {  	s1 =	sld [smem:$0x3FAB]  }
0x28: {  	s2 =	sld [smem:$0x3FAC]  }
0x29: {  	s4 =	sld [smem:$0x3FAE]  }
0x2a: {  	p0 =	seq.s32 s5, $0x0;
	s5 =	sld [smem:$0x3FAF]  }
0x2b: {  	s6 =	sld [smem:$0x3FB0]  }
0x2c: {  	s7 =	sld [smem:$0x3FB1]  }
0x2d: {  	s3 =	simm.s32 $0x108;
	s8 =	sld [smem:$0x3FB2]  }
0x2e: {  	s3 =	simm.s32 @!p0 $0x1082;
	s9 =	sld [smem:$0x3FB3]  }
0x2f: {  	lr =	sadd.s32 s0, s3;
	s0 =	sld [smem:$0x3FAA]  }
0x30: {  	s3 =	sld [smem:$0x3FAD]  }
0x31: {  	[smem:$0x3FB6] =	sst s10  }
0x32: {  	s10 =	sld [smem:$0x3FB4];
	_ =	sdelay $0x3  }
0x33: {  	p0 =	seq.s32 s10, $0x1;
	s10 =	sld [smem:$0x3FB6];
	_ =	sdelay $0x3  }
0x34: {  	[smem:$0x3FB6] =	sst s10  }
0x35: {  	s10 =	sld [smem:$0x3FB5];
	_ =	sdelay $0x3  }
0x36: {  	p1 =	seq.s32 s10, $0x1;
	s10 =	sld [smem:$0x3FB6];
	_ =	sdelay $0x3  }
0x37: {  	[smem:$0x3FB6] =	sst s10  }
0x38: {  	s10 =	sld [smem:$0x3FB7]  }
0x39: {  	_ = 	snop;
	(pc) =	sbr.ind lr, $3  }
0x3a: {  	_ = 	snop  }
0x3b: {  	_ = 	snop  }
0x3c: {  	p2 =	seq.s32 s10, $0x1;
	s10 =	sld [smem:$0x3FB6]  }
0x3d: {  	_ =	shalt  }
0x3e: {  	_ =	shalt  }
0x3f: {  	_ =	shalt  }
0x40: {  	_ =	shalt  }
0x41: {  	_ =	shalt  }
0x42: {  	_ =	shalt  }
0x43: {  	_ =	shalt  }
0x44: {  	_ =	shalt  }
0x45: {  	_ =	shalt  }
0x46: {  	_ =	shalt  }
0x47: {  	_ =	shalt  }
0x48: {  	_ =	shalt  }
0x49: {  	_ =	shalt  }
0x4a: {  	_ =	shalt  }
0x4b: {  	_ =	shalt  }
0x4c: {  	_ =	shalt  }
0x4d: {  	_ =	shalt  }
0x4e: {  	_ =	shalt  }
0x4f: {  	_ =	shalt  }
0x50: {  	_ =	shalt  }
0x51: {  	_ =	shalt  }
0x52: {  	_ =	shalt  }
0x53: {  	_ =	shalt  }
0x54: {  	_ =	shalt  }
0x55: {  	_ =	shalt  }
0x56: {  	_ =	shalt  }
0x57: {  	_ =	shalt  }
0x58: {  	_ =	shalt  }
0x59: {  	_ =	shalt  }
0x5a: {  	_ =	shalt  }
0x5b: {  	_ =	shalt  }
0x5c: {  	_ =	shalt  }
0x5d: {  	_ =	shalt  }
0x5e: {  	_ =	shalt  }
0x5f: {  	_ =	shalt  }
0x60: {  	_ =	shalt  }
0x61: {  	_ =	shalt  }
0x62: {  	_ =	shalt  }
0x63: {  	_ =	shalt  }
0x64: {  	_ =	shalt  }
0x65: {  	_ =	shalt  }
0x66: {  	_ =	shalt  }
0x67: {  	_ =	shalt  }
0x68: {  	_ =	shalt  }
0x69: {  	_ =	shalt  }
0x6a: {  	_ =	shalt  }
0x6b: {  	_ =	shalt  }
0x6c: {  	_ =	shalt  }
0x6d: {  	_ =	shalt  }
0x6e: {  	_ =	shalt  }
0x6f: {  	_ =	shalt  }
0x70: {  	_ =	shalt  }
0x71: {  	_ =	shalt  }
0x72: {  	_ =	shalt  }
0x73: {  	_ =	shalt  }
0x74: {  	_ =	shalt  }
0x75: {  	_ =	shalt  }
0x76: {  	_ =	shalt  }
0x77: {  	_ =	shalt  }
0x78: {  	_ =	shalt  }
0x79: {  	_ =	shalt  }
0x7a: {  	_ =	shalt  }
0x7b: {  	_ =	shalt  }
0x7c: {  	_ =	shalt  }
0x7d: {  	_ =	shalt  }
0x7e: {  	_ =	shalt  }
0x7f: {  	_ =	shalt  }
0x80: {  	_ =	shalt  }
0x81: {  	_ =	shalt  }
0x82: {  	_ =	shalt  }
0x83: {  	_ =	shalt  }
0x84: {  	_ =	shalt  }
0x85: {  	_ =	shalt  }
0x86: {  	_ =	shalt  }
0x87: {  	_ =	shalt  }
.Lfunc_end0:
.L_simem_size_0:
called_computation.1_lowered:
.L_overlay_start_0:
0x88: {  	s2 =	sld [smem:$0x3FD9]  }
0x89: {  	s3 =	sld [smem:$0x3FFE];
	_ =	sdelay $0x1  }
0x8a: {  	s1 =	srdreg.scid  }
0x8b: {  	s0 =	sand.u32 $0x1, s1  }
0x8c: {  	s17 =	sshll.u32 s0, $0xA;
	s2 =	sadd.s32 s3, s2  }
0x8d: {  	s2 =	sadd.s32 s2, s17  }
0x8e: {  	[smem:$0x3FC2] =	sst s2  }
0x8f: {  	_ = 	snop  }
0x90: {  	s2 =	sld [smem:$0x3FD0];
	(tm) =	ssettm $0x1  }
0x91: {  	s18 =	sld [smem:$0x3FFB];
	_ =	sdelay $0x3  }
0x92: {  	_ =	strace s18  }
0x93: {  	s3 =	sld [smem:$0x3FFC];
	_ =	sdelay $0x3  }
0x94: {  	_ =	strace s3  }
0x95: {  	s3 =	sld [smem:$0x3FFD];
	_ =	sdelay $0x3  }
0x96: {  	_ =	strace s3  }
0x97: {  	_ =	strace $0x8FFFFFFF  }
0x98: {  	s19 =	sld [smem:$0x3FDB];
	_ =	sdelay $0x1  }
0x99: {  	s4 =	simm.s32 $_scs_section_size  }
0x9a: {  	s5 =	simm.s32 $_size__tile_overlayer_lowered;
	s6 =	simm.s32 $_tile_overlayer_lowered  }
0x9b: {  	s22 =	simm.s32 $0x1BFF;
	s21 =	sshll.u32 s6, $0x1;
	s3 =	sadd.s32 s4, s19  }
0x9c: {  	s7 =	simm.s32 $0x0;
	s20 =	sshll.u32 s5, $0x1;
	s5 =	sadd.s32 s21, s3  }
0x9d: {  	[timem:s7], [sflag:s22] =	dma.local [hbm:s5], s20  }
0x9e: {  	_ =	swait.ge [sflag:s22], s20  }
0x9f: {  	s4 =	ssub.s32 $0x0, s20;
	[sflag:s22] =	ssyncset.done $0x0  }
0xa0: {  	[sflag:s22] =	ssyncadd.s32 s4;
	_ =	sdelay $0x1  }
0xa1: {  	s23 =	simm.s32 $0x1B8B  }
0xa2: {  	_ =	swait.ge [sflag:s23], $0x1  }
0xa3: {  	[sflag:s23] =	ssyncset.done $0x0  }
0xa4: {  	s25 =	simm.s32 $0x1B8E;
	s24 =	sld [smem:$0x3FFE];
	[sflag:s23] =	ssyncadd.s32 $0xFFFFFFFF  }
0xa5: {  	s26 =	simm.s32 $execute0_lowered;
	[smem:$0x3FD2] =	sst s25  }
0xa6: {  	s5 =	sshll.u32 s26, $0x1;
	_ =	strace $0x80000049;
	[dreg:$0x1] =	wrdreg $0xFFFFFFFF  }
0xa7: {  	s28 =	simm.s32 $_size_execute0_lowered;
	s3 =	sadd.s32 s3, s5;
	[dreg:$0x0] =	wrdreg $0x0  }
0xa8: {  	s5 =	sshll.u32 s28, $0x1;
	[dreg:$0x2] =	wrdreg s3  }
0xa9: {  	[dreg:$0x3] =	wrdreg s5  }
0xaa: {  	[dreg:$0x4] =	wrdreg $0xC0  }
0xab: {  	_ =	task [dreg:s7], $0x5FFFF  }
0xac: {  	[dreg:$0x1] =	wrdreg $0xFFFFFFFF  }
0xad: {  	[dreg:$0x0] =	wrdreg $0x60  }
0xae: {  	[dreg:$0x2] =	wrdreg s2  }
0xaf: {  	[dreg:$0x3] =	wrdreg s24  }
0xb0: {  	[dreg:$0x4] =	wrdreg $0xB0800  }
0xb1: {  	[dreg:$0x5] =	wrdreg $0x9  }
0xb2: {  	_ =	task.clear_ibuf [dreg:s7], $0x6FFFF;
	_ =	strace $0x90000049  }
0xb3: {  	s29 =	simm.s32 $0x9;
	_ =	strace $0x8000004B  }
0xb4: {  	_ =	swait.ge [sflag:s29], $0x1  }
0xb5: {  	[sflag:s29] =	ssyncadd.s32 $0xFFFFFFFF  }
0xb6: {  	_ =	strace $0x9000004B  }
0xb7: {  	_ =	sfence  }
0xb8: {  	s30 =	sld [smem:$0x0];
	_ =	sdelay $0x2  }
0xb9: {  	s31 =	sshll.u32 s1, $0xD;
	s1 =	sshrl.u32 s1, $0x2  }
0xba: {  	s3 =	sand.u32 $0x4000, s31;
	s1 =	sadd.s32 s1, s30  }
0xbb: {  	s0 =	sor.u32 s3, s0;
	s1 =	sshll.u32 s1, $0x11  }
0xbc: {  	s0 =	sor.u32 s1, s0  }
0xbd: {  	s0 =	sadd.s32 $0x8F2B, s0  }
0xbe: {  	[sflag:s0] =	ssyncadd.remote.s32 $0x1  }
0xbf: {  	_ =	sfence.sel $0xFFFF  }
0xc0: {  	[dreg:$0x0] =	wrdreg $0xFFFFFFFF;
	(pc) =	sbr.abs _section_cstart, $3  }
0xc1: {  	[dreg:$0x1] =	wrdreg $0xFFFFFFFF  }
0xc2: {  	_ =	task.clear_ibuf [dreg:s7], $0x2FFFF;
	_ =	strace $0x9FFFFFFF  }
0xc3: {  	(tm) =	ssettm $0x7FFFFFFF  }
tec
execute0_lowered:
.L_overlay_start_1:
0x0: {  	(tag) =	ssettag $0x1  }
0x1: {  	s1 =	rddreg [dreg:$0x0]  }
0x2: {  	s6 =	rddreg [dreg:$0x1]  }
0x3: {  	s3 =	rddreg [dreg:$0x2];
	s4 =	srdreg.scid  }
0x4: {  	s0 =	rddreg [dreg:$0x3];
	s2 =	stileid.u32;
	s16 =	simm.s32 $0x3  }
0x5: {  	s17 =	simm.s32 $0x2880;
	s18 =	simm.s32 $0x9080;
	s19 =	simm.s32 $0x80  }
0x6: {  	s20 =	simm.s32 $0x5080;
	s21 =	simm.s32 $0x7080;
	s22 =	simm.s32 $0x1  }
0x7: {  	s23 =	simm.s32 $0x2;
	s7 =	sand.u32 $0x1, s4;
	s8 =	smul.u32 $0x280, s2  }
0x8: {  	s4 =	simm.s32 $0x0;
	s30 =	smul.u32 $0x28000, s2;
	s5 =	sshll.u32 s7, $0x4  }
0x9: {  	[smem:$0x7FF] =	sst s4;
	s10 =	smul.u32 $0x2800, s7;
	s7 =	ssub.s32 $0x2, s7  }
0xa: {  	s9 =	sor.u32 s2, s5;
	_ =	strace $0x8000004A;
	s5 =	sadd.s32 $0x68A00, s6  }
0xb: {  	s11 =	sshrl.u32 s7, $0x1;
	s9 =	smul.u32 $0x500, s9;
	s8 =	sadd.s32 s8, s10  }
0xc: {  	s31 =	sshrl.u32 s30, $0x2;
	s15 =	ssub.s32 s7, s11;
	s8 =	sshll.u32 s8, $0x3  }
0xd: {  	s15 =	smax.u32 s15, $0x1;
	s9 =	sadd.s32 s9, s6;
	s14 =	sadd.s32 s8, s6  }
0xe: {  	s8 =	sadd.s32 s31, s3;
	s6 =	sadd.s32 $0xEA00, s9;
	s7 =	sadd.s32 $0x4A00, s9  }
0xf: {  	s9 =	sadd.s32 $0x2000, s8;
	s10 =	sadd.s32 $0x4000, s8;
	s11 =	sadd.s32 $0x6000, s8  }
0x10: {  	v0 =	vimm.f32 $0.0e+00;
	v1 =	vimm.s32 $0x0;
	s12 =	sadd.s32 $0x8000, s8;
	s13 =	sadd.s32 $0xA4A00, s14;
	s14 =	sadd.s32 $0x7CA00, s14  }
.LBB2_1:
0x11: {  	s25 =	simm.s32 $0x100;
	s24 =	simm.s32 $0x0  }
.LBB2_2:
0x12: {  	p0 =	sne.s32 s25, $0x7F00;
	[tilespmem:s24+$0x90B0] =	vst v0;
	s26 =	smov.u32 s25;
	s25 =	sadd.s32 $0x100, s25  }
.Ltmp0:
0x13: {  	[tilespmem:s24+$0x90A0] =	vst v0;
	(pc) =	sbr.rel @p0 .LBB2_2-.Ltmp0, $3  }
0x14: {  	[tilespmem:s24+$0x9080] =	vst v0  }
0x15: {  	[tilespmem:s24+$0x9090] =	vst v0;
	_ =	sdelay $0x1  }
0x16: {  	s24 =	sshra.s32 s26, $0x2  }
0x17: {  	[tilespmem:s24+$0x90B0] =	vst v0  }
0x18: {  	[tilespmem:s24+$0x90A0] =	vst v0  }
0x19: {  	[tilespmem:s24+$0x9080] =	vst v0  }
0x1a: {  	[tilespmem:s24+$0x9090] =	vst v0  }
0x1b: {  	[tilespmem:$0x2800] =	vst v1  }
0x1c: {  	[tilespmem:$0x2810] =	vst v1  }
0x1d: {  	[tilespmem:$0x2820] =	vst v1  }
0x1e: {  	[tilespmem:$0x2830] =	vst v1  }
0x1f: {  	[tilespmem:$0x2840] =	vst v1  }
0x20: {  	[tilespmem:$0x2850] =	vst v1  }
0x21: {  	[tilespmem:$0x2860] =	vst v1  }
0x22: {  	s26 =	simm.s32 $0x0;
	[tilespmem:$0x2870] =	vst v1  }
0x23: {  	[tilespmem:s26], [sflag:$0x3] =	stream.linear.gather [hbm4b:s6+s26], $0x2800, $0x38;
	[tilespmem:$0x15080] =	vst v63  }
0x24: {  	_ =	swait.ge [sflag:s16], $0x2800  }
0x25: {  	[sflag:s16] =	ssyncset.done $0x0  }
0x26: {  	[sflag:s16] =	ssyncadd.s32 $0xFFFFD800  }
0x27: {  	[tilespmem:s17], [sflag:$0x3] =	stream.linear.gather [hbm4b:s7+s26], $0x2800, $0x38;
	[tilespmem:$0x15080] =	vst v63  }
0x28: {  	_ =	swait.ge [sflag:s16], $0x2800  }
0x29: {  	[sflag:s16] =	ssyncset.done $0x0  }
0x2a: {  	[sflag:s16] =	ssyncadd.s32 $0xFFFFD800  }
0x2b: {  	[spmem:s8] =	stream.linear.scatter [tilespmem:s18], [sflag:$0x3], $0x2000, $0x38;
	[tilespmem:$0x15080] =	vst v63  }
0x2c: {  	_ =	swait.ge [sflag:s16], $0x2000  }
0x2d: {  	[sflag:s16] =	ssyncset.done $0x0  }
0x2e: {  	[sflag:s16] =	ssyncadd.s32 $0xFFFFE000  }
0x2f: {  	[spmem:s9] =	stream.linear.scatter [tilespmem:s18], [sflag:$0x3], $0x2000, $0x38;
	[tilespmem:$0x15080] =	vst v63  }
0x30: {  	_ =	swait.ge [sflag:s16], $0x2000  }
0x31: {  	[sflag:s16] =	ssyncset.done $0x0  }
0x32: {  	[sflag:s16] =	ssyncadd.s32 $0xFFFFE000  }
0x33: {  	[spmem:s10] =	stream.linear.scatter [tilespmem:s18], [sflag:$0x3], $0x2000, $0x38;
	[tilespmem:$0x15080] =	vst v63  }
0x34: {  	_ =	swait.ge [sflag:s16], $0x2000  }
0x35: {  	[sflag:s16] =	ssyncset.done $0x0  }
0x36: {  	[sflag:s16] =	ssyncadd.s32 $0xFFFFE000  }
0x37: {  	[spmem:s11] =	stream.linear.scatter [tilespmem:s18], [sflag:$0x3], $0x2000, $0x38;
	[tilespmem:$0x15080] =	vst v63  }
0x38: {  	_ =	swait.ge [sflag:s16], $0x2000  }
0x39: {  	[sflag:s16] =	ssyncset.done $0x0  }
0x3a: {  	[sflag:s16] =	ssyncadd.s32 $0xFFFFE000  }
0x3b: {  	[spmem:s12] =	stream.linear.scatter [tilespmem:s18], [sflag:$0x3], $0x2000, $0x38;
	[tilespmem:$0x15080] =	vst v63  }
0x3c: {  	_ =	swait.ge [sflag:s16], $0x2000  }
0x3d: {  	[sflag:s16] =	ssyncset.done $0x0  }
0x3e: {  	[sflag:s16] =	ssyncadd.s32 $0xFFFFE000  }
0x3f: {  	[bflag:$0x0] =	sbarrier.arrive $0xFFFF  }
0x40: {  	[tilespmem:s20], [sflag:$0x1] =	stream.indirect.gather [hbm4b:s1+s19], $0x40, s26, s19, $0xb8;
	[tilespmem:$0x15080] =	vst v63  }
0x41: {  	s28 =	simm.s32 $0x80  }
0x42: {  	[tilespmem:s21], [sflag:$0x2] =	stream.indirect.gather [hbm4b:s1+s19], $0x40, s28, s19, $0xb8;
	[tilespmem:$0x15080] =	vst v63  }
0x43: {  	_ =	swait.ge [sflag:s22], $0x2000  }
0x44: {  	[sflag:s22] =	ssyncset.done $0x0  }
0x45: {  	s29 =	simm.s32 $0x2880;
	[sflag:s22] =	ssyncadd.s32 $0xFFFFE000  }
0x46: {  	[spmem:s3] =	stream.indirect.scatter.add.f32 [tilespmem:s20], [sflag:$0x3], $0x40, s29, s19, $0xb8;
	[tilespmem:$0x15080] =	vst v63  }
0x47: {  	_ =	swait.ge [sflag:s16], $0x2000  }
0x48: {  	[sflag:s16] =	ssyncset.done $0x0  }
0x49: {  	s30 =	simm.s32 $0x100;
	[sflag:s16] =	ssyncadd.s32 $0xFFFFE000  }
0x4a: {  	[tilespmem:s20], [sflag:$0x1] =	stream.indirect.gather [hbm4b:s1+s19], $0x40, s30, s19, $0xb8;
	[tilespmem:$0x15080] =	vst v63  }
0x4b: {  	_ =	swait.ge [sflag:s23], $0x2000  }
0x4c: {  	[sflag:s23] =	ssyncset.done $0x0  }
0x4d: {  	s31 =	simm.s32 $0x2900;
	[sflag:s23] =	ssyncadd.s32 $0xFFFFE000  }
0x4e: {  	[spmem:s3] =	stream.indirect.scatter.add.f32 [tilespmem:s21], [sflag:$0x3], $0x40, s31, s19, $0xb8;
	[tilespmem:$0x15080] =	vst v63  }
0x4f: {  	_ =	swait.ge [sflag:s16], $0x2000  }
0x50: {  	s25 =	simm.s32 $0x800;
	s24 =	simm.s32 $0x100;
	[sflag:s16] =	ssyncset.done $0x0  }
.LBB2_4:
0x51: {  	s26 =	sadd.s32 $0x80, s24  }
0x52: {  	[sflag:s16] =	ssyncadd.s32 $0xFFFFE000;
	s28 =	smov.u32 s25;
	s29 =	sadd.s32 $0x400, s25  }
0x53: {  	[tilespmem:s21], [sflag:$0x2] =	stream.indirect.gather [hbm4b:s1+s19], $0x40, s26, s19, $0xb8;
	[tilespmem:$0x15080] =	vst v63  }
0x54: {  	p0 =	sne.s32 s25, $0x9C00;
	_ =	swait.ge [sflag:s22], $0x2000  }
0x55: {  	[sflag:s22] =	ssyncset.done $0x0  }
0x56: {  	s25 =	sadd.s32 $0x2880, s24;
	[sflag:s22] =	ssyncadd.s32 $0xFFFFE000  }
0x57: {  	[spmem:s3] =	stream.indirect.scatter.add.f32 [tilespmem:s20], [sflag:$0x3], $0x40, s25, s19, $0xb8;
	[tilespmem:$0x15080] =	vst v63  }
0x58: {  	_ =	swait.ge [sflag:s16], $0x2000  }
0x59: {  	[sflag:s16] =	ssyncset.done $0x0  }
0x5a: {  	s25 =	sadd.s32 $0x100, s24;
	[sflag:s16] =	ssyncadd.s32 $0xFFFFE000  }
0x5b: {  	[tilespmem:s20], [sflag:$0x1] =	stream.indirect.gather [hbm4b:s1+s19], $0x40, s25, s19, $0xb8;
	[tilespmem:$0x15080] =	vst v63  }
0x5c: {  	_ =	swait.ge [sflag:s23], $0x2000  }
.Ltmp1:
0x5d: {  	[sflag:s23] =	ssyncset.done $0x0;
	(pc) =	sbr.rel @p0 .LBB2_4-.Ltmp1, $4  }
0x5e: {  	s24 =	sadd.s32 $0x2900, s24;
	[sflag:s23] =	ssyncadd.s32 $0xFFFFE000  }
0x5f: {  	[spmem:s3] =	stream.indirect.scatter.add.f32 [tilespmem:s21], [sflag:$0x3], $0x40, s24, s19, $0xb8;
	[tilespmem:$0x15080] =	vst v63  }
0x60: {  	_ =	swait.ge [sflag:s16], $0x2000  }
0x61: {  	s25 =	smov.u32 s29;
	s24 =	sshra.s32 s28, $0x2;
	[sflag:s16] =	ssyncset.done $0x0  }
0x62: {  	s25 =	sadd.s32 $0x80, s24;
	[sflag:s16] =	ssyncadd.s32 $0xFFFFE000  }
0x63: {  	[tilespmem:s21], [sflag:$0x2] =	stream.indirect.gather [hbm4b:s1+s19], $0x40, s25, s19, $0xb8;
	[tilespmem:$0x15080] =	vst v63  }
0x64: {  	_ =	swait.ge [sflag:s22], $0x2000  }
0x65: {  	[sflag:s22] =	ssyncset.done $0x0  }
0x66: {  	s31 =	sadd.s32 $0x2880, s24;
	[sflag:s22] =	ssyncadd.s32 $0xFFFFE000  }
0x67: {  	[spmem:s3] =	stream.indirect.scatter.add.f32 [tilespmem:s20], [sflag:$0x3], $0x40, s31, s19, $0xb8;
	[tilespmem:$0x15080] =	vst v63  }
0x68: {  	_ =	swait.ge [sflag:s16], $0x2000  }
0x69: {  	[sflag:s16] =	ssyncset.done $0x0  }
0x6a: {  	s26 =	sadd.s32 $0x100, s24;
	[sflag:s16] =	ssyncadd.s32 $0xFFFFE000  }
0x6b: {  	[tilespmem:s20], [sflag:$0x1] =	stream.indirect.gather [hbm4b:s1+s19], $0x40, s26, s19, $0xb8;
	[tilespmem:$0x15080] =	vst v63  }
0x6c: {  	_ =	swait.ge [sflag:s23], $0x2000  }
0x6d: {  	[sflag:s23] =	ssyncset.done $0x0  }
0x6e: {  	s29 =	sadd.s32 $0x2900, s24;
	[sflag:s23] =	ssyncadd.s32 $0xFFFFE000  }
0x6f: {  	[spmem:s3] =	stream.indirect.scatter.add.f32 [tilespmem:s21], [sflag:$0x3], $0x40, s29, s19, $0xb8;
	[tilespmem:$0x15080] =	vst v63  }
0x70: {  	_ =	swait.ge [sflag:s16], $0x2000  }
0x71: {  	[sflag:s16] =	ssyncset.done $0x0  }
0x72: {  	[sflag:s16] =	ssyncadd.s32 $0xFFFFE000  }
0x73: {  	_ =	swait.ge [sflag:s22], $0x2000  }
0x74: {  	[sflag:s22] =	ssyncset.done $0x0  }
0x75: {  	s30 =	sshll.u32 s2, $0x6;
	[sflag:s22] =	ssyncadd.s32 $0xFFFFE000  }
0x76: {  	s24 =	sor.u32 $0x1C03, s30;
	s25 =	sshrl.u32 s8, $0x3;
	[bflag:$0x0] =	sbarrier.arrive $0xFFFF  }
0x77: {  	[hbm:s13], [sflag:s24] =	dma.local [spmem:s25], $0x1400  }
0x78: {  	_ =	swait.ge [sflag:s16], $0x1400  }
0x79: {  	[sflag:s16] =	ssyncset.done $0x0  }
0x7a: {  	[sflag:s16] =	ssyncadd.s32 $0xFFFFEC00  }
0x7b: {  	[bflag:$0x0] =	sbarrier.arrive $0xFFFF  }
0x7c: {  	[spmem:s8] =	stream.linear.scatter [tilespmem:s18], [sflag:$0x3], $0x2000, $0x38;
	[tilespmem:$0x15080] =	vst v63  }
0x7d: {  	_ =	swait.ge [sflag:s16], $0x2000  }
0x7e: {  	[sflag:s16] =	ssyncset.done $0x0  }
0x7f: {  	[sflag:s16] =	ssyncadd.s32 $0xFFFFE000  }
0x80: {  	[spmem:s9] =	stream.linear.scatter [tilespmem:s18], [sflag:$0x3], $0x2000, $0x38;
	[tilespmem:$0x15080] =	vst v63  }
0x81: {  	_ =	swait.ge [sflag:s16], $0x2000  }
0x82: {  	[sflag:s16] =	ssyncset.done $0x0  }
0x83: {  	[sflag:s16] =	ssyncadd.s32 $0xFFFFE000  }
0x84: {  	[spmem:s10] =	stream.linear.scatter [tilespmem:s18], [sflag:$0x3], $0x2000, $0x38;
	[tilespmem:$0x15080] =	vst v63  }
0x85: {  	_ =	swait.ge [sflag:s16], $0x2000  }
0x86: {  	[sflag:s16] =	ssyncset.done $0x0  }
0x87: {  	[sflag:s16] =	ssyncadd.s32 $0xFFFFE000  }
0x88: {  	[spmem:s11] =	stream.linear.scatter [tilespmem:s18], [sflag:$0x3], $0x2000, $0x38;
	[tilespmem:$0x15080] =	vst v63  }
0x89: {  	_ =	swait.ge [sflag:s16], $0x2000  }
0x8a: {  	[sflag:s16] =	ssyncset.done $0x0  }
0x8b: {  	[sflag:s16] =	ssyncadd.s32 $0xFFFFE000  }
0x8c: {  	[spmem:s12] =	stream.linear.scatter [tilespmem:s18], [sflag:$0x3], $0x2000, $0x38;
	[tilespmem:$0x15080] =	vst v63  }
0x8d: {  	_ =	swait.ge [sflag:s16], $0x2000  }
0x8e: {  	[sflag:s16] =	ssyncset.done $0x0  }
0x8f: {  	[sflag:s16] =	ssyncadd.s32 $0xFFFFE000  }
0x90: {  	s26 =	simm.s32 $0x0;
	[bflag:$0x0] =	sbarrier.arrive $0xFFFF  }
0x91: {  	[tilespmem:s20], [sflag:$0x1] =	stream.indirect.gather [hbm4b:s5+s19], $0x40, s26, s19, $0xb8;
	[tilespmem:$0x15080] =	vst v63  }
0x92: {  	s31 =	simm.s32 $0x80  }
0x93: {  	[tilespmem:s21], [sflag:$0x2] =	stream.indirect.gather [hbm4b:s5+s19], $0x40, s31, s19, $0xb8;
	[tilespmem:$0x15080] =	vst v63  }
0x94: {  	_ =	swait.ge [sflag:s22], $0x2000  }
0x95: {  	[sflag:s22] =	ssyncset.done $0x0  }
0x96: {  	s29 =	simm.s32 $0x2880;
	[sflag:s22] =	ssyncadd.s32 $0xFFFFE000  }
0x97: {  	[spmem:s3] =	stream.indirect.scatter.add.f32 [tilespmem:s20], [sflag:$0x3], $0x40, s29, s19, $0xb8;
	[tilespmem:$0x15080] =	vst v63  }
0x98: {  	_ =	swait.ge [sflag:s16], $0x2000  }
0x99: {  	[sflag:s16] =	ssyncset.done $0x0  }
0x9a: {  	s30 =	simm.s32 $0x100;
	[sflag:s16] =	ssyncadd.s32 $0xFFFFE000  }
0x9b: {  	[tilespmem:s20], [sflag:$0x1] =	stream.indirect.gather [hbm4b:s5+s19], $0x40, s30, s19, $0xb8;
	[tilespmem:$0x15080] =	vst v63  }
0x9c: {  	_ =	swait.ge [sflag:s23], $0x2000  }
0x9d: {  	[sflag:s23] =	ssyncset.done $0x0  }
0x9e: {  	s31 =	simm.s32 $0x2900;
	[sflag:s23] =	ssyncadd.s32 $0xFFFFE000  }
0x9f: {  	[spmem:s3] =	stream.indirect.scatter.add.f32 [tilespmem:s21], [sflag:$0x3], $0x40, s31, s19, $0xb8;
	[tilespmem:$0x15080] =	vst v63  }
0xa0: {  	_ =	swait.ge [sflag:s16], $0x2000  }
0xa1: {  	s28 =	simm.s32 $0x800;
	s26 =	simm.s32 $0x100;
	[sflag:s16] =	ssyncset.done $0x0  }
.LBB2_6:
0xa2: {  	s29 =	sadd.s32 $0x80, s26  }
0xa3: {  	[sflag:s16] =	ssyncadd.s32 $0xFFFFE000;
	s30 =	smov.u32 s28;
	s31 =	sadd.s32 $0x400, s28  }
0xa4: {  	[tilespmem:s21], [sflag:$0x2] =	stream.indirect.gather [hbm4b:s5+s19], $0x40, s29, s19, $0xb8;
	[tilespmem:$0x15080] =	vst v63  }
0xa5: {  	p0 =	sne.s32 s28, $0x9C00;
	_ =	swait.ge [sflag:s22], $0x2000  }
0xa6: {  	[sflag:s22] =	ssyncset.done $0x0  }
0xa7: {  	s28 =	sadd.s32 $0x2880, s26;
	[sflag:s22] =	ssyncadd.s32 $0xFFFFE000  }
0xa8: {  	[spmem:s3] =	stream.indirect.scatter.add.f32 [tilespmem:s20], [sflag:$0x3], $0x40, s28, s19, $0xb8;
	[tilespmem:$0x15080] =	vst v63  }
0xa9: {  	_ =	swait.ge [sflag:s16], $0x2000  }
0xaa: {  	[sflag:s16] =	ssyncset.done $0x0  }
0xab: {  	s28 =	sadd.s32 $0x100, s26;
	[sflag:s16] =	ssyncadd.s32 $0xFFFFE000  }
0xac: {  	[tilespmem:s20], [sflag:$0x1] =	stream.indirect.gather [hbm4b:s5+s19], $0x40, s28, s19, $0xb8;
	[tilespmem:$0x15080] =	vst v63  }
0xad: {  	_ =	swait.ge [sflag:s23], $0x2000  }
.Ltmp2:
0xae: {  	[sflag:s23] =	ssyncset.done $0x0;
	(pc) =	sbr.rel @p0 .LBB2_6-.Ltmp2, $4  }
0xaf: {  	s26 =	sadd.s32 $0x2900, s26;
	[sflag:s23] =	ssyncadd.s32 $0xFFFFE000  }
0xb0: {  	[spmem:s3] =	stream.indirect.scatter.add.f32 [tilespmem:s21], [sflag:$0x3], $0x40, s26, s19, $0xb8;
	[tilespmem:$0x15080] =	vst v63  }
0xb1: {  	_ =	swait.ge [sflag:s16], $0x2000  }
0xb2: {  	s28 =	smov.u32 s31;
	s26 =	sshra.s32 s30, $0x2;
	[sflag:s16] =	ssyncset.done $0x0  }
0xb3: {  	s28 =	sadd.s32 $0x80, s26;
	[sflag:s16] =	ssyncadd.s32 $0xFFFFE000  }
0xb4: {  	[tilespmem:s21], [sflag:$0x2] =	stream.indirect.gather [hbm4b:s5+s19], $0x40, s28, s19, $0xb8;
	[tilespmem:$0x15080] =	vst v63  }
0xb5: {  	_ =	swait.ge [sflag:s22], $0x2000  }
0xb6: {  	[sflag:s22] =	ssyncset.done $0x0  }
0xb7: {  	s29 =	sadd.s32 $0x2880, s26;
	[sflag:s22] =	ssyncadd.s32 $0xFFFFE000  }
0xb8: {  	[spmem:s3] =	stream.indirect.scatter.add.f32 [tilespmem:s20], [sflag:$0x3], $0x40, s29, s19, $0xb8;
	[tilespmem:$0x15080] =	vst v63  }
0xb9: {  	_ =	swait.ge [sflag:s16], $0x2000  }
0xba: {  	[sflag:s16] =	ssyncset.done $0x0  }
0xbb: {  	s30 =	sadd.s32 $0x100, s26;
	[sflag:s16] =	ssyncadd.s32 $0xFFFFE000  }
0xbc: {  	[tilespmem:s20], [sflag:$0x1] =	stream.indirect.gather [hbm4b:s5+s19], $0x40, s30, s19, $0xb8;
	[tilespmem:$0x15080] =	vst v63  }
0xbd: {  	_ =	swait.ge [sflag:s23], $0x2000  }
0xbe: {  	[sflag:s23] =	ssyncset.done $0x0  }
0xbf: {  	s31 =	sadd.s32 $0x2900, s26;
	[sflag:s23] =	ssyncadd.s32 $0xFFFFE000  }
0xc0: {  	[spmem:s3] =	stream.indirect.scatter.add.f32 [tilespmem:s21], [sflag:$0x3], $0x40, s31, s19, $0xb8;
	[tilespmem:$0x15080] =	vst v63  }
0xc1: {  	_ =	swait.ge [sflag:s16], $0x2000  }
0xc2: {  	[sflag:s16] =	ssyncset.done $0x0  }
0xc3: {  	[sflag:s16] =	ssyncadd.s32 $0xFFFFE000  }
0xc4: {  	_ =	swait.ge [sflag:s22], $0x2000  }
0xc5: {  	[sflag:s22] =	ssyncset.done $0x0  }
0xc6: {  	s4 =	sadd.s32 $0x1, s4;
	[sflag:s22] =	ssyncadd.s32 $0xFFFFE000  }
0xc7: {  	p0 =	sne.s32 s4, s15;
	[bflag:$0x0] =	sbarrier.arrive $0xFFFF  }
0xc8: {  	[hbm:s14], [sflag:s24] =	dma.local [spmem:s25], $0x1400  }
.Ltmp3:
0xc9: {  	_ =	swait.ge [sflag:s16], $0x1400;
	(pc) =	sbr.rel @p0 .LBB2_1-.Ltmp3, $3  }
0xca: {  	[sflag:s16] =	ssyncset.done $0x0  }
0xcb: {  	[sflag:s16] =	ssyncadd.s32 $0xFFFFEC00  }
0xcc: {  	[bflag:$0x0] =	sbarrier.arrive $0xFFFF;
	_ =	sdelay $0x1  }
0xcd: {  	_ =	sfence.sel $0x180000  }
0xce: {  	[bflag:$0x0] =	sbarrier.arrive $0xFFFF  }
0xcf: {  	p0 =	sne.s32 s2, $0x0;
	_ =	strace $0x9000004A  }
0xd0: {  	s0 =	sadd.s32 @!p0 $0x100000, s0;
	[bflag:$0x2] =	sbarrier.arrive $0xFFFF  }
0xd1: {  	[sflag:s0] =	ssyncadd.tile.s32 @!p0 $0x1;
	_ =	shalt  }
.Lfunc_end2:
_tile_overlayer_lowered:
.L_overlay_start_2:
0xd2: {  	(tag) =	ssettag $0x2  }
0xd3: {  	s0 =	rddreg [dreg:$0x0];
	s2 =	stileid.u32  }
0xd4: {  	s1 =	rddreg [dreg:$0x1];
	p0 =	sne.s32 s2, $0x0  }
0xd5: {  	s3 =	rddreg [dreg:$0x2];
	[bflag:$0x3] =	sbarrier.arrive $0xFFFF;
	s2 =	simm.s32 @!p0 $0x1C03  }
0xd6: {  	[timem:s3], [sflag:s2] =	dma.local @!p0 [hbm:s0], s1  }
0xd7: {  	s0 =	simm.s32 @!p0 $0x3  }
0xd8: {  	_ =	swait.ge @!p0 [sflag:s0], s1  }
0xd9: {  	s1 =	ssub.s32 @!p0 $0x0, s1;
	[sflag:s0] =	ssyncset.done @!p0 $0x0  }
0xda: {  	[sflag:s0] =	ssyncadd.s32 @!p0 s1  }
0xdb: {  	[bflag:$0x3] =	sbarrier.arrive $0xFFFF  }
0xdc: {  	_ =	shalt  }

// kernel: kernel.14.cloned.1.call-start
scs
__scs_entry_jumppad:
0x0: {  	(pc) =	sbr.rel $0x88, $3  }
0x1: {  	(tag) =	ssettag $0x0;
	lr =	simm.s32 $0x1  }
0x2: {  	[smem:$0x3F9B] =	sst lr;
	_ =	strace $0xD0000000  }
0x3: {  	_ = 	snop  }
0x4: {  	_ = 	snop  }
0x5: {  	_ = 	snop  }
0x6: {  	_ = 	snop  }
0x7: {  	_ = 	snop  }
__scs_overlays_trampoline_lowered:
0x8: {  	[smem:$0x3FAA] =	sst s0  }
0x9: {  	[smem:$0x3FAB] =	sst s1  }
0xa: {  	[smem:$0x3FAC] =	sst s2  }
0xb: {  	[smem:$0x3FAD] =	sst s3  }
0xc: {  	[smem:$0x3FAE] =	sst s4  }
0xd: {  	[smem:$0x3FAF] =	sst s5  }
0xe: {  	[smem:$0x3FB0] =	sst s6  }
0xf: {  	[smem:$0x3FB1] =	sst s7  }
0x10: {  	[smem:$0x3FB2] =	sst s8  }
0x11: {  	[smem:$0x3FB3] =	sst s9;
	s0 =	simm.s32 @!p0 $0x0  }
0x12: {  	s1 =	sld [smem:$0x3F99];
	s0 =	simm.s32 @p0 $0x1  }
0x13: {  	[smem:$0x3FB4] =	sst s0;
	s0 =	simm.s32 @!p1 $0x0  }
0x14: {  	s2 =	sld [smem:$0x3F98];
	s0 =	simm.s32 @p1 $0x1  }
0x15: {  	[smem:$0x3FB5] =	sst s0;
	s0 =	simm.s32 @!p2 $0x0  }
0x16: {  	s3 =	sld [smem:$0x3FDB];
	s0 =	simm.s32 @p2 $0x1  }
0x17: {  	s4 =	simm.s32 $0x1BF5;
	[smem:$0x3FB7] =	sst s0  }
0x18: {  	s0 =	sld [smem:$0x3F9A];
	_ =	swait.ge [sflag:s4], $0x0  }
0x19: {  	s7 =	sld [smem:$0x3F9B]  }
0x1a: {  	s8 =	sadd.s32 $0xFFFFE003, lr  }
0x1b: {  	s9 =	sadd.s32 $0xFFFFFEF7, lr;
	s5 =	simm.s32 $0xFFFFFFFF;
	p2 =	slt.u32 s8, $0xFFFFF086  }
0x1c: {  	p1 =	slt.u32 s9, $0xF7A;
	s5 =	simm.s32 @!p2 $0x0  }
0x1d: {  	s5 =	simm.s32 @p1 $0x1;
	p0 =	seq.s32 s7, s2  }
0x1e: {  	s7 =	smul.u32 @!p0 $0xF7A, s2;
	p2 =	seq.s32 @!p0 s5, $0x0  }
0x1f: {  	s9 =	smul.u32 $0xF7A, s1;
	s8 =	simm.s32 @!p0 $0x1BF5;
	p2 =	por !p2, p0  }
0x20: {  	[sflag:s8] =	ssyncset.s32 @!p0 $0xFFFFF086;
	s6 =	sadd.s32 @!p0 s3, s7;
	s7 =	simm.s32 @!p0 $0x108  }
0x21: {  	s3 =	sadd.s32 s3, s9;
	s6 =	sadd.s32 @!p0 $0x88, s6;
	s7 =	simm.s32 @p2 $0x1082  }
0x22: {  	[simem:s7], [sflag:s8] =	dma.local @!p0 [hbm:s6], $0xF7A  }
0x23: {  	s9 =	sor.u32 $0xD0000000, s2;
	s6 =	simm.s32 $0x108;
	_ =	swait.ge @!p0 [sflag:s8], $0x0  }
0x24: {  	s3 =	sadd.s32 $0x88, s3;
	s6 =	simm.s32 @!p1 $0x1082;
	[sflag:s4] =	ssyncset.s32 $0xFFFFF086  }
0x25: {  	[simem:s6], [sflag:s4] =	dma.local [hbm:s3], $0xF7A  }
0x26: {  	[smem:$0x3F9B] =	sst s1;
	(tag) =	ssettag s2;
	_ =	strace s9  }
0x27: {  	s1 =	sld [smem:$0x3FAB]  }
0x28: {  	s2 =	sld [smem:$0x3FAC]  }
0x29: {  	s4 =	sld [smem:$0x3FAE]  }
0x2a: {  	p0 =	seq.s32 s5, $0x0;
	s5 =	sld [smem:$0x3FAF]  }
0x2b: {  	s6 =	sld [smem:$0x3FB0]  }
0x2c: {  	s7 =	sld [smem:$0x3FB1]  }
0x2d: {  	s3 =	simm.s32 $0x108;
	s8 =	sld [smem:$0x3FB2]  }
0x2e: {  	s3 =	simm.s32 @!p0 $0x1082;
	s9 =	sld [smem:$0x3FB3]  }
0x2f: {  	lr =	sadd.s32 s0, s3;
	s0 =	sld [smem:$0x3FAA]  }
0x30: {  	s3 =	sld [smem:$0x3FAD]  }
0x31: {  	[smem:$0x3FB6] =	sst s10  }
0x32: {  	s10 =	sld [smem:$0x3FB4];
	_ =	sdelay $0x3  }
0x33: {  	p0 =	seq.s32 s10, $0x1;
	s10 =	sld [smem:$0x3FB6];
	_ =	sdelay $0x3  }
0x34: {  	[smem:$0x3FB6] =	sst s10  }
0x35: {  	s10 =	sld [smem:$0x3FB5];
	_ =	sdelay $0x3  }
0x36: {  	p1 =	seq.s32 s10, $0x1;
	s10 =	sld [smem:$0x3FB6];
	_ =	sdelay $0x3  }
0x37: {  	[smem:$0x3FB6] =	sst s10  }
0x38: {  	s10 =	sld [smem:$0x3FB7]  }
0x39: {  	_ = 	snop;
	(pc) =	sbr.ind lr, $3  }
0x3a: {  	_ = 	snop  }
0x3b: {  	_ = 	snop  }
0x3c: {  	p2 =	seq.s32 s10, $0x1;
	s10 =	sld [smem:$0x3FB6]  }
0x3d: {  	_ =	shalt  }
0x3e: {  	_ =	shalt  }
0x3f: {  	_ =	shalt  }
0x40: {  	_ =	shalt  }
0x41: {  	_ =	shalt  }
0x42: {  	_ =	shalt  }
0x43: {  	_ =	shalt  }
0x44: {  	_ =	shalt  }
0x45: {  	_ =	shalt  }
0x46: {  	_ =	shalt  }
0x47: {  	_ =	shalt  }
0x48: {  	_ =	shalt  }
0x49: {  	_ =	shalt  }
0x4a: {  	_ =	shalt  }
0x4b: {  	_ =	shalt  }
0x4c: {  	_ =	shalt  }
0x4d: {  	_ =	shalt  }
0x4e: {  	_ =	shalt  }
0x4f: {  	_ =	shalt  }
0x50: {  	_ =	shalt  }
0x51: {  	_ =	shalt  }
0x52: {  	_ =	shalt  }
0x53: {  	_ =	shalt  }
0x54: {  	_ =	shalt  }
0x55: {  	_ =	shalt  }
0x56: {  	_ =	shalt  }
0x57: {  	_ =	shalt  }
0x58: {  	_ =	shalt  }
0x59: {  	_ =	shalt  }
0x5a: {  	_ =	shalt  }
0x5b: {  	_ =	shalt  }
0x5c: {  	_ =	shalt  }
0x5d: {  	_ =	shalt  }
0x5e: {  	_ =	shalt  }
0x5f: {  	_ =	shalt  }
0x60: {  	_ =	shalt  }
0x61: {  	_ =	shalt  }
0x62: {  	_ =	shalt  }
0x63: {  	_ =	shalt  }
0x64: {  	_ =	shalt  }
0x65: {  	_ =	shalt  }
0x66: {  	_ =	shalt  }
0x67: {  	_ =	shalt  }
0x68: {  	_ =	shalt  }
0x69: {  	_ =	shalt  }
0x6a: {  	_ =	shalt  }
0x6b: {  	_ =	shalt  }
0x6c: {  	_ =	shalt  }
0x6d: {  	_ =	shalt  }
0x6e: {  	_ =	shalt  }
0x6f: {  	_ =	shalt  }
0x70: {  	_ =	shalt  }
0x71: {  	_ =	shalt  }
0x72: {  	_ =	shalt  }
0x73: {  	_ =	shalt  }
0x74: {  	_ =	shalt  }
0x75: {  	_ =	shalt  }
0x76: {  	_ =	shalt  }
0x77: {  	_ =	shalt  }
0x78: {  	_ =	shalt  }
0x79: {  	_ =	shalt  }
0x7a: {  	_ =	shalt  }
0x7b: {  	_ =	shalt  }
0x7c: {  	_ =	shalt  }
0x7d: {  	_ =	shalt  }
0x7e: {  	_ =	shalt  }
0x7f: {  	_ =	shalt  }
0x80: {  	_ =	shalt  }
0x81: {  	_ =	shalt  }
0x82: {  	_ =	shalt  }
0x83: {  	_ =	shalt  }
0x84: {  	_ =	shalt  }
0x85: {  	_ =	shalt  }
0x86: {  	_ =	shalt  }
0x87: {  	_ =	shalt  }
.Lfunc_end0:
.L_simem_size_0:
called_computation.2_lowered:
.L_overlay_start_0:
0x88: {  	s2 =	sld [smem:$0x3FD9]  }
0x89: {  	s3 =	sld [smem:$0x3FFE];
	_ =	sdelay $0x1  }
0x8a: {  	s1 =	srdreg.scid  }
0x8b: {  	s0 =	sand.u32 $0x1, s1  }
0x8c: {  	s17 =	sshll.u32 s0, $0xA;
	s2 =	sadd.s32 s3, s2  }
0x8d: {  	s2 =	sadd.s32 s2, s17  }
0x8e: {  	[smem:$0x3FC2] =	sst s2  }
0x8f: {  	_ = 	snop  }
0x90: {  	s2 =	sld [smem:$0x3FD0];
	(tm) =	ssettm $0x1  }
0x91: {  	s18 =	sld [smem:$0x3FFB];
	_ =	sdelay $0x3  }
0x92: {  	_ =	strace s18  }
0x93: {  	s3 =	sld [smem:$0x3FFC];
	_ =	sdelay $0x3  }
0x94: {  	_ =	strace s3  }
0x95: {  	s3 =	sld [smem:$0x3FFD];
	_ =	sdelay $0x3  }
0x96: {  	_ =	strace s3  }
0x97: {  	_ =	strace $0x8FFFFFFF  }
0x98: {  	s19 =	sld [smem:$0x3FDB];
	_ =	sdelay $0x1  }
0x99: {  	s4 =	simm.s32 $_scs_section_size  }
0x9a: {  	s5 =	simm.s32 $_size__tile_overlayer_lowered;
	s6 =	simm.s32 $_tile_overlayer_lowered  }
0x9b: {  	s22 =	simm.s32 $0x1BFF;
	s21 =	sshll.u32 s6, $0x1;
	s3 =	sadd.s32 s4, s19  }
0x9c: {  	s7 =	simm.s32 $0x0;
	s20 =	sshll.u32 s5, $0x1;
	s5 =	sadd.s32 s21, s3  }
0x9d: {  	[timem:s7], [sflag:s22] =	dma.local [hbm:s5], s20  }
0x9e: {  	_ =	swait.ge [sflag:s22], s20  }
0x9f: {  	s4 =	ssub.s32 $0x0, s20;
	[sflag:s22] =	ssyncset.done $0x0  }
0xa0: {  	[sflag:s22] =	ssyncadd.s32 s4;
	_ =	sdelay $0x1  }
0xa1: {  	s23 =	simm.s32 $0x1B8B  }
0xa2: {  	_ =	swait.ge [sflag:s23], $0x1  }
0xa3: {  	[sflag:s23] =	ssyncset.done $0x0  }
0xa4: {  	s25 =	simm.s32 $0x1B8E;
	s24 =	sld [smem:$0x3FFE];
	[sflag:s23] =	ssyncadd.s32 $0xFFFFFFFF  }
0xa5: {  	s26 =	simm.s32 $execute0_lowered;
	[smem:$0x3FD2] =	sst s25  }
0xa6: {  	s5 =	sshll.u32 s26, $0x1;
	_ =	strace $0x8000004C;
	[dreg:$0x1] =	wrdreg $0xFFFFFFFF  }
0xa7: {  	s28 =	simm.s32 $_size_execute0_lowered;
	s3 =	sadd.s32 s3, s5;
	[dreg:$0x0] =	wrdreg $0x0  }
0xa8: {  	s5 =	sshll.u32 s28, $0x1;
	[dreg:$0x2] =	wrdreg s3  }
0xa9: {  	[dreg:$0x3] =	wrdreg s5  }
0xaa: {  	[dreg:$0x4] =	wrdreg $0xC0  }
0xab: {  	_ =	task [dreg:s7], $0x5FFFF  }
0xac: {  	[dreg:$0x1] =	wrdreg $0xFFFFFFFF  }
0xad: {  	[dreg:$0x0] =	wrdreg $0x60  }
0xae: {  	[dreg:$0x2] =	wrdreg s2  }
0xaf: {  	[dreg:$0x3] =	wrdreg s24  }
0xb0: {  	[dreg:$0x4] =	wrdreg $0xB0800  }
0xb1: {  	[dreg:$0x5] =	wrdreg $0x9  }
0xb2: {  	_ =	task.clear_ibuf [dreg:s7], $0x6FFFF;
	_ =	strace $0x9000004C  }
0xb3: {  	s29 =	simm.s32 $0x9;
	_ =	strace $0x8000004E  }
0xb4: {  	_ =	swait.ge [sflag:s29], $0x1  }
0xb5: {  	[sflag:s29] =	ssyncadd.s32 $0xFFFFFFFF  }
0xb6: {  	_ =	strace $0x9000004E  }
0xb7: {  	_ =	sfence  }
0xb8: {  	s30 =	sld [smem:$0x0];
	_ =	sdelay $0x2  }
0xb9: {  	s31 =	sshll.u32 s1, $0xD;
	s1 =	sshrl.u32 s1, $0x2  }
0xba: {  	s3 =	sand.u32 $0x4000, s31;
	s1 =	sadd.s32 s1, s30  }
0xbb: {  	s0 =	sor.u32 s3, s0;
	s1 =	sshll.u32 s1, $0x11  }
0xbc: {  	s0 =	sor.u32 s1, s0  }
0xbd: {  	s0 =	sadd.s32 $0x8F2B, s0  }
0xbe: {  	[sflag:s0] =	ssyncadd.remote.s32 $0x1  }
0xbf: {  	_ =	sfence.sel $0xFFFF  }
0xc0: {  	[dreg:$0x0] =	wrdreg $0xFFFFFFFF;
	(pc) =	sbr.abs _section_cstart, $3  }
0xc1: {  	[dreg:$0x1] =	wrdreg $0xFFFFFFFF  }
0xc2: {  	_ =	task.clear_ibuf [dreg:s7], $0x2FFFF;
	_ =	strace $0x9FFFFFFF  }
0xc3: {  	(tm) =	ssettm $0x7FFFFFFF  }
tec
execute0_lowered:
.L_overlay_start_1:
0x0: {  	(tag) =	ssettag $0x1  }
0x1: {  	s1 =	rddreg [dreg:$0x0]  }
0x2: {  	s6 =	rddreg [dreg:$0x1]  }
0x3: {  	s3 =	rddreg [dreg:$0x2];
	s4 =	srdreg.scid  }
0x4: {  	s0 =	rddreg [dreg:$0x3];
	s2 =	stileid.u32;
	s16 =	simm.s32 $0x3  }
0x5: {  	s17 =	simm.s32 $0x2880;
	s18 =	simm.s32 $0x9080;
	s19 =	simm.s32 $0x80  }
0x6: {  	s20 =	simm.s32 $0x5080;
	s21 =	simm.s32 $0x7080;
	s22 =	simm.s32 $0x1  }
0x7: {  	s23 =	simm.s32 $0x2;
	s7 =	sand.u32 $0x1, s4;
	s8 =	smul.u32 $0x280, s2  }
0x8: {  	s4 =	simm.s32 $0x0;
	s30 =	smul.u32 $0x28000, s2;
	s5 =	sshll.u32 s7, $0x4  }
0x9: {  	[smem:$0x7FF] =	sst s4;
	s10 =	smul.u32 $0x2800, s7;
	s7 =	ssub.s32 $0x2, s7  }
0xa: {  	s9 =	sor.u32 s2, s5;
	_ =	strace $0x8000004D;
	s5 =	sadd.s32 $0x90A00, s6  }
0xb: {  	s11 =	sshrl.u32 s7, $0x1;
	s9 =	smul.u32 $0x500, s9;
	s8 =	sadd.s32 s8, s10  }
0xc: {  	s31 =	sshrl.u32 s30, $0x2;
	s15 =	ssub.s32 s7, s11;
	s8 =	sshll.u32 s8, $0x3  }
0xd: {  	s15 =	smax.u32 s15, $0x1;
	s9 =	sadd.s32 s9, s6;
	s14 =	sadd.s32 s8, s6  }
0xe: {  	s8 =	sadd.s32 s31, s3;
	s6 =	sadd.s32 $0xEA00, s9;
	s7 =	sadd.s32 $0x4A00, s9  }
0xf: {  	s9 =	sadd.s32 $0x2000, s8;
	s10 =	sadd.s32 $0x4000, s8;
	s11 =	sadd.s32 $0x6000, s8  }
0x10: {  	v0 =	vimm.f32 $0.0e+00;
	v1 =	vimm.s32 $0x0;
	s12 =	sadd.s32 $0x8000, s8;
	s13 =	sadd.s32 $0xCCA00, s14;
	s14 =	sadd.s32 $0xA4A00, s14  }
.LBB2_1:
0x11: {  	s25 =	simm.s32 $0x100;
	s24 =	simm.s32 $0x0  }
.LBB2_2:
0x12: {  	p0 =	sne.s32 s25, $0x7F00;
	[tilespmem:s24+$0x90B0] =	vst v0;
	s26 =	smov.u32 s25;
	s25 =	sadd.s32 $0x100, s25  }
.Ltmp0:
0x13: {  	[tilespmem:s24+$0x90A0] =	vst v0;
	(pc) =	sbr.rel @p0 .LBB2_2-.Ltmp0, $3  }
0x14: {  	[tilespmem:s24+$0x9080] =	vst v0  }
0x15: {  	[tilespmem:s24+$0x9090] =	vst v0;
	_ =	sdelay $0x1  }
0x16: {  	s24 =	sshra.s32 s26, $0x2  }
0x17: {  	[tilespmem:s24+$0x90B0] =	vst v0  }
0x18: {  	[tilespmem:s24+$0x90A0] =	vst v0  }
0x19: {  	[tilespmem:s24+$0x9080] =	vst v0  }
0x1a: {  	[tilespmem:s24+$0x9090] =	vst v0  }
0x1b: {  	[tilespmem:$0x2800] =	vst v1  }
0x1c: {  	[tilespmem:$0x2810] =	vst v1  }
0x1d: {  	[tilespmem:$0x2820] =	vst v1  }
0x1e: {  	[tilespmem:$0x2830] =	vst v1  }
0x1f: {  	[tilespmem:$0x2840] =	vst v1  }
0x20: {  	[tilespmem:$0x2850] =	vst v1  }
0x21: {  	[tilespmem:$0x2860] =	vst v1  }
0x22: {  	s26 =	simm.s32 $0x0;
	[tilespmem:$0x2870] =	vst v1  }
0x23: {  	[tilespmem:s26], [sflag:$0x3] =	stream.linear.gather [hbm4b:s6+s26], $0x2800, $0x38;
	[tilespmem:$0x15080] =	vst v63  }
0x24: {  	_ =	swait.ge [sflag:s16], $0x2800  }
0x25: {  	[sflag:s16] =	ssyncset.done $0x0  }
0x26: {  	[sflag:s16] =	ssyncadd.s32 $0xFFFFD800  }
0x27: {  	[tilespmem:s17], [sflag:$0x3] =	stream.linear.gather [hbm4b:s7+s26], $0x2800, $0x38;
	[tilespmem:$0x15080] =	vst v63  }
0x28: {  	_ =	swait.ge [sflag:s16], $0x2800  }
0x29: {  	[sflag:s16] =	ssyncset.done $0x0  }
0x2a: {  	[sflag:s16] =	ssyncadd.s32 $0xFFFFD800  }
0x2b: {  	[spmem:s8] =	stream.linear.scatter [tilespmem:s18], [sflag:$0x3], $0x2000, $0x38;
	[tilespmem:$0x15080] =	vst v63  }
0x2c: {  	_ =	swait.ge [sflag:s16], $0x2000  }
0x2d: {  	[sflag:s16] =	ssyncset.done $0x0  }
0x2e: {  	[sflag:s16] =	ssyncadd.s32 $0xFFFFE000  }
0x2f: {  	[spmem:s9] =	stream.linear.scatter [tilespmem:s18], [sflag:$0x3], $0x2000, $0x38;
	[tilespmem:$0x15080] =	vst v63  }
0x30: {  	_ =	swait.ge [sflag:s16], $0x2000  }
0x31: {  	[sflag:s16] =	ssyncset.done $0x0  }
0x32: {  	[sflag:s16] =	ssyncadd.s32 $0xFFFFE000  }
0x33: {  	[spmem:s10] =	stream.linear.scatter [tilespmem:s18], [sflag:$0x3], $0x2000, $0x38;
	[tilespmem:$0x15080] =	vst v63  }
0x34: {  	_ =	swait.ge [sflag:s16], $0x2000  }
0x35: {  	[sflag:s16] =	ssyncset.done $0x0  }
0x36: {  	[sflag:s16] =	ssyncadd.s32 $0xFFFFE000  }
0x37: {  	[spmem:s11] =	stream.linear.scatter [tilespmem:s18], [sflag:$0x3], $0x2000, $0x38;
	[tilespmem:$0x15080] =	vst v63  }
0x38: {  	_ =	swait.ge [sflag:s16], $0x2000  }
0x39: {  	[sflag:s16] =	ssyncset.done $0x0  }
0x3a: {  	[sflag:s16] =	ssyncadd.s32 $0xFFFFE000  }
0x3b: {  	[spmem:s12] =	stream.linear.scatter [tilespmem:s18], [sflag:$0x3], $0x2000, $0x38;
	[tilespmem:$0x15080] =	vst v63  }
0x3c: {  	_ =	swait.ge [sflag:s16], $0x2000  }
0x3d: {  	[sflag:s16] =	ssyncset.done $0x0  }
0x3e: {  	[sflag:s16] =	ssyncadd.s32 $0xFFFFE000  }
0x3f: {  	[bflag:$0x0] =	sbarrier.arrive $0xFFFF  }
0x40: {  	[tilespmem:s20], [sflag:$0x1] =	stream.indirect.gather [hbm4b:s1+s19], $0x40, s26, s19, $0xb8;
	[tilespmem:$0x15080] =	vst v63  }
0x41: {  	s28 =	simm.s32 $0x80  }
0x42: {  	[tilespmem:s21], [sflag:$0x2] =	stream.indirect.gather [hbm4b:s1+s19], $0x40, s28, s19, $0xb8;
	[tilespmem:$0x15080] =	vst v63  }
0x43: {  	_ =	swait.ge [sflag:s22], $0x2000  }
0x44: {  	[sflag:s22] =	ssyncset.done $0x0  }
0x45: {  	s29 =	simm.s32 $0x2880;
	[sflag:s22] =	ssyncadd.s32 $0xFFFFE000  }
0x46: {  	[spmem:s3] =	stream.indirect.scatter.add.f32 [tilespmem:s20], [sflag:$0x3], $0x40, s29, s19, $0xb8;
	[tilespmem:$0x15080] =	vst v63  }
0x47: {  	_ =	swait.ge [sflag:s16], $0x2000  }
0x48: {  	[sflag:s16] =	ssyncset.done $0x0  }
0x49: {  	s30 =	simm.s32 $0x100;
	[sflag:s16] =	ssyncadd.s32 $0xFFFFE000  }
0x4a: {  	[tilespmem:s20], [sflag:$0x1] =	stream.indirect.gather [hbm4b:s1+s19], $0x40, s30, s19, $0xb8;
	[tilespmem:$0x15080] =	vst v63  }
0x4b: {  	_ =	swait.ge [sflag:s23], $0x2000  }
0x4c: {  	[sflag:s23] =	ssyncset.done $0x0  }
0x4d: {  	s31 =	simm.s32 $0x2900;
	[sflag:s23] =	ssyncadd.s32 $0xFFFFE000  }
0x4e: {  	[spmem:s3] =	stream.indirect.scatter.add.f32 [tilespmem:s21], [sflag:$0x3], $0x40, s31, s19, $0xb8;
	[tilespmem:$0x15080] =	vst v63  }
0x4f: {  	_ =	swait.ge [sflag:s16], $0x2000  }
0x50: {  	s25 =	simm.s32 $0x800;
	s24 =	simm.s32 $0x100;
	[sflag:s16] =	ssyncset.done $0x0  }
.LBB2_4:
0x51: {  	s26 =	sadd.s32 $0x80, s24  }
0x52: {  	[sflag:s16] =	ssyncadd.s32 $0xFFFFE000;
	s28 =	smov.u32 s25;
	s29 =	sadd.s32 $0x400, s25  }
0x53: {  	[tilespmem:s21], [sflag:$0x2] =	stream.indirect.gather [hbm4b:s1+s19], $0x40, s26, s19, $0xb8;
	[tilespmem:$0x15080] =	vst v63  }
0x54: {  	p0 =	sne.s32 s25, $0x9C00;
	_ =	swait.ge [sflag:s22], $0x2000  }
0x55: {  	[sflag:s22] =	ssyncset.done $0x0  }
0x56: {  	s25 =	sadd.s32 $0x2880, s24;
	[sflag:s22] =	ssyncadd.s32 $0xFFFFE000  }
0x57: {  	[spmem:s3] =	stream.indirect.scatter.add.f32 [tilespmem:s20], [sflag:$0x3], $0x40, s25, s19, $0xb8;
	[tilespmem:$0x15080] =	vst v63  }
0x58: {  	_ =	swait.ge [sflag:s16], $0x2000  }
0x59: {  	[sflag:s16] =	ssyncset.done $0x0  }
0x5a: {  	s25 =	sadd.s32 $0x100, s24;
	[sflag:s16] =	ssyncadd.s32 $0xFFFFE000  }
0x5b: {  	[tilespmem:s20], [sflag:$0x1] =	stream.indirect.gather [hbm4b:s1+s19], $0x40, s25, s19, $0xb8;
	[tilespmem:$0x15080] =	vst v63  }
0x5c: {  	_ =	swait.ge [sflag:s23], $0x2000  }
.Ltmp1:
0x5d: {  	[sflag:s23] =	ssyncset.done $0x0;
	(pc) =	sbr.rel @p0 .LBB2_4-.Ltmp1, $4  }
0x5e: {  	s24 =	sadd.s32 $0x2900, s24;
	[sflag:s23] =	ssyncadd.s32 $0xFFFFE000  }
0x5f: {  	[spmem:s3] =	stream.indirect.scatter.add.f32 [tilespmem:s21], [sflag:$0x3], $0x40, s24, s19, $0xb8;
	[tilespmem:$0x15080] =	vst v63  }
0x60: {  	_ =	swait.ge [sflag:s16], $0x2000  }
0x61: {  	s25 =	smov.u32 s29;
	s24 =	sshra.s32 s28, $0x2;
	[sflag:s16] =	ssyncset.done $0x0  }
0x62: {  	s25 =	sadd.s32 $0x80, s24;
	[sflag:s16] =	ssyncadd.s32 $0xFFFFE000  }
0x63: {  	[tilespmem:s21], [sflag:$0x2] =	stream.indirect.gather [hbm4b:s1+s19], $0x40, s25, s19, $0xb8;
	[tilespmem:$0x15080] =	vst v63  }
0x64: {  	_ =	swait.ge [sflag:s22], $0x2000  }
0x65: {  	[sflag:s22] =	ssyncset.done $0x0  }
0x66: {  	s31 =	sadd.s32 $0x2880, s24;
	[sflag:s22] =	ssyncadd.s32 $0xFFFFE000  }
0x67: {  	[spmem:s3] =	stream.indirect.scatter.add.f32 [tilespmem:s20], [sflag:$0x3], $0x40, s31, s19, $0xb8;
	[tilespmem:$0x15080] =	vst v63  }
0x68: {  	_ =	swait.ge [sflag:s16], $0x2000  }
0x69: {  	[sflag:s16] =	ssyncset.done $0x0  }
0x6a: {  	s26 =	sadd.s32 $0x100, s24;
	[sflag:s16] =	ssyncadd.s32 $0xFFFFE000  }
0x6b: {  	[tilespmem:s20], [sflag:$0x1] =	stream.indirect.gather [hbm4b:s1+s19], $0x40, s26, s19, $0xb8;
	[tilespmem:$0x15080] =	vst v63  }
0x6c: {  	_ =	swait.ge [sflag:s23], $0x2000  }
0x6d: {  	[sflag:s23] =	ssyncset.done $0x0  }
0x6e: {  	s29 =	sadd.s32 $0x2900, s24;
	[sflag:s23] =	ssyncadd.s32 $0xFFFFE000  }
0x6f: {  	[spmem:s3] =	stream.indirect.scatter.add.f32 [tilespmem:s21], [sflag:$0x3], $0x40, s29, s19, $0xb8;
	[tilespmem:$0x15080] =	vst v63  }
0x70: {  	_ =	swait.ge [sflag:s16], $0x2000  }
0x71: {  	[sflag:s16] =	ssyncset.done $0x0  }
0x72: {  	[sflag:s16] =	ssyncadd.s32 $0xFFFFE000  }
0x73: {  	_ =	swait.ge [sflag:s22], $0x2000  }
0x74: {  	[sflag:s22] =	ssyncset.done $0x0  }
0x75: {  	s30 =	sshll.u32 s2, $0x6;
	[sflag:s22] =	ssyncadd.s32 $0xFFFFE000  }
0x76: {  	s24 =	sor.u32 $0x1C03, s30;
	s25 =	sshrl.u32 s8, $0x3;
	[bflag:$0x0] =	sbarrier.arrive $0xFFFF  }
0x77: {  	[hbm:s13], [sflag:s24] =	dma.local [spmem:s25], $0x1400  }
0x78: {  	_ =	swait.ge [sflag:s16], $0x1400  }
0x79: {  	[sflag:s16] =	ssyncset.done $0x0  }
0x7a: {  	[sflag:s16] =	ssyncadd.s32 $0xFFFFEC00  }
0x7b: {  	[bflag:$0x0] =	sbarrier.arrive $0xFFFF  }
0x7c: {  	[spmem:s8] =	stream.linear.scatter [tilespmem:s18], [sflag:$0x3], $0x2000, $0x38;
	[tilespmem:$0x15080] =	vst v63  }
0x7d: {  	_ =	swait.ge [sflag:s16], $0x2000  }
0x7e: {  	[sflag:s16] =	ssyncset.done $0x0  }
0x7f: {  	[sflag:s16] =	ssyncadd.s32 $0xFFFFE000  }
0x80: {  	[spmem:s9] =	stream.linear.scatter [tilespmem:s18], [sflag:$0x3], $0x2000, $0x38;
	[tilespmem:$0x15080] =	vst v63  }
0x81: {  	_ =	swait.ge [sflag:s16], $0x2000  }
0x82: {  	[sflag:s16] =	ssyncset.done $0x0  }
0x83: {  	[sflag:s16] =	ssyncadd.s32 $0xFFFFE000  }
0x84: {  	[spmem:s10] =	stream.linear.scatter [tilespmem:s18], [sflag:$0x3], $0x2000, $0x38;
	[tilespmem:$0x15080] =	vst v63  }
0x85: {  	_ =	swait.ge [sflag:s16], $0x2000  }
0x86: {  	[sflag:s16] =	ssyncset.done $0x0  }
0x87: {  	[sflag:s16] =	ssyncadd.s32 $0xFFFFE000  }
0x88: {  	[spmem:s11] =	stream.linear.scatter [tilespmem:s18], [sflag:$0x3], $0x2000, $0x38;
	[tilespmem:$0x15080] =	vst v63  }
0x89: {  	_ =	swait.ge [sflag:s16], $0x2000  }
0x8a: {  	[sflag:s16] =	ssyncset.done $0x0  }
0x8b: {  	[sflag:s16] =	ssyncadd.s32 $0xFFFFE000  }
0x8c: {  	[spmem:s12] =	stream.linear.scatter [tilespmem:s18], [sflag:$0x3], $0x2000, $0x38;
	[tilespmem:$0x15080] =	vst v63  }
0x8d: {  	_ =	swait.ge [sflag:s16], $0x2000  }
0x8e: {  	[sflag:s16] =	ssyncset.done $0x0  }
0x8f: {  	[sflag:s16] =	ssyncadd.s32 $0xFFFFE000  }
0x90: {  	s26 =	simm.s32 $0x0;
	[bflag:$0x0] =	sbarrier.arrive $0xFFFF  }
0x91: {  	[tilespmem:s20], [sflag:$0x1] =	stream.indirect.gather [hbm4b:s5+s19], $0x40, s26, s19, $0xb8;
	[tilespmem:$0x15080] =	vst v63  }
0x92: {  	s31 =	simm.s32 $0x80  }
0x93: {  	[tilespmem:s21], [sflag:$0x2] =	stream.indirect.gather [hbm4b:s5+s19], $0x40, s31, s19, $0xb8;
	[tilespmem:$0x15080] =	vst v63  }
0x94: {  	_ =	swait.ge [sflag:s22], $0x2000  }
0x95: {  	[sflag:s22] =	ssyncset.done $0x0  }
0x96: {  	s29 =	simm.s32 $0x2880;
	[sflag:s22] =	ssyncadd.s32 $0xFFFFE000  }
0x97: {  	[spmem:s3] =	stream.indirect.scatter.add.f32 [tilespmem:s20], [sflag:$0x3], $0x40, s29, s19, $0xb8;
	[tilespmem:$0x15080] =	vst v63  }
0x98: {  	_ =	swait.ge [sflag:s16], $0x2000  }
0x99: {  	[sflag:s16] =	ssyncset.done $0x0  }
0x9a: {  	s30 =	simm.s32 $0x100;
	[sflag:s16] =	ssyncadd.s32 $0xFFFFE000  }
0x9b: {  	[tilespmem:s20], [sflag:$0x1] =	stream.indirect.gather [hbm4b:s5+s19], $0x40, s30, s19, $0xb8;
	[tilespmem:$0x15080] =	vst v63  }
0x9c: {  	_ =	swait.ge [sflag:s23], $0x2000  }
0x9d: {  	[sflag:s23] =	ssyncset.done $0x0  }
0x9e: {  	s31 =	simm.s32 $0x2900;
	[sflag:s23] =	ssyncadd.s32 $0xFFFFE000  }
0x9f: {  	[spmem:s3] =	stream.indirect.scatter.add.f32 [tilespmem:s21], [sflag:$0x3], $0x40, s31, s19, $0xb8;
	[tilespmem:$0x15080] =	vst v63  }
0xa0: {  	_ =	swait.ge [sflag:s16], $0x2000  }
0xa1: {  	s28 =	simm.s32 $0x800;
	s26 =	simm.s32 $0x100;
	[sflag:s16] =	ssyncset.done $0x0  }
.LBB2_6:
0xa2: {  	s29 =	sadd.s32 $0x80, s26  }
0xa3: {  	[sflag:s16] =	ssyncadd.s32 $0xFFFFE000;
	s30 =	smov.u32 s28;
	s31 =	sadd.s32 $0x400, s28  }
0xa4: {  	[tilespmem:s21], [sflag:$0x2] =	stream.indirect.gather [hbm4b:s5+s19], $0x40, s29, s19, $0xb8;
	[tilespmem:$0x15080] =	vst v63  }
0xa5: {  	p0 =	sne.s32 s28, $0x9C00;
	_ =	swait.ge [sflag:s22], $0x2000  }
0xa6: {  	[sflag:s22] =	ssyncset.done $0x0  }
0xa7: {  	s28 =	sadd.s32 $0x2880, s26;
	[sflag:s22] =	ssyncadd.s32 $0xFFFFE000  }
0xa8: {  	[spmem:s3] =	stream.indirect.scatter.add.f32 [tilespmem:s20], [sflag:$0x3], $0x40, s28, s19, $0xb8;
	[tilespmem:$0x15080] =	vst v63  }
0xa9: {  	_ =	swait.ge [sflag:s16], $0x2000  }
0xaa: {  	[sflag:s16] =	ssyncset.done $0x0  }
0xab: {  	s28 =	sadd.s32 $0x100, s26;
	[sflag:s16] =	ssyncadd.s32 $0xFFFFE000  }
0xac: {  	[tilespmem:s20], [sflag:$0x1] =	stream.indirect.gather [hbm4b:s5+s19], $0x40, s28, s19, $0xb8;
	[tilespmem:$0x15080] =	vst v63  }
0xad: {  	_ =	swait.ge [sflag:s23], $0x2000  }
.Ltmp2:
0xae: {  	[sflag:s23] =	ssyncset.done $0x0;
	(pc) =	sbr.rel @p0 .LBB2_6-.Ltmp2, $4  }
0xaf: {  	s26 =	sadd.s32 $0x2900, s26;
	[sflag:s23] =	ssyncadd.s32 $0xFFFFE000  }
0xb0: {  	[spmem:s3] =	stream.indirect.scatter.add.f32 [tilespmem:s21], [sflag:$0x3], $0x40, s26, s19, $0xb8;
	[tilespmem:$0x15080] =	vst v63  }
0xb1: {  	_ =	swait.ge [sflag:s16], $0x2000  }
0xb2: {  	s28 =	smov.u32 s31;
	s26 =	sshra.s32 s30, $0x2;
	[sflag:s16] =	ssyncset.done $0x0  }
0xb3: {  	s28 =	sadd.s32 $0x80, s26;
	[sflag:s16] =	ssyncadd.s32 $0xFFFFE000  }
0xb4: {  	[tilespmem:s21], [sflag:$0x2] =	stream.indirect.gather [hbm4b:s5+s19], $0x40, s28, s19, $0xb8;
	[tilespmem:$0x15080] =	vst v63  }
0xb5: {  	_ =	swait.ge [sflag:s22], $0x2000  }
0xb6: {  	[sflag:s22] =	ssyncset.done $0x0  }
0xb7: {  	s29 =	sadd.s32 $0x2880, s26;
	[sflag:s22] =	ssyncadd.s32 $0xFFFFE000  }
0xb8: {  	[spmem:s3] =	stream.indirect.scatter.add.f32 [tilespmem:s20], [sflag:$0x3], $0x40, s29, s19, $0xb8;
	[tilespmem:$0x15080] =	vst v63  }
0xb9: {  	_ =	swait.ge [sflag:s16], $0x2000  }
0xba: {  	[sflag:s16] =	ssyncset.done $0x0  }
0xbb: {  	s30 =	sadd.s32 $0x100, s26;
	[sflag:s16] =	ssyncadd.s32 $0xFFFFE000  }
0xbc: {  	[tilespmem:s20], [sflag:$0x1] =	stream.indirect.gather [hbm4b:s5+s19], $0x40, s30, s19, $0xb8;
	[tilespmem:$0x15080] =	vst v63  }
0xbd: {  	_ =	swait.ge [sflag:s23], $0x2000  }
0xbe: {  	[sflag:s23] =	ssyncset.done $0x0  }
0xbf: {  	s31 =	sadd.s32 $0x2900, s26;
	[sflag:s23] =	ssyncadd.s32 $0xFFFFE000  }
0xc0: {  	[spmem:s3] =	stream.indirect.scatter.add.f32 [tilespmem:s21], [sflag:$0x3], $0x40, s31, s19, $0xb8;
	[tilespmem:$0x15080] =	vst v63  }
0xc1: {  	_ =	swait.ge [sflag:s16], $0x2000  }
0xc2: {  	[sflag:s16] =	ssyncset.done $0x0  }
0xc3: {  	[sflag:s16] =	ssyncadd.s32 $0xFFFFE000  }
0xc4: {  	_ =	swait.ge [sflag:s22], $0x2000  }
0xc5: {  	[sflag:s22] =	ssyncset.done $0x0  }
0xc6: {  	s4 =	sadd.s32 $0x1, s4;
	[sflag:s22] =	ssyncadd.s32 $0xFFFFE000  }
0xc7: {  	p0 =	sne.s32 s4, s15;
	[bflag:$0x0] =	sbarrier.arrive $0xFFFF  }
0xc8: {  	[hbm:s14], [sflag:s24] =	dma.local [spmem:s25], $0x1400  }
.Ltmp3:
0xc9: {  	_ =	swait.ge [sflag:s16], $0x1400;
	(pc) =	sbr.rel @p0 .LBB2_1-.Ltmp3, $3  }
0xca: {  	[sflag:s16] =	ssyncset.done $0x0  }
0xcb: {  	[sflag:s16] =	ssyncadd.s32 $0xFFFFEC00  }
0xcc: {  	[bflag:$0x0] =	sbarrier.arrive $0xFFFF;
	_ =	sdelay $0x1  }
0xcd: {  	_ =	sfence.sel $0x180000  }
0xce: {  	[bflag:$0x0] =	sbarrier.arrive $0xFFFF  }
0xcf: {  	p0 =	sne.s32 s2, $0x0;
	_ =	strace $0x9000004D  }
0xd0: {  	s0 =	sadd.s32 @!p0 $0x100000, s0;
	[bflag:$0x2] =	sbarrier.arrive $0xFFFF  }
0xd1: {  	[sflag:s0] =	ssyncadd.tile.s32 @!p0 $0x1;
	_ =	shalt  }
.Lfunc_end2:
_tile_overlayer_lowered:
.L_overlay_start_2:
0xd2: {  	(tag) =	ssettag $0x2  }
0xd3: {  	s0 =	rddreg [dreg:$0x0];
	s2 =	stileid.u32  }
0xd4: {  	s1 =	rddreg [dreg:$0x1];
	p0 =	sne.s32 s2, $0x0  }
0xd5: {  	s3 =	rddreg [dreg:$0x2];
	[bflag:$0x3] =	sbarrier.arrive $0xFFFF;
	s2 =	simm.s32 @!p0 $0x1C03  }
0xd6: {  	[timem:s3], [sflag:s2] =	dma.local @!p0 [hbm:s0], s1  }
0xd7: {  	s0 =	simm.s32 @!p0 $0x3  }
0xd8: {  	_ =	swait.ge @!p0 [sflag:s0], s1  }
0xd9: {  	s1 =	ssub.s32 @!p0 $0x0, s1;
	[sflag:s0] =	ssyncset.done @!p0 $0x0  }
0xda: {  	[sflag:s0] =	ssyncadd.s32 @!p0 s1  }
0xdb: {  	[bflag:$0x3] =	sbarrier.arrive $0xFFFF  }
0xdc: {  	_ =	shalt  }

// kernel: kernel.8.cloned.1.call-start
scs
__scs_entry_jumppad:
0x0: {  	(pc) =	sbr.rel $0x88, $3  }
0x1: {  	(tag) =	ssettag $0x0;
	lr =	simm.s32 $0x1  }
0x2: {  	[smem:$0x3F9B] =	sst lr;
	_ =	strace $0xD0000000  }
0x3: {  	_ = 	snop  }
0x4: {  	_ = 	snop  }
0x5: {  	_ = 	snop  }
0x6: {  	_ = 	snop  }
0x7: {  	_ = 	snop  }
__scs_overlays_trampoline_lowered:
0x8: {  	[smem:$0x3FAA] =	sst s0  }
0x9: {  	[smem:$0x3FAB] =	sst s1  }
0xa: {  	[smem:$0x3FAC] =	sst s2  }
0xb: {  	[smem:$0x3FAD] =	sst s3  }
0xc: {  	[smem:$0x3FAE] =	sst s4  }
0xd: {  	[smem:$0x3FAF] =	sst s5  }
0xe: {  	[smem:$0x3FB0] =	sst s6  }
0xf: {  	[smem:$0x3FB1] =	sst s7  }
0x10: {  	[smem:$0x3FB2] =	sst s8  }
0x11: {  	[smem:$0x3FB3] =	sst s9;
	s0 =	simm.s32 @!p0 $0x0  }
0x12: {  	s1 =	sld [smem:$0x3F99];
	s0 =	simm.s32 @p0 $0x1  }
0x13: {  	[smem:$0x3FB4] =	sst s0;
	s0 =	simm.s32 @!p1 $0x0  }
0x14: {  	s2 =	sld [smem:$0x3F98];
	s0 =	simm.s32 @p1 $0x1  }
0x15: {  	[smem:$0x3FB5] =	sst s0;
	s0 =	simm.s32 @!p2 $0x0  }
0x16: {  	s3 =	sld [smem:$0x3FDB];
	s0 =	simm.s32 @p2 $0x1  }
0x17: {  	s4 =	simm.s32 $0x1BF5;
	[smem:$0x3FB7] =	sst s0  }
0x18: {  	s0 =	sld [smem:$0x3F9A];
	_ =	swait.ge [sflag:s4], $0x0  }
0x19: {  	s7 =	sld [smem:$0x3F9B]  }
0x1a: {  	s8 =	sadd.s32 $0xFFFFE003, lr  }
0x1b: {  	s9 =	sadd.s32 $0xFFFFFEF7, lr;
	s5 =	simm.s32 $0xFFFFFFFF;
	p2 =	slt.u32 s8, $0xFFFFF086  }
0x1c: {  	p1 =	slt.u32 s9, $0xF7A;
	s5 =	simm.s32 @!p2 $0x0  }
0x1d: {  	s5 =	simm.s32 @p1 $0x1;
	p0 =	seq.s32 s7, s2  }
0x1e: {  	s7 =	smul.u32 @!p0 $0xF7A, s2;
	p2 =	seq.s32 @!p0 s5, $0x0  }
0x1f: {  	s9 =	smul.u32 $0xF7A, s1;
	s8 =	simm.s32 @!p0 $0x1BF5;
	p2 =	por !p2, p0  }
0x20: {  	[sflag:s8] =	ssyncset.s32 @!p0 $0xFFFFF086;
	s6 =	sadd.s32 @!p0 s3, s7;
	s7 =	simm.s32 @!p0 $0x108  }
0x21: {  	s3 =	sadd.s32 s3, s9;
	s6 =	sadd.s32 @!p0 $0x88, s6;
	s7 =	simm.s32 @p2 $0x1082  }
0x22: {  	[simem:s7], [sflag:s8] =	dma.local @!p0 [hbm:s6], $0xF7A  }
0x23: {  	s9 =	sor.u32 $0xD0000000, s2;
	s6 =	simm.s32 $0x108;
	_ =	swait.ge @!p0 [sflag:s8], $0x0  }
0x24: {  	s3 =	sadd.s32 $0x88, s3;
	s6 =	simm.s32 @!p1 $0x1082;
	[sflag:s4] =	ssyncset.s32 $0xFFFFF086  }
0x25: {  	[simem:s6], [sflag:s4] =	dma.local [hbm:s3], $0xF7A  }
0x26: {  	[smem:$0x3F9B] =	sst s1;
	(tag) =	ssettag s2;
	_ =	strace s9  }
0x27: {  	s1 =	sld [smem:$0x3FAB]  }
0x28: {  	s2 =	sld [smem:$0x3FAC]  }
0x29: {  	s4 =	sld [smem:$0x3FAE]  }
0x2a: {  	p0 =	seq.s32 s5, $0x0;
	s5 =	sld [smem:$0x3FAF]  }
0x2b: {  	s6 =	sld [smem:$0x3FB0]  }
0x2c: {  	s7 =	sld [smem:$0x3FB1]  }
0x2d: {  	s3 =	simm.s32 $0x108;
	s8 =	sld [smem:$0x3FB2]  }
0x2e: {  	s3 =	simm.s32 @!p0 $0x1082;
	s9 =	sld [smem:$0x3FB3]  }
0x2f: {  	lr =	sadd.s32 s0, s3;
	s0 =	sld [smem:$0x3FAA]  }
0x30: {  	s3 =	sld [smem:$0x3FAD]  }
0x31: {  	[smem:$0x3FB6] =	sst s10  }
0x32: {  	s10 =	sld [smem:$0x3FB4];
	_ =	sdelay $0x3  }
0x33: {  	p0 =	seq.s32 s10, $0x1;
	s10 =	sld [smem:$0x3FB6];
	_ =	sdelay $0x3  }
0x34: {  	[smem:$0x3FB6] =	sst s10  }
0x35: {  	s10 =	sld [smem:$0x3FB5];
	_ =	sdelay $0x3  }
0x36: {  	p1 =	seq.s32 s10, $0x1;
	s10 =	sld [smem:$0x3FB6];
	_ =	sdelay $0x3  }
0x37: {  	[smem:$0x3FB6] =	sst s10  }
0x38: {  	s10 =	sld [smem:$0x3FB7]  }
0x39: {  	_ = 	snop;
	(pc) =	sbr.ind lr, $3  }
0x3a: {  	_ = 	snop  }
0x3b: {  	_ = 	snop  }
0x3c: {  	p2 =	seq.s32 s10, $0x1;
	s10 =	sld [smem:$0x3FB6]  }
0x3d: {  	_ =	shalt  }
0x3e: {  	_ =	shalt  }
0x3f: {  	_ =	shalt  }
0x40: {  	_ =	shalt  }
0x41: {  	_ =	shalt  }
0x42: {  	_ =	shalt  }
0x43: {  	_ =	shalt  }
0x44: {  	_ =	shalt  }
0x45: {  	_ =	shalt  }
0x46: {  	_ =	shalt  }
0x47: {  	_ =	shalt  }
0x48: {  	_ =	shalt  }
0x49: {  	_ =	shalt  }
0x4a: {  	_ =	shalt  }
0x4b: {  	_ =	shalt  }
0x4c: {  	_ =	shalt  }
0x4d: {  	_ =	shalt  }
0x4e: {  	_ =	shalt  }
0x4f: {  	_ =	shalt  }
0x50: {  	_ =	shalt  }
0x51: {  	_ =	shalt  }
0x52: {  	_ =	shalt  }
0x53: {  	_ =	shalt  }
0x54: {  	_ =	shalt  }
0x55: {  	_ =	shalt  }
0x56: {  	_ =	shalt  }
0x57: {  	_ =	shalt  }
0x58: {  	_ =	shalt  }
0x59: {  	_ =	shalt  }
0x5a: {  	_ =	shalt  }
0x5b: {  	_ =	shalt  }
0x5c: {  	_ =	shalt  }
0x5d: {  	_ =	shalt  }
0x5e: {  	_ =	shalt  }
0x5f: {  	_ =	shalt  }
0x60: {  	_ =	shalt  }
0x61: {  	_ =	shalt  }
0x62: {  	_ =	shalt  }
0x63: {  	_ =	shalt  }
0x64: {  	_ =	shalt  }
0x65: {  	_ =	shalt  }
0x66: {  	_ =	shalt  }
0x67: {  	_ =	shalt  }
0x68: {  	_ =	shalt  }
0x69: {  	_ =	shalt  }
0x6a: {  	_ =	shalt  }
0x6b: {  	_ =	shalt  }
0x6c: {  	_ =	shalt  }
0x6d: {  	_ =	shalt  }
0x6e: {  	_ =	shalt  }
0x6f: {  	_ =	shalt  }
0x70: {  	_ =	shalt  }
0x71: {  	_ =	shalt  }
0x72: {  	_ =	shalt  }
0x73: {  	_ =	shalt  }
0x74: {  	_ =	shalt  }
0x75: {  	_ =	shalt  }
0x76: {  	_ =	shalt  }
0x77: {  	_ =	shalt  }
0x78: {  	_ =	shalt  }
0x79: {  	_ =	shalt  }
0x7a: {  	_ =	shalt  }
0x7b: {  	_ =	shalt  }
0x7c: {  	_ =	shalt  }
0x7d: {  	_ =	shalt  }
0x7e: {  	_ =	shalt  }
0x7f: {  	_ =	shalt  }
0x80: {  	_ =	shalt  }
0x81: {  	_ =	shalt  }
0x82: {  	_ =	shalt  }
0x83: {  	_ =	shalt  }
0x84: {  	_ =	shalt  }
0x85: {  	_ =	shalt  }
0x86: {  	_ =	shalt  }
0x87: {  	_ =	shalt  }
.Lfunc_end0:
.L_simem_size_0:
called_computation_lowered:
.L_overlay_start_0:
0x88: {  	s2 =	sld [smem:$0x3FD9]  }
0x89: {  	s3 =	sld [smem:$0x3FFE];
	_ =	sdelay $0x1  }
0x8a: {  	s1 =	srdreg.scid  }
0x8b: {  	s0 =	sand.u32 $0x1, s1  }
0x8c: {  	s17 =	sshll.u32 s0, $0xA;
	s2 =	sadd.s32 s3, s2  }
0x8d: {  	s2 =	sadd.s32 s2, s17  }
0x8e: {  	[smem:$0x3FC2] =	sst s2  }
0x8f: {  	_ = 	snop  }
0x90: {  	s2 =	sld [smem:$0x3FD0];
	(tm) =	ssettm $0x1  }
0x91: {  	s18 =	sld [smem:$0x3FFB];
	_ =	sdelay $0x3  }
0x92: {  	_ =	strace s18  }
0x93: {  	s3 =	sld [smem:$0x3FFC];
	_ =	sdelay $0x3  }
0x94: {  	_ =	strace s3  }
0x95: {  	s3 =	sld [smem:$0x3FFD];
	_ =	sdelay $0x3  }
0x96: {  	_ =	strace s3  }
0x97: {  	_ =	strace $0x8FFFFFFF  }
0x98: {  	s19 =	sld [smem:$0x3FDB];
	_ =	sdelay $0x1  }
0x99: {  	s4 =	simm.s32 $_scs_section_size  }
0x9a: {  	s5 =	simm.s32 $_size__tile_overlayer_lowered;
	s6 =	simm.s32 $_tile_overlayer_lowered  }
0x9b: {  	s22 =	simm.s32 $0x1BFF;
	s21 =	sshll.u32 s6, $0x1;
	s3 =	sadd.s32 s4, s19  }
0x9c: {  	s7 =	simm.s32 $0x0;
	s20 =	sshll.u32 s5, $0x1;
	s5 =	sadd.s32 s21, s3  }
0x9d: {  	[timem:s7], [sflag:s22] =	dma.local [hbm:s5], s20  }
0x9e: {  	_ =	swait.ge [sflag:s22], s20  }
0x9f: {  	s4 =	ssub.s32 $0x0, s20;
	[sflag:s22] =	ssyncset.done $0x0  }
0xa0: {  	[sflag:s22] =	ssyncadd.s32 s4;
	_ =	sdelay $0x1  }
0xa1: {  	s23 =	simm.s32 $0x1B8B  }
0xa2: {  	_ =	swait.ge [sflag:s23], $0x1  }
0xa3: {  	[sflag:s23] =	ssyncset.done $0x0  }
0xa4: {  	s25 =	simm.s32 $0x1B8E;
	s24 =	sld [smem:$0x3FFE];
	[sflag:s23] =	ssyncadd.s32 $0xFFFFFFFF  }
0xa5: {  	s26 =	simm.s32 $execute0_lowered;
	[smem:$0x3FD2] =	sst s25  }
0xa6: {  	s5 =	sshll.u32 s26, $0x1;
	_ =	strace $0x80000046;
	[dreg:$0x1] =	wrdreg $0xFFFFFFFF  }
0xa7: {  	s28 =	simm.s32 $_size_execute0_lowered;
	s3 =	sadd.s32 s3, s5;
	[dreg:$0x0] =	wrdreg $0x0  }
0xa8: {  	s5 =	sshll.u32 s28, $0x1;
	[dreg:$0x2] =	wrdreg s3  }
0xa9: {  	[dreg:$0x3] =	wrdreg s5  }
0xaa: {  	[dreg:$0x4] =	wrdreg $0xC0  }
0xab: {  	_ =	task [dreg:s7], $0x5FFFF  }
0xac: {  	[dreg:$0x1] =	wrdreg $0xFFFFFFFF  }
0xad: {  	[dreg:$0x0] =	wrdreg $0x60  }
0xae: {  	[dreg:$0x2] =	wrdreg s24  }
0xaf: {  	[dreg:$0x3] =	wrdreg s2  }
0xb0: {  	[dreg:$0x4] =	wrdreg $0x38000  }
0xb1: {  	[dreg:$0x5] =	wrdreg $0x9  }
0xb2: {  	_ =	task.clear_ibuf [dreg:s7], $0x6FFFF;
	_ =	strace $0x90000046  }
0xb3: {  	s29 =	simm.s32 $0x9;
	_ =	strace $0x80000048  }
0xb4: {  	_ =	swait.ge [sflag:s29], $0x1  }
0xb5: {  	[sflag:s29] =	ssyncadd.s32 $0xFFFFFFFF  }
0xb6: {  	_ =	strace $0x90000048  }
0xb7: {  	_ =	sfence  }
0xb8: {  	s30 =	sld [smem:$0x0];
	_ =	sdelay $0x2  }
0xb9: {  	s31 =	sshll.u32 s1, $0xD;
	s1 =	sshrl.u32 s1, $0x2  }
0xba: {  	s3 =	sand.u32 $0x4000, s31;
	s1 =	sadd.s32 s1, s30  }
0xbb: {  	s0 =	sor.u32 s3, s0;
	s1 =	sshll.u32 s1, $0x11  }
0xbc: {  	s0 =	sor.u32 s1, s0  }
0xbd: {  	s0 =	sadd.s32 $0x8F2B, s0  }
0xbe: {  	[sflag:s0] =	ssyncadd.remote.s32 $0x1  }
0xbf: {  	_ =	sfence.sel $0xFFFF  }
0xc0: {  	[dreg:$0x0] =	wrdreg $0xFFFFFFFF;
	(pc) =	sbr.abs _section_cstart, $3  }
0xc1: {  	[dreg:$0x1] =	wrdreg $0xFFFFFFFF  }
0xc2: {  	_ =	task.clear_ibuf [dreg:s7], $0x2FFFF;
	_ =	strace $0x9FFFFFFF  }
0xc3: {  	(tm) =	ssettm $0x7FFFFFFF  }
tec
execute0_lowered:
.L_overlay_start_1:
0x0: {  	(tag) =	ssettag $0x1  }
0x1: {  	s5 =	rddreg [dreg:$0x0]  }
0x2: {  	s10 =	rddreg [dreg:$0x1]  }
0x3: {  	s1 =	rddreg [dreg:$0x2]  }
0x4: {  	s2 =	srdreg.scid;
	s0 =	rddreg [dreg:$0x3]  }
0x5: {  	s3 =	simm.s32 $0x0;
	s6 =	sand.u32 $0x1, s2;
	s2 =	stileid.u32  }
0x6: {  	s15 =	simm.s32 $0x80;
	s18 =	simm.s32 $0x0;
	s7 =	smul.u32 $0xA000, s2  }
0x7: {  	[smem:$0x7FF] =	sst s3;
	s4 =	sshll.u32 s6, $0x4;
	s11 =	smul.u32 $0x500, s2  }
0x8: {  	_ =	strace $0x80000047;
	s9 =	ssub.s32 $0x2, s6;
	s12 =	smul.u32 $0x5000, s6  }
0x9: {  	s16 =	sshll.u32 s2, $0x6;
	s4 =	sor.u32 s2, s4;
	s31 =	sshrl.u32 s9, $0x1  }
0xa: {  	s16 =	sor.u32 $0x1C01, s16;
	s8 =	smul.u32 $0x500, s4;
	s30 =	sshrl.u32 s7, $0x2  }
0xb: {  	s14 =	ssub.s32 s9, s31;
	s11 =	sadd.s32 s11, s12;
	s12 =	simm.s32 $0x800  }
0xc: {  	s4 =	sadd.s32 s30, s1;
	s10 =	sadd.s32 s10, s11;
	s11 =	smax.u32 s14, $0x1  }
0xd: {  	s14 =	simm.s32 $0x1000;
	s13 =	sadd.s32 s8, s5;
	s5 =	sadd.s32 $0x800, s4  }
0xe: {  	s6 =	sadd.s32 $0x1000, s4;
	s7 =	sadd.s32 $0x1800, s4;
	s8 =	sadd.s32 $0x2000, s4  }
0xf: {  	v0 =	vimm.f32 $1.000000000e+00;
	v1 =	vimm.f32 $0.0e+00;
	s17 =	sshrl.u32 s4, $0x3;
	s9 =	sadd.s32 $0x4A00, s13;
	s13 =	simm.s32 $0x1  }
.LBB2_1:
0x10: {  	s19 =	simm.s32 $0x40;
	s20 =	simm.s32 $0x0  }
.LBB2_2:
0x11: {  	p0 =	sne.s32 s19, $0x1FC0;
	[tilespmem:s20+$0x0] =	vst v0;
	s21 =	smov.u32 s19;
	s19 =	sadd.s32 $0x40, s19  }
.Ltmp0:
0x12: {  	[tilespmem:s20+$0x800] =	vst v1;
	(pc) =	sbr.rel @p0 .LBB2_2-.Ltmp0, $2  }
0x13: {  	_ =	sdelay $0x2  }
0x14: {  	s20 =	sshra.s32 s21, $0x2  }
0x15: {  	[tilespmem:s20+$0x0] =	vst v0  }
0x16: {  	[tilespmem:s20+$0x800] =	vst v1  }
0x17: {  	[spmem:s4] =	stream.linear.scatter [tilespmem:s12], [sflag:$0x1], $0x800, $0x38;
	[tilespmem:$0x6000] =	vst v63  }
0x18: {  	_ =	swait.ge [sflag:s13], $0x800  }
0x19: {  	[sflag:s13] =	ssyncset.done $0x0  }
0x1a: {  	[sflag:s13] =	ssyncadd.s32 $0xFFFFF800  }
0x1b: {  	[spmem:s5] =	stream.linear.scatter [tilespmem:s12], [sflag:$0x1], $0x800, $0x38;
	[tilespmem:$0x6000] =	vst v63  }
0x1c: {  	_ =	swait.ge [sflag:s13], $0x800  }
0x1d: {  	[sflag:s13] =	ssyncset.done $0x0  }
0x1e: {  	[sflag:s13] =	ssyncadd.s32 $0xFFFFF800  }
0x1f: {  	[spmem:s6] =	stream.linear.scatter [tilespmem:s12], [sflag:$0x1], $0x800, $0x38;
	[tilespmem:$0x6000] =	vst v63  }
0x20: {  	_ =	swait.ge [sflag:s13], $0x800  }
0x21: {  	[sflag:s13] =	ssyncset.done $0x0  }
0x22: {  	[sflag:s13] =	ssyncadd.s32 $0xFFFFF800  }
0x23: {  	[spmem:s7] =	stream.linear.scatter [tilespmem:s12], [sflag:$0x1], $0x800, $0x38;
	[tilespmem:$0x6000] =	vst v63  }
0x24: {  	_ =	swait.ge [sflag:s13], $0x800  }
0x25: {  	[sflag:s13] =	ssyncset.done $0x0  }
0x26: {  	[sflag:s13] =	ssyncadd.s32 $0xFFFFF800  }
0x27: {  	[spmem:s8] =	stream.linear.scatter [tilespmem:s12], [sflag:$0x1], $0x800, $0x38;
	[tilespmem:$0x6000] =	vst v63  }
0x28: {  	_ =	swait.ge [sflag:s13], $0x800  }
0x29: {  	[sflag:s13] =	ssyncset.done $0x0  }
0x2a: {  	[sflag:s13] =	ssyncadd.s32 $0xFFFFF800  }
0x2b: {  	s19 =	simm.s32 $0x0;
	[bflag:$0x0] =	sbarrier.arrive $0xFFFF  }
0x2c: {  	[tilespmem:s14], [sflag:$0x1] =	stream.linear.gather [hbm4b:s9+s19], $0x2800, $0x38;
	[tilespmem:$0x6000] =	vst v63  }
0x2d: {  	_ =	swait.ge [sflag:s13], $0x2800  }
0x2e: {  	[sflag:s13] =	ssyncset.done $0x0  }
0x2f: {  	s31 =	simm.s32 $0x1000;
	[sflag:s13] =	ssyncadd.s32 $0xFFFFD800  }
0x30: {  	[spmem:s1] =	stream.indirect.scatter.add.f32 [tilespmem:s3], [sflag:$0x1], $0x10, s31, s15, $0xb8;
	[tilespmem:$0x6000] =	vst v63  }
0x31: {  	s19 =	simm.s32 $0x200;
	_ =	swait.ge [sflag:s13], $0x800  }
.LBB2_4:
0x32: {  	s20 =	sshra.s32 s19, $0x2;
	[sflag:s13] =	ssyncset.done $0x0;
	p0 =	sne.s32 s19, $0x9E00  }
.Ltmp1:
0x33: {  	s20 =	sadd.s32 $0x1000, s20;
	[sflag:s13] =	ssyncadd.s32 $0xFFFFF800;
	(pc) =	sbr.rel @p0 .LBB2_4-.Ltmp1, $3  }
0x34: {  	[spmem:s1] =	stream.indirect.scatter.add.f32 [tilespmem:s3], [sflag:$0x1], $0x10, s20, s15, $0xb8;
	[tilespmem:$0x6000] =	vst v63  }
0x35: {  	s19 =	sadd.s32 $0x200, s19;
	_ =	sdelay $0x1  }
0x36: {  	_ =	swait.ge [sflag:s13], $0x800  }
0x37: {  	[sflag:s13] =	ssyncset.done $0x0;
	s18 =	sadd.s32 $0x1, s18  }
0x38: {  	[sflag:s13] =	ssyncadd.s32 $0xFFFFF800;
	p0 =	sne.s32 s18, s11  }
.Ltmp2:
0x39: {  	[bflag:$0x0] =	sbarrier.arrive $0xFFFF;
	(pc) =	sbr.rel @p0 .LBB2_1-.Ltmp2, $4  }
0x3a: {  	[hbm:s10], [sflag:s16] =	dma.local [spmem:s17], $0x500  }
0x3b: {  	_ =	swait.ge [sflag:s13], $0x500  }
0x3c: {  	[sflag:s13] =	ssyncset.done $0x0  }
0x3d: {  	[sflag:s13] =	ssyncadd.s32 $0xFFFFFB00  }
0x3e: {  	_ =	sfence.sel $0x180000  }
0x3f: {  	[bflag:$0x0] =	sbarrier.arrive $0xFFFF  }
0x40: {  	p0 =	sne.s32 s2, $0x0;
	_ =	strace $0x90000047  }
0x41: {  	s0 =	sadd.s32 @!p0 $0x100000, s0;
	[bflag:$0x2] =	sbarrier.arrive $0xFFFF  }
0x42: {  	[sflag:s0] =	ssyncadd.tile.s32 @!p0 $0x1;
	_ =	shalt  }
.Lfunc_end2:
_tile_overlayer_lowered:
.L_overlay_start_2:
0x43: {  	(tag) =	ssettag $0x2  }
0x44: {  	s0 =	rddreg [dreg:$0x0];
	s2 =	stileid.u32  }
0x45: {  	s1 =	rddreg [dreg:$0x1];
	p0 =	sne.s32 s2, $0x0  }
0x46: {  	s3 =	rddreg [dreg:$0x2];
	[bflag:$0x3] =	sbarrier.arrive $0xFFFF;
	s2 =	simm.s32 @!p0 $0x1C01  }
0x47: {  	[timem:s3], [sflag:s2] =	dma.local @!p0 [hbm:s0], s1  }
0x48: {  	s0 =	simm.s32 @!p0 $0x1  }
0x49: {  	_ =	swait.ge @!p0 [sflag:s0], s1  }
0x4a: {  	s1 =	ssub.s32 @!p0 $0x0, s1;
	[sflag:s0] =	ssyncset.done @!p0 $0x0  }
0x4b: {  	[sflag:s0] =	ssyncadd.s32 @!p0 s1  }
0x4c: {  	[bflag:$0x3] =	sbarrier.arrive $0xFFFF  }
0x4d: {  	_ =	shalt  }

</sc_bundles>
